<compile_context>
chip_gen: v7x
topology: tpu7x:2x2x1
jax: 0.10.2.dev20260603
libtpu: 0.0.44.dev20260713+nightly
codegen_flags: <defaults>
</compile_context>

<pallas_src>
import functools

import jax
import jax.numpy as jnp
from jax import lax
from jax.experimental import pallas as pl
from jax.experimental.pallas import tpu as pltpu
from jax.experimental.pallas import tpu_sc as plsc

_VOCAB = 100000
_EMB = 64
_FIELD_D = 256
_HID = 128
_COMB = 64
_B = 4096
_L = 50
_TEMP = 0.5

_ROWBLK = 1024
_NBLK = 98
_NPAD = _NBLK * _ROWBLK
_PAD_ROW = _VOCAB + 1

_NC, _NS, _LANES = 2, 16, 16
_NW = _NC * _NS
_BPW = _B // _NW
_LP = 56
_CHUNKS = _BPW
_NBUF = 8


def _bdot(a, b):
    return jnp.dot(a.astype(jnp.bfloat16), b.astype(jnp.bfloat16),
                   preferred_element_type=jnp.float32)


def _transform_body(tf_in, wf, bf, tl_in, wl, bl, tf_out, tl_out):
    i = pl.program_id(0)
    row = i * _ROWBLK + lax.broadcasted_iota(jnp.int32, (_ROWBLK, 1), 0)
    valid = row <= _VOCAB
    nonzero = row != 0
    xf = jnp.where(valid, tf_in[...], 0.0)
    hf = _bdot(xf, wf[...]) + bf[...]
    tf_out[...] = jnp.where(nonzero, jnp.maximum(hf, 0.0), 0.0)
    xl = jnp.where(valid, tl_in[...], 0.0)
    hl = _bdot(xl, wl[...]) + bl[...]
    tl_out[...] = jnp.where(nonzero, jnp.maximum(hl, 0.0), 0.0)


def _transform(field_table, field_Wp, field_bp2, lang_table, lang_Wp, lang_bp2):
    return pl.pallas_call(
        _transform_body,
        grid=(_NBLK,),
        in_specs=[
            pl.BlockSpec((_ROWBLK, _FIELD_D), lambda i: (i, 0)),
            pl.BlockSpec((_FIELD_D, _HID), lambda i: (0, 0)),
            pl.BlockSpec((1, _HID), lambda i: (0, 0)),
            pl.BlockSpec((_ROWBLK, _EMB), lambda i: (i, 0)),
            pl.BlockSpec((_EMB, _HID), lambda i: (0, 0)),
            pl.BlockSpec((1, _HID), lambda i: (0, 0)),
        ],
        out_specs=[
            pl.BlockSpec((_ROWBLK, _HID), lambda i: (i, 0)),
            pl.BlockSpec((_ROWBLK, _HID), lambda i: (i, 0)),
        ],
        out_shape=[
            jax.ShapeDtypeStruct((_NPAD, _HID), jnp.float32),
            jax.ShapeDtypeStruct((_NPAD, _HID), jnp.float32),
        ],
    )(field_table, field_Wp, field_bp2, lang_table, lang_Wp, lang_bp2)


def _pool_body(tf_hbm, tl_hbm, sids_hbm, iids_hbm,
               pf_hbm, insf_hbm, pol_hbm, insl_hbm,
               ids_v, iid_v, rows_v, inst_v, out_v, *sems):
    wid = lax.axis_index("s") * _NC + lax.axis_index("c")
    base = wid * _BPW
    pltpu.sync_copy(sids_hbm.at[pl.ds(base * _LP, _BPW * _LP)], ids_v)
    pltpu.sync_copy(iids_hbm.at[pl.ds(base, _BPW)], iid_v)
    for c in range(_BPW // _LANES):
        v = iid_v[pl.ds(c * _LANES, _LANES)]
        iid_v[pl.ds(c * _LANES, _LANES)] = jnp.where(
            v == 0, jnp.full((_LANES,), _PAD_ROW, jnp.int32), v)

    for t_hbm, p_hbm, i_hbm in ((tf_hbm, pf_hbm, insf_hbm),
                                (tl_hbm, pol_hbm, insl_hbm)):
        pltpu.async_copy(t_hbm.at[iid_v], inst_v, sems[0]).wait()
        pltpu.sync_copy(inst_v, i_hbm.at[pl.ds(base, _BPW)])

        def _start(g, b):
            off = pl.multiple_of(g * _LP, _LP)
            pltpu.async_copy(
                t_hbm.at[ids_v.at[pl.ds(off, _LP)]], rows_v.at[b], sems[b])

        for b in range(_NBUF):
            pass

        def chunk_body(gg, carry):
            for b in range(_NBUF):
                g = gg * _NBUF + b

                def acc_body(l, accs):
                    return tuple(
                        accs[c] + rows_v[b, l, pl.ds(c * _LANES, _LANES)]
                        for c in range(_HID // _LANES))

                accs = lax.fori_loop(
                    0, _LP, acc_body,
                    tuple(jnp.zeros((_LANES,), jnp.float32) for _ in range(8)))
                for c in range(_HID // _LANES):
                    out_v[g, pl.ds(c * _LANES, _LANES)] = accs[c]
            return carry

        lax.fori_loop(0, _CHUNKS // _NBUF, chunk_body, 0)
        pltpu.sync_copy(out_v, p_hbm.at[pl.ds(base, _BPW)])


def _pool(Tf, Tl, sids, iids):
    mesh = plsc.VectorSubcoreMesh(
        core_axis_name="c", subcore_axis_name="s",
        num_cores=_NC, num_subcores=_NS)
    f = pl.kernel(
        _pool_body,
        out_type=[jax.ShapeDtypeStruct((_B, _HID), jnp.float32)] * 4,
        mesh=mesh,
        scratch_types=[
            pltpu.VMEM((_BPW * _LP,), jnp.int32),
            pltpu.VMEM((_BPW,), jnp.int32),
            pltpu.VMEM((_NBUF, _LP, _HID), jnp.float32),
            pltpu.VMEM((_BPW, _HID), jnp.float32),
            pltpu.VMEM((_BPW, _HID), jnp.float32),
        ] + [pltpu.SemaphoreType.DMA] * _NBUF,
    )
    return f(Tf, Tl, sids, iids)


def _scorer_body(pf, insf, pol, insl, w1f, b1f, w2f, w1l, b1l, w2l, out):
    hf = jnp.maximum(_bdot(pf[...], w1f[...]) + b1f[...], 0.0)
    h2f = jnp.maximum(_bdot(pf[...] + insf[...], w1f[...]) + b1f[...], 0.0)
    df = _bdot(h2f, w2f[...]) - _bdot(hf, w2f[...])
    hl = jnp.maximum(_bdot(pol[...], w1l[...]) + b1l[...], 0.0)
    h2l = jnp.maximum(_bdot(pol[...] + insl[...], w1l[...]) + b1l[...], 0.0)
    dl = _bdot(h2l, w2l[...]) - _bdot(hl, w2l[...])
    out[...] = jnp.concatenate([df, dl], axis=1) * (1.0 / _TEMP)


def _scorer(pf, insf, pol, insl, w1f, b1f2, w2f, w1l, b1l2, w2l):
    blk = 512
    nblk = _B // blk
    emb_spec = pl.BlockSpec((blk, _HID), lambda i: (i, 0))
    return pl.pallas_call(
        _scorer_body,
        grid=(nblk,),
        in_specs=[
            emb_spec, emb_spec, emb_spec, emb_spec,
            pl.BlockSpec((_HID, _COMB), lambda i: (0, 0)),
            pl.BlockSpec((1, _COMB), lambda i: (0, 0)),
            pl.BlockSpec((_COMB, 1), lambda i: (0, 0)),
            pl.BlockSpec((_HID, _COMB), lambda i: (0, 0)),
            pl.BlockSpec((1, _COMB), lambda i: (0, 0)),
            pl.BlockSpec((_COMB, 1), lambda i: (0, 0)),
        ],
        out_specs=pl.BlockSpec((blk, 2), lambda i: (i, 0)),
        out_shape=jax.ShapeDtypeStruct((_B, 2), jnp.float32),
    )(pf, insf, pol, insl, w1f, b1f2, w2f, w1l, b1l2, w2l)


def kernel(set_ids, inst_ids,
           field_table, field_Wp, field_bp, field_Ws1, field_bs1, field_Ws2,
           field_bs2,
           lang_table, lang_Wp, lang_bp, lang_Ws1, lang_bs1, lang_Ws2,
           lang_bs2):
    sids = jnp.pad(set_ids, ((0, 0), (0, _LP - _L))).reshape(-1)
    iids = inst_ids.reshape(-1)
    Tf, Tl = _transform(field_table, field_Wp, field_bp.reshape(1, _HID),
                        lang_table, lang_Wp, lang_bp.reshape(1, _HID))
    pf, insf, pol, insl = _pool(Tf, Tl, sids, iids)
    out2 = _scorer(pf, insf, pol, insl,
                   field_Ws1, field_bs1.reshape(1, _COMB), field_Ws2,
                   lang_Ws1, lang_bs1.reshape(1, _COMB), lang_Ws2)
    return out2.T

# --- scband reference (transcript-rebuilt; emitter-appended) ---
"""Pipeline reference for scband-joint-sspm-39307540693046 (READ-ONLY COPY).

The authoritative reference and input builder live on the scoring server;
editing this copy changes nothing except your own understanding.
"""

import jax, jax.numpy as jnp
import numpy as np

VOCAB = 100000
EMB = 64
FIELD = 4
HID = 128
COMB = 64
B = 4096
L = 50
TEMP = 0.5


def setup_inputs(seed: int = 0) -> dict:
    key = jax.random.key(seed)
    ks = jax.random.split(key, 20)
    set_ids = jax.random.randint(ks[0], (B, L), 0, VOCAB + 1)
    inst_ids = jax.random.randint(ks[1], (B, 1), 0, VOCAB + 1)
    # pretrained (frozen) embedding tables; row 0 is the padding row (zeros)
    lang_table = (jax.random.normal(ks[2], (VOCAB + 1, EMB), dtype=jnp.float32) * 0.02).at[0].set(0.0)
    field_table = (jax.random.normal(ks[3], (VOCAB + 1, EMB * FIELD), dtype=jnp.float32) * 0.02).at[0].set(0.0)

    def xavier(k, fan_in, fan_out):
        factor = np.sqrt(2.0 / (fan_in + fan_out))
        return jax.random.normal(k, (fan_in, fan_out), dtype=jnp.float32) * factor

    inp = {
        'set_ids': set_ids,
        'inst_ids': inst_ids,
        'field_table': field_table,
        'field_Wp': xavier(ks[4], EMB * FIELD, HID),
        'field_bp': jnp.zeros((HID,), jnp.float32),
        'field_Ws1': xavier(ks[5], HID, COMB),
        'field_bs1': jnp.zeros((COMB,), jnp.float32),
        'field_Ws2': xavier(ks[6], COMB, 1),
        'field_bs2': jnp.zeros((1,), jnp.float32),
        'lang_table': lang_table,
        'lang_Wp': xavier(ks[7], EMB, HID),
        'lang_bp': jnp.zeros((HID,), jnp.float32),
        'lang_Ws1': xavier(ks[8], HID, COMB),
        'lang_bs1': jnp.zeros((COMB,), jnp.float32),
        'lang_Ws2': xavier(ks[9], COMB, 1),
        'lang_bs2': jnp.zeros((1,), jnp.float32),
    }
    return inp


def _sspm_score_diff(set_ids, inst_ids, table, Wp, bp, Ws1, bs1, Ws2, bs2):
    # node_transform = node_post_embedder(node_embedder(x))
    def transform(ids):
        e = jnp.take(table, ids, axis=0)  # embedding gather
        return jax.nn.relu(e @ Wp + bp)

    def scorer(x):
        return jax.nn.relu(x @ Ws1 + bs1) @ Ws2 + bs2

    mask = (set_ids != 0).astype(jnp.float32)[..., None]
    set_embed = transform(set_ids) * mask
    set_embed = jnp.sum(set_embed, axis=1)  # node_pooler = sum over dim=1
    set_scores = scorer(set_embed)
    inst_embed = transform(inst_ids)[:, 0, :]
    set_inst_sum_scores = scorer(set_embed + inst_embed)
    score_diff = (set_inst_sum_scores - set_scores)[:, 0]
    return score_diff / TEMP


def reference(set_ids, inst_ids,
              field_table, field_Wp, field_bp, field_Ws1, field_bs1, field_Ws2, field_bs2,
              lang_table, lang_Wp, lang_bp, lang_Ws1, lang_bs1, lang_Ws2, lang_bs2):
    field_diff = _sspm_score_diff(set_ids, inst_ids, field_table,
                                  field_Wp, field_bp, field_Ws1, field_bs1, field_Ws2, field_bs2)
    lang_diff = _sspm_score_diff(set_ids, inst_ids, lang_table,
                                 lang_Wp, lang_bp, lang_Ws1, lang_bs1, lang_Ws2, lang_bs2)
    return jnp.stack([field_diff, lang_diff], axis=0)  # (2, B)

if __name__ == "__main__":
    import jax
    _d = setup_inputs()
    print(jax.jit(kernel)(*tuple(_d.values())))

</pallas_src>

<mosaic_0001>
#map = affine_map<(d0, d1) -> (0, 0)>
#map1 = affine_map<(d0, d1) -> (0)>
module attributes {stable_mosaic.version = 14 : i64} {
  func.func @_pool_body(%arg0: i32, %arg1: i32, %arg2: memref<100352x128xf32, #tpu.memory_space<hbm>>, %arg3: memref<100352x128xf32, #tpu.memory_space<hbm>>, %arg4: memref<229376xi32, #tpu.memory_space<hbm>>, %arg5: memref<4096xi32, #tpu.memory_space<hbm>>, %arg6: memref<4096x128xf32, #tpu.memory_space<hbm>>, %arg7: memref<4096x128xf32, #tpu.memory_space<hbm>>, %arg8: memref<4096x128xf32, #tpu.memory_space<hbm>>, %arg9: memref<4096x128xf32, #tpu.memory_space<hbm>>, %arg10: memref<7168xi32, #tpu.memory_space<vmem>>, %arg11: memref<128xi32, #tpu.memory_space<vmem>>, %arg12: memref<8x56x128xf32, #tpu.memory_space<vmem>>, %arg13: memref<128x128xf32, #tpu.memory_space<vmem>>, %arg14: memref<128x128xf32, #tpu.memory_space<vmem>>, %arg15: memref<!tpu.dma_semaphore, #tpu.memory_space<semaphore_mem>>, %arg16: memref<!tpu.dma_semaphore, #tpu.memory_space<semaphore_mem>>, %arg17: memref<!tpu.dma_semaphore, #tpu.memory_space<semaphore_mem>>, %arg18: memref<!tpu.dma_semaphore, #tpu.memory_space<semaphore_mem>>, %arg19: memref<!tpu.dma_semaphore, #tpu.memory_space<semaphore_mem>>, %arg20: memref<!tpu.dma_semaphore, #tpu.memory_space<semaphore_mem>>, %arg21: memref<!tpu.dma_semaphore, #tpu.memory_space<semaphore_mem>>, %arg22: memref<!tpu.dma_semaphore, #tpu.memory_space<semaphore_mem>>) attributes {dimension_semantics = [#tpu.dimension_semantics<core_parallel>, #tpu.dimension_semantics<subcore_parallel>], iteration_bounds = array<i64: 2, 16>, scalar_prefetch = 0 : i64, scratch_operands = 13 : i64, tpu.core_type = #tpu.core_type<sc_vector_subcore>, window_params = [{transform_indices = #map}, {transform_indices = #map}, {transform_indices = #map1}, {transform_indices = #map1}, {transform_indices = #map}, {transform_indices = #map}, {transform_indices = #map}, {transform_indices = #map}]} {
    %mul3A = arith.constant 2 : i32
    %mul3A_0 = arith.muli %arg1, %mul3A : i32
    %add3A = arith.addi %mul3A_0, %arg0 : i32
    %mul3A_1 = arith.constant 128 : i32
    %mul3A_2 = arith.muli %add3A, %mul3A_1 : i32
    %mul3A_3 = arith.constant 56 : i32
    %mul3A_4 = arith.muli %mul3A_2, %mul3A_3 : i32
    "tpu.region"() ({
      %run_scoped3A = tpu.sem_alloc : memref<!tpu.dma_semaphore, #tpu.memory_space<semaphore_mem>>
      %dma_start3A_125 = tpu.memref_slice %arg4[%mul3A_4] : memref<229376xi32, #tpu.memory_space<hbm>> -> memref<7168xi32, #tpu.memory_space<hbm>>
      %dma_start3A_126 = tpu.memref_slice %arg4[%mul3A_4] : memref<229376xi32, #tpu.memory_space<hbm>> -> memref<7168xi32, #tpu.memory_space<hbm>>
      tpu.enqueue_dma source(%dma_start3A_126 : memref<7168xi32, #tpu.memory_space<hbm>>) target(%arg10 : memref<7168xi32, #tpu.memory_space<vmem>>) target_semaphore(%run_scoped3A : memref<!tpu.dma_semaphore, #tpu.memory_space<semaphore_mem>>)
      %dma_wait3A_127 = tpu.memref_slice %arg4[%mul3A_4] : memref<229376xi32, #tpu.memory_space<hbm>> -> memref<7168xi32, #tpu.memory_space<hbm>>
      %dma_wait3A_128 = tpu.memref_slice %arg4[%mul3A_4] : memref<229376xi32, #tpu.memory_space<hbm>> -> memref<7168xi32, #tpu.memory_space<hbm>>
      tpu.wait_dma2 semaphore(%run_scoped3A : memref<!tpu.dma_semaphore, #tpu.memory_space<semaphore_mem>>) src(%dma_wait3A_128 : memref<7168xi32, #tpu.memory_space<hbm>>) dst(%arg10 : memref<7168xi32, #tpu.memory_space<vmem>>)
      tpu.yield
    }) : () -> ()
    "tpu.region"() ({
      %run_scoped3A = tpu.sem_alloc : memref<!tpu.dma_semaphore, #tpu.memory_space<semaphore_mem>>
      %dma_start3A_125 = tpu.memref_slice %arg5[%mul3A_2] : memref<4096xi32, #tpu.memory_space<hbm>> -> memref<128xi32, #tpu.memory_space<hbm>>
      %dma_start3A_126 = tpu.memref_slice %arg5[%mul3A_2] : memref<4096xi32, #tpu.memory_space<hbm>> -> memref<128xi32, #tpu.memory_space<hbm>>
      tpu.enqueue_dma source(%dma_start3A_126 : memref<128xi32, #tpu.memory_space<hbm>>) target(%arg11 : memref<128xi32, #tpu.memory_space<vmem>>) target_semaphore(%run_scoped3A : memref<!tpu.dma_semaphore, #tpu.memory_space<semaphore_mem>>)
      %dma_wait3A_127 = tpu.memref_slice %arg5[%mul3A_2] : memref<4096xi32, #tpu.memory_space<hbm>> -> memref<128xi32, #tpu.memory_space<hbm>>
      %dma_wait3A_128 = tpu.memref_slice %arg5[%mul3A_2] : memref<4096xi32, #tpu.memory_space<hbm>> -> memref<128xi32, #tpu.memory_space<hbm>>
      tpu.wait_dma2 semaphore(%run_scoped3A : memref<!tpu.dma_semaphore, #tpu.memory_space<semaphore_mem>>) src(%dma_wait3A_128 : memref<128xi32, #tpu.memory_space<hbm>>) dst(%arg11 : memref<128xi32, #tpu.memory_space<vmem>>)
      tpu.yield
    }) : () -> ()
    %get3A = arith.constant 0 : index
    %get3A_5 = tpu.vector_load %arg11[%get3A] {strides = array<i32>} : memref<128xi32, #tpu.memory_space<vmem>>, vector<16xi32>,
    %get3A_6 = vector.shape_cast %get3A_5 : vector<16xi32> to vector<16xi32>
    %eq3A = arith.constant 0 : i32
    %eq3A_7 = vector.broadcast %eq3A : i32 to vector<16xi32>
    %eq3A_8 = arith.cmpi eq, %get3A_6, %eq3A_7 : vector<16xi32>
    %broadcast_in_dim3A = arith.constant 100001 : i32
    %broadcast_in_dim3A_9 = vector.broadcast %broadcast_in_dim3A : i32 to vector<16xi32>
    %select_n3A = arith.select %eq3A_8, %broadcast_in_dim3A_9, %get3A_6 : vector<16xi1>, vector<16xi32>
    %swap3A = arith.constant 0 : index
    %swap3A_10 = tpu.vector_load %arg11[%swap3A] {strides = array<i32>} : memref<128xi32, #tpu.memory_space<vmem>>, vector<16xi32>,
    %swap3A_11 = vector.shape_cast %swap3A_10 : vector<16xi32> to vector<16xi32>
    %swap3A_12 = vector.shape_cast %select_n3A : vector<16xi32> to vector<16xi32>
    tpu.vector_store %arg11[%swap3A], %swap3A_12 {strides = array<i32>} : memref<128xi32, #tpu.memory_space<vmem>>, vector<16xi32>,
    %get3A_13 = arith.constant 16 : index
    %get3A_14 = tpu.vector_load %arg11[%get3A_13] {strides = array<i32>} : memref<128xi32, #tpu.memory_space<vmem>>, vector<16xi32>,
    %get3A_15 = vector.shape_cast %get3A_14 : vector<16xi32> to vector<16xi32>
    %eq3A_16 = arith.constant 0 : i32
    %eq3A_17 = vector.broadcast %eq3A_16 : i32 to vector<16xi32>
    %eq3A_18 = arith.cmpi eq, %get3A_15, %eq3A_17 : vector<16xi32>
    %broadcast_in_dim3A_19 = arith.constant 100001 : i32
    %broadcast_in_dim3A_20 = vector.broadcast %broadcast_in_dim3A_19 : i32 to vector<16xi32>
    %select_n3A_21 = arith.select %eq3A_18, %broadcast_in_dim3A_20, %get3A_15 : vector<16xi1>, vector<16xi32>
    %swap3A_22 = arith.constant 16 : index
    %swap3A_23 = tpu.vector_load %arg11[%swap3A_22] {strides = array<i32>} : memref<128xi32, #tpu.memory_space<vmem>>, vector<16xi32>,
    %swap3A_24 = vector.shape_cast %swap3A_23 : vector<16xi32> to vector<16xi32>
    %swap3A_25 = vector.shape_cast %select_n3A_21 : vector<16xi32> to vector<16xi32>
    tpu.vector_store %arg11[%swap3A_22], %swap3A_25 {strides = array<i32>} : memref<128xi32, #tpu.memory_space<vmem>>, vector<16xi32>,
    %get3A_26 = arith.constant 32 : index
    %get3A_27 = tpu.vector_load %arg11[%get3A_26] {strides = array<i32>} : memref<128xi32, #tpu.memory_space<vmem>>, vector<16xi32>,
    %get3A_28 = vector.shape_cast %get3A_27 : vector<16xi32> to vector<16xi32>
    %eq3A_29 = arith.constant 0 : i32
    %eq3A_30 = vector.broadcast %eq3A_29 : i32 to vector<16xi32>
    %eq3A_31 = arith.cmpi eq, %get3A_28, %eq3A_30 : vector<16xi32>
    %broadcast_in_dim3A_32 = arith.constant 100001 : i32
    %broadcast_in_dim3A_33 = vector.broadcast %broadcast_in_dim3A_32 : i32 to vector<16xi32>
    %select_n3A_34 = arith.select %eq3A_31, %broadcast_in_dim3A_33, %get3A_28 : vector<16xi1>, vector<16xi32>
    %swap3A_35 = arith.constant 32 : index
    %swap3A_36 = tpu.vector_load %arg11[%swap3A_35] {strides = array<i32>} : memref<128xi32, #tpu.memory_space<vmem>>, vector<16xi32>,
    %swap3A_37 = vector.shape_cast %swap3A_36 : vector<16xi32> to vector<16xi32>
    %swap3A_38 = vector.shape_cast %select_n3A_34 : vector<16xi32> to vector<16xi32>
    tpu.vector_store %arg11[%swap3A_35], %swap3A_38 {strides = array<i32>} : memref<128xi32, #tpu.memory_space<vmem>>, vector<16xi32>,
    %get3A_39 = arith.constant 48 : index
    %get3A_40 = tpu.vector_load %arg11[%get3A_39] {strides = array<i32>} : memref<128xi32, #tpu.memory_space<vmem>>, vector<16xi32>,
    %get3A_41 = vector.shape_cast %get3A_40 : vector<16xi32> to vector<16xi32>
    %eq3A_42 = arith.constant 0 : i32
    %eq3A_43 = vector.broadcast %eq3A_42 : i32 to vector<16xi32>
    %eq3A_44 = arith.cmpi eq, %get3A_41, %eq3A_43 : vector<16xi32>
    %broadcast_in_dim3A_45 = arith.constant 100001 : i32
    %broadcast_in_dim3A_46 = vector.broadcast %broadcast_in_dim3A_45 : i32 to vector<16xi32>
    %select_n3A_47 = arith.select %eq3A_44, %broadcast_in_dim3A_46, %get3A_41 : vector<16xi1>, vector<16xi32>
    %swap3A_48 = arith.constant 48 : index
    %swap3A_49 = tpu.vector_load %arg11[%swap3A_48] {strides = array<i32>} : memref<128xi32, #tpu.memory_space<vmem>>, vector<16xi32>,
    %swap3A_50 = vector.shape_cast %swap3A_49 : vector<16xi32> to vector<16xi32>
    %swap3A_51 = vector.shape_cast %select_n3A_47 : vector<16xi32> to vector<16xi32>
    tpu.vector_store %arg11[%swap3A_48], %swap3A_51 {strides = array<i32>} : memref<128xi32, #tpu.memory_space<vmem>>, vector<16xi32>,
    %get3A_52 = arith.constant 64 : index
    %get3A_53 = tpu.vector_load %arg11[%get3A_52] {strides = array<i32>} : memref<128xi32, #tpu.memory_space<vmem>>, vector<16xi32>,
    %get3A_54 = vector.shape_cast %get3A_53 : vector<16xi32> to vector<16xi32>
    %eq3A_55 = arith.constant 0 : i32
    %eq3A_56 = vector.broadcast %eq3A_55 : i32 to vector<16xi32>
    %eq3A_57 = arith.cmpi eq, %get3A_54, %eq3A_56 : vector<16xi32>
    %broadcast_in_dim3A_58 = arith.constant 100001 : i32
    %broadcast_in_dim3A_59 = vector.broadcast %broadcast_in_dim3A_58 : i32 to vector<16xi32>
    %select_n3A_60 = arith.select %eq3A_57, %broadcast_in_dim3A_59, %get3A_54 : vector<16xi1>, vector<16xi32>
    %swap3A_61 = arith.constant 64 : index
    %swap3A_62 = tpu.vector_load %arg11[%swap3A_61] {strides = array<i32>} : memref<128xi32, #tpu.memory_space<vmem>>, vector<16xi32>,
    %swap3A_63 = vector.shape_cast %swap3A_62 : vector<16xi32> to vector<16xi32>
    %swap3A_64 = vector.shape_cast %select_n3A_60 : vector<16xi32> to vector<16xi32>
    tpu.vector_store %arg11[%swap3A_61], %swap3A_64 {strides = array<i32>} : memref<128xi32, #tpu.memory_space<vmem>>, vector<16xi32>,
    %get3A_65 = arith.constant 80 : index
    %get3A_66 = tpu.vector_load %arg11[%get3A_65] {strides = array<i32>} : memref<128xi32, #tpu.memory_space<vmem>>, vector<16xi32>,
    %get3A_67 = vector.shape_cast %get3A_66 : vector<16xi32> to vector<16xi32>
    %eq3A_68 = arith.constant 0 : i32
    %eq3A_69 = vector.broadcast %eq3A_68 : i32 to vector<16xi32>
    %eq3A_70 = arith.cmpi eq, %get3A_67, %eq3A_69 : vector<16xi32>
    %broadcast_in_dim3A_71 = arith.constant 100001 : i32
    %broadcast_in_dim3A_72 = vector.broadcast %broadcast_in_dim3A_71 : i32 to vector<16xi32>
    %select_n3A_73 = arith.select %eq3A_70, %broadcast_in_dim3A_72, %get3A_67 : vector<16xi1>, vector<16xi32>
    %swap3A_74 = arith.constant 80 : index
    %swap3A_75 = tpu.vector_load %arg11[%swap3A_74] {strides = array<i32>} : memref<128xi32, #tpu.memory_space<vmem>>, vector<16xi32>,
    %swap3A_76 = vector.shape_cast %swap3A_75 : vector<16xi32> to vector<16xi32>
    %swap3A_77 = vector.shape_cast %select_n3A_73 : vector<16xi32> to vector<16xi32>
    tpu.vector_store %arg11[%swap3A_74], %swap3A_77 {strides = array<i32>} : memref<128xi32, #tpu.memory_space<vmem>>, vector<16xi32>,
    %get3A_78 = arith.constant 96 : index
    %get3A_79 = tpu.vector_load %arg11[%get3A_78] {strides = array<i32>} : memref<128xi32, #tpu.memory_space<vmem>>, vector<16xi32>,
    %get3A_80 = vector.shape_cast %get3A_79 : vector<16xi32> to vector<16xi32>
    %eq3A_81 = arith.constant 0 : i32
    %eq3A_82 = vector.broadcast %eq3A_81 : i32 to vector<16xi32>
    %eq3A_83 = arith.cmpi eq, %get3A_80, %eq3A_82 : vector<16xi32>
    %broadcast_in_dim3A_84 = arith.constant 100001 : i32
    %broadcast_in_dim3A_85 = vector.broadcast %broadcast_in_dim3A_84 : i32 to vector<16xi32>
    %select_n3A_86 = arith.select %eq3A_83, %broadcast_in_dim3A_85, %get3A_80 : vector<16xi1>, vector<16xi32>
    %swap3A_87 = arith.constant 96 : index
    %swap3A_88 = tpu.vector_load %arg11[%swap3A_87] {strides = array<i32>} : memref<128xi32, #tpu.memory_space<vmem>>, vector<16xi32>,
    %swap3A_89 = vector.shape_cast %swap3A_88 : vector<16xi32> to vector<16xi32>
    %swap3A_90 = vector.shape_cast %select_n3A_86 : vector<16xi32> to vector<16xi32>
    tpu.vector_store %arg11[%swap3A_87], %swap3A_90 {strides = array<i32>} : memref<128xi32, #tpu.memory_space<vmem>>, vector<16xi32>,
    %get3A_91 = arith.constant 112 : index
    %get3A_92 = tpu.vector_load %arg11[%get3A_91] {strides = array<i32>} : memref<128xi32, #tpu.memory_space<vmem>>, vector<16xi32>,
    %get3A_93 = vector.shape_cast %get3A_92 : vector<16xi32> to vector<16xi32>
    %eq3A_94 = arith.constant 0 : i32
    %eq3A_95 = vector.broadcast %eq3A_94 : i32 to vector<16xi32>
    %eq3A_96 = arith.cmpi eq, %get3A_93, %eq3A_95 : vector<16xi32>
    %broadcast_in_dim3A_97 = arith.constant 100001 : i32
    %broadcast_in_dim3A_98 = vector.broadcast %broadcast_in_dim3A_97 : i32 to vector<16xi32>
    %select_n3A_99 = arith.select %eq3A_96, %broadcast_in_dim3A_98, %get3A_93 : vector<16xi1>, vector<16xi32>
    %swap3A_100 = arith.constant 112 : index
    %swap3A_101 = tpu.vector_load %arg11[%swap3A_100] {strides = array<i32>} : memref<128xi32, #tpu.memory_space<vmem>>, vector<16xi32>,
    %swap3A_102 = vector.shape_cast %swap3A_101 : vector<16xi32> to vector<16xi32>
    %swap3A_103 = vector.shape_cast %select_n3A_99 : vector<16xi32> to vector<16xi32>
    tpu.vector_store %arg11[%swap3A_100], %swap3A_103 {strides = array<i32>} : memref<128xi32, #tpu.memory_space<vmem>>, vector<16xi32>,
    %dma_start3A = arith.constant 0 : i32
    %dma_start3A_104 = arith.constant 0 : i32
    %dma_start3A_105 = tpu.memref_slice %arg2[%dma_start3A, %dma_start3A_104] : memref<100352x128xf32, #tpu.memory_space<hbm>> -> memref<100352x128xf32, #tpu.memory_space<hbm>>
    tpu.enqueue_indirect_dma source(%dma_start3A_105 : memref<100352x128xf32, #tpu.memory_space<hbm>>) target(%arg13 : memref<128x128xf32, #tpu.memory_space<vmem>>) offsets(%arg11 : memref<128xi32, #tpu.memory_space<vmem>>) semaphore(%arg15 : memref<!tpu.dma_semaphore, #tpu.memory_space<semaphore_mem>>)
    %dma_wait3A = arith.constant 0 : i32
    %dma_wait3A_106 = arith.constant 0 : i32
    %dma_wait3A_107 = tpu.memref_slice %arg2[%dma_wait3A, %dma_wait3A_106] : memref<100352x128xf32, #tpu.memory_space<hbm>> -> memref<100352x128xf32, #tpu.memory_space<hbm>>
    tpu.wait_indirect_dma semaphore(%arg15 : memref<!tpu.dma_semaphore, #tpu.memory_space<semaphore_mem>>) src(%dma_wait3A_107 : memref<100352x128xf32, #tpu.memory_space<hbm>>) dst(%arg13 : memref<128x128xf32, #tpu.memory_space<vmem>>)
    "tpu.region"() ({
      %run_scoped3A = tpu.sem_alloc : memref<!tpu.dma_semaphore, #tpu.memory_space<semaphore_mem>>
      %dma_start3A_125 = arith.constant 0 : i32
      %dma_start3A_126 = tpu.memref_slice %arg7[%mul3A_2, %dma_start3A_125] : memref<4096x128xf32, #tpu.memory_space<hbm>> -> memref<128x128xf32, #tpu.memory_space<hbm>>
      %dma_start3A_127 = arith.constant 0 : i32
      %dma_start3A_128 = tpu.memref_slice %arg7[%mul3A_2, %dma_start3A_127] : memref<4096x128xf32, #tpu.memory_space<hbm>> -> memref<128x128xf32, #tpu.memory_space<hbm>>
      tpu.enqueue_dma source(%arg13 : memref<128x128xf32, #tpu.memory_space<vmem>>) target(%dma_start3A_128 : memref<128x128xf32, #tpu.memory_space<hbm>>) target_semaphore(%run_scoped3A : memref<!tpu.dma_semaphore, #tpu.memory_space<semaphore_mem>>)
      %dma_wait3A_129 = arith.constant 0 : i32
      %dma_wait3A_130 = tpu.memref_slice %arg7[%mul3A_2, %dma_wait3A_129] : memref<4096x128xf32, #tpu.memory_space<hbm>> -> memref<128x128xf32, #tpu.memory_space<hbm>>
      %dma_wait3A_131 = arith.constant 0 : i32
      %dma_wait3A_132 = tpu.memref_slice %arg7[%mul3A_2, %dma_wait3A_131] : memref<4096x128xf32, #tpu.memory_space<hbm>> -> memref<128x128xf32, #tpu.memory_space<hbm>>
      tpu.wait_dma2 semaphore(%run_scoped3A : memref<!tpu.dma_semaphore, #tpu.memory_space<semaphore_mem>>) src(%arg13 : memref<128x128xf32, #tpu.memory_space<vmem>>) dst(%dma_wait3A_132 : memref<128x128xf32, #tpu.memory_space<hbm>>)
      tpu.yield
    }) : () -> ()
    %scan3A = arith.constant 0 : i32
    %scan3A_108 = arith.constant 0 : i32
    %scan3A_109 = arith.constant 16 : i32
    %scan3A_110 = arith.addi %scan3A_108, %scan3A_109 : i32
    %scan3A_111 = arith.constant 1 : i32
    scf.for %scan3A_125 = %scan3A_108 to %scan3A_110 step %scan3A_111  : i32 {
      %mul3A_126 = arith.constant 8 : i32
      %mul3A_127 = arith.muli %scan3A_125, %mul3A_126 : i32
      %add3A_128 = arith.constant 0 : i32
      %add3A_129 = arith.addi %mul3A_127, %add3A_128 : i32
      %broadcast_in_dim3A_130 = arith.constant 0.000000e+00 : f32
      %broadcast_in_dim3A_131 = vector.broadcast %broadcast_in_dim3A_130 : f32 to vector<16xf32>
      %broadcast_in_dim3A_132 = arith.constant 0.000000e+00 : f32
      %broadcast_in_dim3A_133 = vector.broadcast %broadcast_in_dim3A_132 : f32 to vector<16xf32>
      %broadcast_in_dim3A_134 = arith.constant 0.000000e+00 : f32
      %broadcast_in_dim3A_135 = vector.broadcast %broadcast_in_dim3A_134 : f32 to vector<16xf32>
      %broadcast_in_dim3A_136 = arith.constant 0.000000e+00 : f32
      %broadcast_in_dim3A_137 = vector.broadcast %broadcast_in_dim3A_136 : f32 to vector<16xf32>
      %broadcast_in_dim3A_138 = arith.constant 0.000000e+00 : f32
      %broadcast_in_dim3A_139 = vector.broadcast %broadcast_in_dim3A_138 : f32 to vector<16xf32>
      %broadcast_in_dim3A_140 = arith.constant 0.000000e+00 : f32
      %broadcast_in_dim3A_141 = vector.broadcast %broadcast_in_dim3A_140 : f32 to vector<16xf32>
      %broadcast_in_dim3A_142 = arith.constant 0.000000e+00 : f32
      %broadcast_in_dim3A_143 = vector.broadcast %broadcast_in_dim3A_142 : f32 to vector<16xf32>
      %broadcast_in_dim3A_144 = arith.constant 0.000000e+00 : f32
      %broadcast_in_dim3A_145 = vector.broadcast %broadcast_in_dim3A_144 : f32 to vector<16xf32>
      %scan3A_146 = arith.constant 0 : i32
      %scan3A_147 = arith.constant 56 : i32
      %scan3A_148 = arith.addi %scan3A_146, %scan3A_147 : i32
      %scan3A_149 = arith.constant 1 : i32
      %scan3A_150:8 = scf.for %scan3A_654 = %scan3A_146 to %scan3A_148 step %scan3A_149 iter_args(%scan3A_655 = %broadcast_in_dim3A_131, %scan3A_656 = %broadcast_in_dim3A_133, %scan3A_657 = %broadcast_in_dim3A_135, %scan3A_658 = %broadcast_in_dim3A_137, %scan3A_659 = %broadcast_in_dim3A_139, %scan3A_660 = %broadcast_in_dim3A_141, %scan3A_661 = %broadcast_in_dim3A_143, %scan3A_662 = %broadcast_in_dim3A_145) -> (vector<16xf32>, vector<16xf32>, vector<16xf32>, vector<16xf32>, vector<16xf32>, vector<16xf32>, vector<16xf32>, vector<16xf32>)  : i32 {
        %get3A_663 = arith.constant 0 : i32
        %get3A_664 = arith.index_cast %get3A_663 : i32 to index
        %get3A_665 = arith.index_cast %scan3A_654 : i32 to index
        %get3A_666 = arith.constant 0 : index
        %get3A_667 = tpu.vector_load %arg12[%get3A_664, %get3A_665, %get3A_666] {strides = array<i32>} : memref<8x56x128xf32, #tpu.memory_space<vmem>>, vector<1x1x16xf32>,
        %get3A_668 = vector.shape_cast %get3A_667 : vector<1x1x16xf32> to vector<16xf32>
        %add3A_669 = arith.addf %scan3A_655, %get3A_668 : vector<16xf32>
        %get3A_670 = arith.constant 0 : i32
        %get3A_671 = arith.index_cast %get3A_670 : i32 to index
        %get3A_672 = arith.index_cast %scan3A_654 : i32 to index
        %get3A_673 = arith.constant 16 : index
        %get3A_674 = tpu.vector_load %arg12[%get3A_671, %get3A_672, %get3A_673] {strides = array<i32>} : memref<8x56x128xf32, #tpu.memory_space<vmem>>, vector<1x1x16xf32>,
        %get3A_675 = vector.shape_cast %get3A_674 : vector<1x1x16xf32> to vector<16xf32>
        %add3A_676 = arith.addf %scan3A_656, %get3A_675 : vector<16xf32>
        %get3A_677 = arith.constant 0 : i32
        %get3A_678 = arith.index_cast %get3A_677 : i32 to index
        %get3A_679 = arith.index_cast %scan3A_654 : i32 to index
        %get3A_680 = arith.constant 32 : index
        %get3A_681 = tpu.vector_load %arg12[%get3A_678, %get3A_679, %get3A_680] {strides = array<i32>} : memref<8x56x128xf32, #tpu.memory_space<vmem>>, vector<1x1x16xf32>,
        %get3A_682 = vector.shape_cast %get3A_681 : vector<1x1x16xf32> to vector<16xf32>
        %add3A_683 = arith.addf %scan3A_657, %get3A_682 : vector<16xf32>
        %get3A_684 = arith.constant 0 : i32
        %get3A_685 = arith.index_cast %get3A_684 : i32 to index
        %get3A_686 = arith.index_cast %scan3A_654 : i32 to index
        %get3A_687 = arith.constant 48 : index
        %get3A_688 = tpu.vector_load %arg12[%get3A_685, %get3A_686, %get3A_687] {strides = array<i32>} : memref<8x56x128xf32, #tpu.memory_space<vmem>>, vector<1x1x16xf32>,
        %get3A_689 = vector.shape_cast %get3A_688 : vector<1x1x16xf32> to vector<16xf32>
        %add3A_690 = arith.addf %scan3A_658, %get3A_689 : vector<16xf32>
        %get3A_691 = arith.constant 0 : i32
        %get3A_692 = arith.index_cast %get3A_691 : i32 to index
        %get3A_693 = arith.index_cast %scan3A_654 : i32 to index
        %get3A_694 = arith.constant 64 : index
        %get3A_695 = tpu.vector_load %arg12[%get3A_692, %get3A_693, %get3A_694] {strides = array<i32>} : memref<8x56x128xf32, #tpu.memory_space<vmem>>, vector<1x1x16xf32>,
        %get3A_696 = vector.shape_cast %get3A_695 : vector<1x1x16xf32> to vector<16xf32>
        %add3A_697 = arith.addf %scan3A_659, %get3A_696 : vector<16xf32>
        %get3A_698 = arith.constant 0 : i32
        %get3A_699 = arith.index_cast %get3A_698 : i32 to index
        %get3A_700 = arith.index_cast %scan3A_654 : i32 to index
        %get3A_701 = arith.constant 80 : index
        %get3A_702 = tpu.vector_load %arg12[%get3A_699, %get3A_700, %get3A_701] {strides = array<i32>} : memref<8x56x128xf32, #tpu.memory_space<vmem>>, vector<1x1x16xf32>,
        %get3A_703 = vector.shape_cast %get3A_702 : vector<1x1x16xf32> to vector<16xf32>
        %add3A_704 = arith.addf %scan3A_660, %get3A_703 : vector<16xf32>
        %get3A_705 = arith.constant 0 : i32
        %get3A_706 = arith.index_cast %get3A_705 : i32 to index
        %get3A_707 = arith.index_cast %scan3A_654 : i32 to index
        %get3A_708 = arith.constant 96 : index
        %get3A_709 = tpu.vector_load %arg12[%get3A_706, %get3A_707, %get3A_708] {strides = array<i32>} : memref<8x56x128xf32, #tpu.memory_space<vmem>>, vector<1x1x16xf32>,
        %get3A_710 = vector.shape_cast %get3A_709 : vector<1x1x16xf32> to vector<16xf32>
        %add3A_711 = arith.addf %scan3A_661, %get3A_710 : vector<16xf32>
        %get3A_712 = arith.constant 0 : i32
        %get3A_713 = arith.index_cast %get3A_712 : i32 to index
        %get3A_714 = arith.index_cast %scan3A_654 : i32 to index
        %get3A_715 = arith.constant 112 : index
        %get3A_716 = tpu.vector_load %arg12[%get3A_713, %get3A_714, %get3A_715] {strides = array<i32>} : memref<8x56x128xf32, #tpu.memory_space<vmem>>, vector<1x1x16xf32>,
        %get3A_717 = vector.shape_cast %get3A_716 : vector<1x1x16xf32> to vector<16xf32>
        %add3A_718 = arith.addf %scan3A_662, %get3A_717 : vector<16xf32>
        scf.yield %add3A_669, %add3A_676, %add3A_683, %add3A_690, %add3A_697, %add3A_704, %add3A_711, %add3A_718 : vector<16xf32>, vector<16xf32>, vector<16xf32>, vector<16xf32>, vector<16xf32>, vector<16xf32>, vector<16xf32>, vector<16xf32>
      }
      %scan3A_151 = arith.constant 56 : i32
      %swap3A_152 = arith.index_cast %add3A_129 : i32 to index
      %swap3A_153 = arith.constant 0 : index
      %swap3A_154 = tpu.vector_load %arg14[%swap3A_152, %swap3A_153] {strides = array<i32>} : memref<128x128xf32, #tpu.memory_space<vmem>>, vector<1x16xf32>,
      %swap3A_155 = vector.shape_cast %swap3A_154 : vector<1x16xf32> to vector<16xf32>
      %swap3A_156 = vector.shape_cast %scan3A_150#0 : vector<16xf32> to vector<1x16xf32>
      tpu.vector_store %arg14[%swap3A_152, %swap3A_153], %swap3A_156 {strides = array<i32>} : memref<128x128xf32, #tpu.memory_space<vmem>>, vector<1x16xf32>,
      %swap3A_157 = arith.index_cast %add3A_129 : i32 to index
      %swap3A_158 = arith.constant 16 : index
      %swap3A_159 = tpu.vector_load %arg14[%swap3A_157, %swap3A_158] {strides = array<i32>} : memref<128x128xf32, #tpu.memory_space<vmem>>, vector<1x16xf32>,
      %swap3A_160 = vector.shape_cast %swap3A_159 : vector<1x16xf32> to vector<16xf32>
      %swap3A_161 = vector.shape_cast %scan3A_150#1 : vector<16xf32> to vector<1x16xf32>
      tpu.vector_store %arg14[%swap3A_157, %swap3A_158], %swap3A_161 {strides = array<i32>} : memref<128x128xf32, #tpu.memory_space<vmem>>, vector<1x16xf32>,
      %swap3A_162 = arith.index_cast %add3A_129 : i32 to index
      %swap3A_163 = arith.constant 32 : index
      %swap3A_164 = tpu.vector_load %arg14[%swap3A_162, %swap3A_163] {strides = array<i32>} : memref<128x128xf32, #tpu.memory_space<vmem>>, vector<1x16xf32>,
      %swap3A_165 = vector.shape_cast %swap3A_164 : vector<1x16xf32> to vector<16xf32>
      %swap3A_166 = vector.shape_cast %scan3A_150#2 : vector<16xf32> to vector<1x16xf32>
      tpu.vector_store %arg14[%swap3A_162, %swap3A_163], %swap3A_166 {strides = array<i32>} : memref<128x128xf32, #tpu.memory_space<vmem>>, vector<1x16xf32>,
      %swap3A_167 = arith.index_cast %add3A_129 : i32 to index
      %swap3A_168 = arith.constant 48 : index
      %swap3A_169 = tpu.vector_load %arg14[%swap3A_167, %swap3A_168] {strides = array<i32>} : memref<128x128xf32, #tpu.memory_space<vmem>>, vector<1x16xf32>,
      %swap3A_170 = vector.shape_cast %swap3A_169 : vector<1x16xf32> to vector<16xf32>
      %swap3A_171 = vector.shape_cast %scan3A_150#3 : vector<16xf32> to vector<1x16xf32>
      tpu.vector_store %arg14[%swap3A_167, %swap3A_168], %swap3A_171 {strides = array<i32>} : memref<128x128xf32, #tpu.memory_space<vmem>>, vector<1x16xf32>,
      %swap3A_172 = arith.index_cast %add3A_129 : i32 to index
      %swap3A_173 = arith.constant 64 : index
      %swap3A_174 = tpu.vector_load %arg14[%swap3A_172, %swap3A_173] {strides = array<i32>} : memref<128x128xf32, #tpu.memory_space<vmem>>, vector<1x16xf32>,
      %swap3A_175 = vector.shape_cast %swap3A_174 : vector<1x16xf32> to vector<16xf32>
      %swap3A_176 = vector.shape_cast %scan3A_150#4 : vector<16xf32> to vector<1x16xf32>
      tpu.vector_store %arg14[%swap3A_172, %swap3A_173], %swap3A_176 {strides = array<i32>} : memref<128x128xf32, #tpu.memory_space<vmem>>, vector<1x16xf32>,
      %swap3A_177 = arith.index_cast %add3A_129 : i32 to index
      %swap3A_178 = arith.constant 80 : index
      %swap3A_179 = tpu.vector_load %arg14[%swap3A_177, %swap3A_178] {strides = array<i32>} : memref<128x128xf32, #tpu.memory_space<vmem>>, vector<1x16xf32>,
      %swap3A_180 = vector.shape_cast %swap3A_179 : vector<1x16xf32> to vector<16xf32>
      %swap3A_181 = vector.shape_cast %scan3A_150#5 : vector<16xf32> to vector<1x16xf32>
      tpu.vector_store %arg14[%swap3A_177, %swap3A_178], %swap3A_181 {strides = array<i32>} : memref<128x128xf32, #tpu.memory_space<vmem>>, vector<1x16xf32>,
      %swap3A_182 = arith.index_cast %add3A_129 : i32 to index
      %swap3A_183 = arith.constant 96 : index
      %swap3A_184 = tpu.vector_load %arg14[%swap3A_182, %swap3A_183] {strides = array<i32>} : memref<128x128xf32, #tpu.memory_space<vmem>>, vector<1x16xf32>,
      %swap3A_185 = vector.shape_cast %swap3A_184 : vector<1x16xf32> to vector<16xf32>
      %swap3A_186 = vector.shape_cast %scan3A_150#6 : vector<16xf32> to vector<1x16xf32>
      tpu.vector_store %arg14[%swap3A_182, %swap3A_183], %swap3A_186 {strides = array<i32>} : memref<128x128xf32, #tpu.memory_space<vmem>>, vector<1x16xf32>,
      %swap3A_187 = arith.index_cast %add3A_129 : i32 to index
      %swap3A_188 = arith.constant 112 : index
      %swap3A_189 = tpu.vector_load %arg14[%swap3A_187, %swap3A_188] {strides = array<i32>} : memref<128x128xf32, #tpu.memory_space<vmem>>, vector<1x16xf32>,
      %swap3A_190 = vector.shape_cast %swap3A_189 : vector<1x16xf32> to vector<16xf32>
      %swap3A_191 = vector.shape_cast %scan3A_150#7 : vector<16xf32> to vector<1x16xf32>
      tpu.vector_store %arg14[%swap3A_187, %swap3A_188], %swap3A_191 {strides = array<i32>} : memref<128x128xf32, #tpu.memory_space<vmem>>, vector<1x16xf32>,
      %mul3A_192 = arith.constant 8 : i32
      %mul3A_193 = arith.muli %scan3A_125, %mul3A_192 : i32
      %add3A_194 = arith.constant 1 : i32
      %add3A_195 = arith.addi %mul3A_193, %add3A_194 : i32
      %broadcast_in_dim3A_196 = arith.constant 0.000000e+00 : f32
      %broadcast_in_dim3A_197 = vector.broadcast %broadcast_in_dim3A_196 : f32 to vector<16xf32>
      %broadcast_in_dim3A_198 = arith.constant 0.000000e+00 : f32
      %broadcast_in_dim3A_199 = vector.broadcast %broadcast_in_dim3A_198 : f32 to vector<16xf32>
      %broadcast_in_dim3A_200 = arith.constant 0.000000e+00 : f32
      %broadcast_in_dim3A_201 = vector.broadcast %broadcast_in_dim3A_200 : f32 to vector<16xf32>
      %broadcast_in_dim3A_202 = arith.constant 0.000000e+00 : f32
      %broadcast_in_dim3A_203 = vector.broadcast %broadcast_in_dim3A_202 : f32 to vector<16xf32>
      %broadcast_in_dim3A_204 = arith.constant 0.000000e+00 : f32
      %broadcast_in_dim3A_205 = vector.broadcast %broadcast_in_dim3A_204 : f32 to vector<16xf32>
      %broadcast_in_dim3A_206 = arith.constant 0.000000e+00 : f32
      %broadcast_in_dim3A_207 = vector.broadcast %broadcast_in_dim3A_206 : f32 to vector<16xf32>
      %broadcast_in_dim3A_208 = arith.constant 0.000000e+00 : f32
      %broadcast_in_dim3A_209 = vector.broadcast %broadcast_in_dim3A_208 : f32 to vector<16xf32>
      %broadcast_in_dim3A_210 = arith.constant 0.000000e+00 : f32
      %broadcast_in_dim3A_211 = vector.broadcast %broadcast_in_dim3A_210 : f32 to vector<16xf32>
      %scan3A_212 = arith.constant 0 : i32
      %scan3A_213 = arith.constant 56 : i32
      %scan3A_214 = arith.addi %scan3A_212, %scan3A_213 : i32
      %scan3A_215 = arith.constant 1 : i32
      %scan3A_216:8 = scf.for %scan3A_654 = %scan3A_212 to %scan3A_214 step %scan3A_215 iter_args(%scan3A_655 = %broadcast_in_dim3A_197, %scan3A_656 = %broadcast_in_dim3A_199, %scan3A_657 = %broadcast_in_dim3A_201, %scan3A_658 = %broadcast_in_dim3A_203, %scan3A_659 = %broadcast_in_dim3A_205, %scan3A_660 = %broadcast_in_dim3A_207, %scan3A_661 = %broadcast_in_dim3A_209, %scan3A_662 = %broadcast_in_dim3A_211) -> (vector<16xf32>, vector<16xf32>, vector<16xf32>, vector<16xf32>, vector<16xf32>, vector<16xf32>, vector<16xf32>, vector<16xf32>)  : i32 {
        %get3A_663 = arith.constant 1 : i32
        %get3A_664 = arith.index_cast %get3A_663 : i32 to index
        %get3A_665 = arith.index_cast %scan3A_654 : i32 to index
        %get3A_666 = arith.constant 0 : index
        %get3A_667 = tpu.vector_load %arg12[%get3A_664, %get3A_665, %get3A_666] {strides = array<i32>} : memref<8x56x128xf32, #tpu.memory_space<vmem>>, vector<1x1x16xf32>,
        %get3A_668 = vector.shape_cast %get3A_667 : vector<1x1x16xf32> to vector<16xf32>
        %add3A_669 = arith.addf %scan3A_655, %get3A_668 : vector<16xf32>
        %get3A_670 = arith.constant 1 : i32
        %get3A_671 = arith.index_cast %get3A_670 : i32 to index
        %get3A_672 = arith.index_cast %scan3A_654 : i32 to index
        %get3A_673 = arith.constant 16 : index
        %get3A_674 = tpu.vector_load %arg12[%get3A_671, %get3A_672, %get3A_673] {strides = array<i32>} : memref<8x56x128xf32, #tpu.memory_space<vmem>>, vector<1x1x16xf32>,
        %get3A_675 = vector.shape_cast %get3A_674 : vector<1x1x16xf32> to vector<16xf32>
        %add3A_676 = arith.addf %scan3A_656, %get3A_675 : vector<16xf32>
        %get3A_677 = arith.constant 1 : i32
        %get3A_678 = arith.index_cast %get3A_677 : i32 to index
        %get3A_679 = arith.index_cast %scan3A_654 : i32 to index
        %get3A_680 = arith.constant 32 : index
        %get3A_681 = tpu.vector_load %arg12[%get3A_678, %get3A_679, %get3A_680] {strides = array<i32>} : memref<8x56x128xf32, #tpu.memory_space<vmem>>, vector<1x1x16xf32>,
        %get3A_682 = vector.shape_cast %get3A_681 : vector<1x1x16xf32> to vector<16xf32>
        %add3A_683 = arith.addf %scan3A_657, %get3A_682 : vector<16xf32>
        %get3A_684 = arith.constant 1 : i32
        %get3A_685 = arith.index_cast %get3A_684 : i32 to index
        %get3A_686 = arith.index_cast %scan3A_654 : i32 to index
        %get3A_687 = arith.constant 48 : index
        %get3A_688 = tpu.vector_load %arg12[%get3A_685, %get3A_686, %get3A_687] {strides = array<i32>} : memref<8x56x128xf32, #tpu.memory_space<vmem>>, vector<1x1x16xf32>,
        %get3A_689 = vector.shape_cast %get3A_688 : vector<1x1x16xf32> to vector<16xf32>
        %add3A_690 = arith.addf %scan3A_658, %get3A_689 : vector<16xf32>
        %get3A_691 = arith.constant 1 : i32
        %get3A_692 = arith.index_cast %get3A_691 : i32 to index
        %get3A_693 = arith.index_cast %scan3A_654 : i32 to index
        %get3A_694 = arith.constant 64 : index
        %get3A_695 = tpu.vector_load %arg12[%get3A_692, %get3A_693, %get3A_694] {strides = array<i32>} : memref<8x56x128xf32, #tpu.memory_space<vmem>>, vector<1x1x16xf32>,
        %get3A_696 = vector.shape_cast %get3A_695 : vector<1x1x16xf32> to vector<16xf32>
        %add3A_697 = arith.addf %scan3A_659, %get3A_696 : vector<16xf32>
        %get3A_698 = arith.constant 1 : i32
        %get3A_699 = arith.index_cast %get3A_698 : i32 to index
        %get3A_700 = arith.index_cast %scan3A_654 : i32 to index
        %get3A_701 = arith.constant 80 : index
        %get3A_702 = tpu.vector_load %arg12[%get3A_699, %get3A_700, %get3A_701] {strides = array<i32>} : memref<8x56x128xf32, #tpu.memory_space<vmem>>, vector<1x1x16xf32>,
        %get3A_703 = vector.shape_cast %get3A_702 : vector<1x1x16xf32> to vector<16xf32>
        %add3A_704 = arith.addf %scan3A_660, %get3A_703 : vector<16xf32>
        %get3A_705 = arith.constant 1 : i32
        %get3A_706 = arith.index_cast %get3A_705 : i32 to index
        %get3A_707 = arith.index_cast %scan3A_654 : i32 to index
        %get3A_708 = arith.constant 96 : index
        %get3A_709 = tpu.vector_load %arg12[%get3A_706, %get3A_707, %get3A_708] {strides = array<i32>} : memref<8x56x128xf32, #tpu.memory_space<vmem>>, vector<1x1x16xf32>,
        %get3A_710 = vector.shape_cast %get3A_709 : vector<1x1x16xf32> to vector<16xf32>
        %add3A_711 = arith.addf %scan3A_661, %get3A_710 : vector<16xf32>
        %get3A_712 = arith.constant 1 : i32
        %get3A_713 = arith.index_cast %get3A_712 : i32 to index
        %get3A_714 = arith.index_cast %scan3A_654 : i32 to index
        %get3A_715 = arith.constant 112 : index
        %get3A_716 = tpu.vector_load %arg12[%get3A_713, %get3A_714, %get3A_715] {strides = array<i32>} : memref<8x56x128xf32, #tpu.memory_space<vmem>>, vector<1x1x16xf32>,
        %get3A_717 = vector.shape_cast %get3A_716 : vector<1x1x16xf32> to vector<16xf32>
        %add3A_718 = arith.addf %scan3A_662, %get3A_717 : vector<16xf32>
        scf.yield %add3A_669, %add3A_676, %add3A_683, %add3A_690, %add3A_697, %add3A_704, %add3A_711, %add3A_718 : vector<16xf32>, vector<16xf32>, vector<16xf32>, vector<16xf32>, vector<16xf32>, vector<16xf32>, vector<16xf32>, vector<16xf32>
      }
      %scan3A_217 = arith.constant 56 : i32
      %swap3A_218 = arith.index_cast %add3A_195 : i32 to index
      %swap3A_219 = arith.constant 0 : index
      %swap3A_220 = tpu.vector_load %arg14[%swap3A_218, %swap3A_219] {strides = array<i32>} : memref<128x128xf32, #tpu.memory_space<vmem>>, vector<1x16xf32>,
      %swap3A_221 = vector.shape_cast %swap3A_220 : vector<1x16xf32> to vector<16xf32>
      %swap3A_222 = vector.shape_cast %scan3A_216#0 : vector<16xf32> to vector<1x16xf32>
      tpu.vector_store %arg14[%swap3A_218, %swap3A_219], %swap3A_222 {strides = array<i32>} : memref<128x128xf32, #tpu.memory_space<vmem>>, vector<1x16xf32>,
      %swap3A_223 = arith.index_cast %add3A_195 : i32 to index
      %swap3A_224 = arith.constant 16 : index
      %swap3A_225 = tpu.vector_load %arg14[%swap3A_223, %swap3A_224] {strides = array<i32>} : memref<128x128xf32, #tpu.memory_space<vmem>>, vector<1x16xf32>,
      %swap3A_226 = vector.shape_cast %swap3A_225 : vector<1x16xf32> to vector<16xf32>
      %swap3A_227 = vector.shape_cast %scan3A_216#1 : vector<16xf32> to vector<1x16xf32>
      tpu.vector_store %arg14[%swap3A_223, %swap3A_224], %swap3A_227 {strides = array<i32>} : memref<128x128xf32, #tpu.memory_space<vmem>>, vector<1x16xf32>,
      %swap3A_228 = arith.index_cast %add3A_195 : i32 to index
      %swap3A_229 = arith.constant 32 : index
      %swap3A_230 = tpu.vector_load %arg14[%swap3A_228, %swap3A_229] {strides = array<i32>} : memref<128x128xf32, #tpu.memory_space<vmem>>, vector<1x16xf32>,
      %swap3A_231 = vector.shape_cast %swap3A_230 : vector<1x16xf32> to vector<16xf32>
      %swap3A_232 = vector.shape_cast %scan3A_216#2 : vector<16xf32> to vector<1x16xf32>
      tpu.vector_store %arg14[%swap3A_228, %swap3A_229], %swap3A_232 {strides = array<i32>} : memref<128x128xf32, #tpu.memory_space<vmem>>, vector<1x16xf32>,
      %swap3A_233 = arith.index_cast %add3A_195 : i32 to index
      %swap3A_234 = arith.constant 48 : index
      %swap3A_235 = tpu.vector_load %arg14[%swap3A_233, %swap3A_234] {strides = array<i32>} : memref<128x128xf32, #tpu.memory_space<vmem>>, vector<1x16xf32>,
      %swap3A_236 = vector.shape_cast %swap3A_235 : vector<1x16xf32> to vector<16xf32>
      %swap3A_237 = vector.shape_cast %scan3A_216#3 : vector<16xf32> to vector<1x16xf32>
      tpu.vector_store %arg14[%swap3A_233, %swap3A_234], %swap3A_237 {strides = array<i32>} : memref<128x128xf32, #tpu.memory_space<vmem>>, vector<1x16xf32>,
      %swap3A_238 = arith.index_cast %add3A_195 : i32 to index
      %swap3A_239 = arith.constant 64 : index
      %swap3A_240 = tpu.vector_load %arg14[%swap3A_238, %swap3A_239] {strides = array<i32>} : memref<128x128xf32, #tpu.memory_space<vmem>>, vector<1x16xf32>,
      %swap3A_241 = vector.shape_cast %swap3A_240 : vector<1x16xf32> to vector<16xf32>
      %swap3A_242 = vector.shape_cast %scan3A_216#4 : vector<16xf32> to vector<1x16xf32>
      tpu.vector_store %arg14[%swap3A_238, %swap3A_239], %swap3A_242 {strides = array<i32>} : memref<128x128xf32, #tpu.memory_space<vmem>>, vector<1x16xf32>,
      %swap3A_243 = arith.index_cast %add3A_195 : i32 to index
      %swap3A_244 = arith.constant 80 : index
      %swap3A_245 = tpu.vector_load %arg14[%swap3A_243, %swap3A_244] {strides = array<i32>} : memref<128x128xf32, #tpu.memory_space<vmem>>, vector<1x16xf32>,
      %swap3A_246 = vector.shape_cast %swap3A_245 : vector<1x16xf32> to vector<16xf32>
      %swap3A_247 = vector.shape_cast %scan3A_216#5 : vector<16xf32> to vector<1x16xf32>
      tpu.vector_store %arg14[%swap3A_243, %swap3A_244], %swap3A_247 {strides = array<i32>} : memref<128x128xf32, #tpu.memory_space<vmem>>, vector<1x16xf32>,
      %swap3A_248 = arith.index_cast %add3A_195 : i32 to index
      %swap3A_249 = arith.constant 96 : index
      %swap3A_250 = tpu.vector_load %arg14[%swap3A_248, %swap3A_249] {strides = array<i32>} : memref<128x128xf32, #tpu.memory_space<vmem>>, vector<1x16xf32>,
      %swap3A_251 = vector.shape_cast %swap3A_250 : vector<1x16xf32> to vector<16xf32>
      %swap3A_252 = vector.shape_cast %scan3A_216#6 : vector<16xf32> to vector<1x16xf32>
      tpu.vector_store %arg14[%swap3A_248, %swap3A_249], %swap3A_252 {strides = array<i32>} : memref<128x128xf32, #tpu.memory_space<vmem>>, vector<1x16xf32>,
      %swap3A_253 = arith.index_cast %add3A_195 : i32 to index
      %swap3A_254 = arith.constant 112 : index
      %swap3A_255 = tpu.vector_load %arg14[%swap3A_253, %swap3A_254] {strides = array<i32>} : memref<128x128xf32, #tpu.memory_space<vmem>>, vector<1x16xf32>,
      %swap3A_256 = vector.shape_cast %swap3A_255 : vector<1x16xf32> to vector<16xf32>
      %swap3A_257 = vector.shape_cast %scan3A_216#7 : vector<16xf32> to vector<1x16xf32>
      tpu.vector_store %arg14[%swap3A_253, %swap3A_254], %swap3A_257 {strides = array<i32>} : memref<128x128xf32, #tpu.memory_space<vmem>>, vector<1x16xf32>,
      %mul3A_258 = arith.constant 8 : i32
      %mul3A_259 = arith.muli %scan3A_125, %mul3A_258 : i32
      %add3A_260 = arith.constant 2 : i32
      %add3A_261 = arith.addi %mul3A_259, %add3A_260 : i32
      %broadcast_in_dim3A_262 = arith.constant 0.000000e+00 : f32
      %broadcast_in_dim3A_263 = vector.broadcast %broadcast_in_dim3A_262 : f32 to vector<16xf32>
      %broadcast_in_dim3A_264 = arith.constant 0.000000e+00 : f32
      %broadcast_in_dim3A_265 = vector.broadcast %broadcast_in_dim3A_264 : f32 to vector<16xf32>
      %broadcast_in_dim3A_266 = arith.constant 0.000000e+00 : f32
      %broadcast_in_dim3A_267 = vector.broadcast %broadcast_in_dim3A_266 : f32 to vector<16xf32>
      %broadcast_in_dim3A_268 = arith.constant 0.000000e+00 : f32
      %broadcast_in_dim3A_269 = vector.broadcast %broadcast_in_dim3A_268 : f32 to vector<16xf32>
      %broadcast_in_dim3A_270 = arith.constant 0.000000e+00 : f32
      %broadcast_in_dim3A_271 = vector.broadcast %broadcast_in_dim3A_270 : f32 to vector<16xf32>
      %broadcast_in_dim3A_272 = arith.constant 0.000000e+00 : f32
      %broadcast_in_dim3A_273 = vector.broadcast %broadcast_in_dim3A_272 : f32 to vector<16xf32>
      %broadcast_in_dim3A_274 = arith.constant 0.000000e+00 : f32
      %broadcast_in_dim3A_275 = vector.broadcast %broadcast_in_dim3A_274 : f32 to vector<16xf32>
      %broadcast_in_dim3A_276 = arith.constant 0.000000e+00 : f32
      %broadcast_in_dim3A_277 = vector.broadcast %broadcast_in_dim3A_276 : f32 to vector<16xf32>
      %scan3A_278 = arith.constant 0 : i32
      %scan3A_279 = arith.constant 56 : i32
      %scan3A_280 = arith.addi %scan3A_278, %scan3A_279 : i32
      %scan3A_281 = arith.constant 1 : i32
      %scan3A_282:8 = scf.for %scan3A_654 = %scan3A_278 to %scan3A_280 step %scan3A_281 iter_args(%scan3A_655 = %broadcast_in_dim3A_263, %scan3A_656 = %broadcast_in_dim3A_265, %scan3A_657 = %broadcast_in_dim3A_267, %scan3A_658 = %broadcast_in_dim3A_269, %scan3A_659 = %broadcast_in_dim3A_271, %scan3A_660 = %broadcast_in_dim3A_273, %scan3A_661 = %broadcast_in_dim3A_275, %scan3A_662 = %broadcast_in_dim3A_277) -> (vector<16xf32>, vector<16xf32>, vector<16xf32>, vector<16xf32>, vector<16xf32>, vector<16xf32>, vector<16xf32>, vector<16xf32>)  : i32 {
        %get3A_663 = arith.constant 2 : i32
        %get3A_664 = arith.index_cast %get3A_663 : i32 to index
        %get3A_665 = arith.index_cast %scan3A_654 : i32 to index
        %get3A_666 = arith.constant 0 : index
        %get3A_667 = tpu.vector_load %arg12[%get3A_664, %get3A_665, %get3A_666] {strides = array<i32>} : memref<8x56x128xf32, #tpu.memory_space<vmem>>, vector<1x1x16xf32>,
        %get3A_668 = vector.shape_cast %get3A_667 : vector<1x1x16xf32> to vector<16xf32>
        %add3A_669 = arith.addf %scan3A_655, %get3A_668 : vector<16xf32>
        %get3A_670 = arith.constant 2 : i32
        %get3A_671 = arith.index_cast %get3A_670 : i32 to index
        %get3A_672 = arith.index_cast %scan3A_654 : i32 to index
        %get3A_673 = arith.constant 16 : index
        %get3A_674 = tpu.vector_load %arg12[%get3A_671, %get3A_672, %get3A_673] {strides = array<i32>} : memref<8x56x128xf32, #tpu.memory_space<vmem>>, vector<1x1x16xf32>,
        %get3A_675 = vector.shape_cast %get3A_674 : vector<1x1x16xf32> to vector<16xf32>
        %add3A_676 = arith.addf %scan3A_656, %get3A_675 : vector<16xf32>
        %get3A_677 = arith.constant 2 : i32
        %get3A_678 = arith.index_cast %get3A_677 : i32 to index
        %get3A_679 = arith.index_cast %scan3A_654 : i32 to index
        %get3A_680 = arith.constant 32 : index
        %get3A_681 = tpu.vector_load %arg12[%get3A_678, %get3A_679, %get3A_680] {strides = array<i32>} : memref<8x56x128xf32, #tpu.memory_space<vmem>>, vector<1x1x16xf32>,
        %get3A_682 = vector.shape_cast %get3A_681 : vector<1x1x16xf32> to vector<16xf32>
        %add3A_683 = arith.addf %scan3A_657, %get3A_682 : vector<16xf32>
        %get3A_684 = arith.constant 2 : i32
        %get3A_685 = arith.index_cast %get3A_684 : i32 to index
        %get3A_686 = arith.index_cast %scan3A_654 : i32 to index
        %get3A_687 = arith.constant 48 : index
        %get3A_688 = tpu.vector_load %arg12[%get3A_685, %get3A_686, %get3A_687] {strides = array<i32>} : memref<8x56x128xf32, #tpu.memory_space<vmem>>, vector<1x1x16xf32>,
        %get3A_689 = vector.shape_cast %get3A_688 : vector<1x1x16xf32> to vector<16xf32>
        %add3A_690 = arith.addf %scan3A_658, %get3A_689 : vector<16xf32>
        %get3A_691 = arith.constant 2 : i32
        %get3A_692 = arith.index_cast %get3A_691 : i32 to index
        %get3A_693 = arith.index_cast %scan3A_654 : i32 to index
        %get3A_694 = arith.constant 64 : index
        %get3A_695 = tpu.vector_load %arg12[%get3A_692, %get3A_693, %get3A_694] {strides = array<i32>} : memref<8x56x128xf32, #tpu.memory_space<vmem>>, vector<1x1x16xf32>,
        %get3A_696 = vector.shape_cast %get3A_695 : vector<1x1x16xf32> to vector<16xf32>
        %add3A_697 = arith.addf %scan3A_659, %get3A_696 : vector<16xf32>
        %get3A_698 = arith.constant 2 : i32
        %get3A_699 = arith.index_cast %get3A_698 : i32 to index
        %get3A_700 = arith.index_cast %scan3A_654 : i32 to index
        %get3A_701 = arith.constant 80 : index
        %get3A_702 = tpu.vector_load %arg12[%get3A_699, %get3A_700, %get3A_701] {strides = array<i32>} : memref<8x56x128xf32, #tpu.memory_space<vmem>>, vector<1x1x16xf32>,
        %get3A_703 = vector.shape_cast %get3A_702 : vector<1x1x16xf32> to vector<16xf32>
        %add3A_704 = arith.addf %scan3A_660, %get3A_703 : vector<16xf32>
        %get3A_705 = arith.constant 2 : i32
        %get3A_706 = arith.index_cast %get3A_705 : i32 to index
        %get3A_707 = arith.index_cast %scan3A_654 : i32 to index
        %get3A_708 = arith.constant 96 : index
        %get3A_709 = tpu.vector_load %arg12[%get3A_706, %get3A_707, %get3A_708] {strides = array<i32>} : memref<8x56x128xf32, #tpu.memory_space<vmem>>, vector<1x1x16xf32>,
        %get3A_710 = vector.shape_cast %get3A_709 : vector<1x1x16xf32> to vector<16xf32>
        %add3A_711 = arith.addf %scan3A_661, %get3A_710 : vector<16xf32>
        %get3A_712 = arith.constant 2 : i32
        %get3A_713 = arith.index_cast %get3A_712 : i32 to index
        %get3A_714 = arith.index_cast %scan3A_654 : i32 to index
        %get3A_715 = arith.constant 112 : index
        %get3A_716 = tpu.vector_load %arg12[%get3A_713, %get3A_714, %get3A_715] {strides = array<i32>} : memref<8x56x128xf32, #tpu.memory_space<vmem>>, vector<1x1x16xf32>,
        %get3A_717 = vector.shape_cast %get3A_716 : vector<1x1x16xf32> to vector<16xf32>
        %add3A_718 = arith.addf %scan3A_662, %get3A_717 : vector<16xf32>
        scf.yield %add3A_669, %add3A_676, %add3A_683, %add3A_690, %add3A_697, %add3A_704, %add3A_711, %add3A_718 : vector<16xf32>, vector<16xf32>, vector<16xf32>, vector<16xf32>, vector<16xf32>, vector<16xf32>, vector<16xf32>, vector<16xf32>
      }
      %scan3A_283 = arith.constant 56 : i32
      %swap3A_284 = arith.index_cast %add3A_261 : i32 to index
      %swap3A_285 = arith.constant 0 : index
      %swap3A_286 = tpu.vector_load %arg14[%swap3A_284, %swap3A_285] {strides = array<i32>} : memref<128x128xf32, #tpu.memory_space<vmem>>, vector<1x16xf32>,
      %swap3A_287 = vector.shape_cast %swap3A_286 : vector<1x16xf32> to vector<16xf32>
      %swap3A_288 = vector.shape_cast %scan3A_282#0 : vector<16xf32> to vector<1x16xf32>
      tpu.vector_store %arg14[%swap3A_284, %swap3A_285], %swap3A_288 {strides = array<i32>} : memref<128x128xf32, #tpu.memory_space<vmem>>, vector<1x16xf32>,
      %swap3A_289 = arith.index_cast %add3A_261 : i32 to index
      %swap3A_290 = arith.constant 16 : index
      %swap3A_291 = tpu.vector_load %arg14[%swap3A_289, %swap3A_290] {strides = array<i32>} : memref<128x128xf32, #tpu.memory_space<vmem>>, vector<1x16xf32>,
      %swap3A_292 = vector.shape_cast %swap3A_291 : vector<1x16xf32> to vector<16xf32>
      %swap3A_293 = vector.shape_cast %scan3A_282#1 : vector<16xf32> to vector<1x16xf32>
      tpu.vector_store %arg14[%swap3A_289, %swap3A_290], %swap3A_293 {strides = array<i32>} : memref<128x128xf32, #tpu.memory_space<vmem>>, vector<1x16xf32>,
      %swap3A_294 = arith.index_cast %add3A_261 : i32 to index
      %swap3A_295 = arith.constant 32 : index
      %swap3A_296 = tpu.vector_load %arg14[%swap3A_294, %swap3A_295] {strides = array<i32>} : memref<128x128xf32, #tpu.memory_space<vmem>>, vector<1x16xf32>,
      %swap3A_297 = vector.shape_cast %swap3A_296 : vector<1x16xf32> to vector<16xf32>
      %swap3A_298 = vector.shape_cast %scan3A_282#2 : vector<16xf32> to vector<1x16xf32>
      tpu.vector_store %arg14[%swap3A_294, %swap3A_295], %swap3A_298 {strides = array<i32>} : memref<128x128xf32, #tpu.memory_space<vmem>>, vector<1x16xf32>,
      %swap3A_299 = arith.index_cast %add3A_261 : i32 to index
      %swap3A_300 = arith.constant 48 : index
      %swap3A_301 = tpu.vector_load %arg14[%swap3A_299, %swap3A_300] {strides = array<i32>} : memref<128x128xf32, #tpu.memory_space<vmem>>, vector<1x16xf32>,
      %swap3A_302 = vector.shape_cast %swap3A_301 : vector<1x16xf32> to vector<16xf32>
      %swap3A_303 = vector.shape_cast %scan3A_282#3 : vector<16xf32> to vector<1x16xf32>
      tpu.vector_store %arg14[%swap3A_299, %swap3A_300], %swap3A_303 {strides = array<i32>} : memref<128x128xf32, #tpu.memory_space<vmem>>, vector<1x16xf32>,
      %swap3A_304 = arith.index_cast %add3A_261 : i32 to index
      %swap3A_305 = arith.constant 64 : index
      %swap3A_306 = tpu.vector_load %arg14[%swap3A_304, %swap3A_305] {strides = array<i32>} : memref<128x128xf32, #tpu.memory_space<vmem>>, vector<1x16xf32>,
      %swap3A_307 = vector.shape_cast %swap3A_306 : vector<1x16xf32> to vector<16xf32>
      %swap3A_308 = vector.shape_cast %scan3A_282#4 : vector<16xf32> to vector<1x16xf32>
      tpu.vector_store %arg14[%swap3A_304, %swap3A_305], %swap3A_308 {strides = array<i32>} : memref<128x128xf32, #tpu.memory_space<vmem>>, vector<1x16xf32>,
      %swap3A_309 = arith.index_cast %add3A_261 : i32 to index
      %swap3A_310 = arith.constant 80 : index
      %swap3A_311 = tpu.vector_load %arg14[%swap3A_309, %swap3A_310] {strides = array<i32>} : memref<128x128xf32, #tpu.memory_space<vmem>>, vector<1x16xf32>,
      %swap3A_312 = vector.shape_cast %swap3A_311 : vector<1x16xf32> to vector<16xf32>
      %swap3A_313 = vector.shape_cast %scan3A_282#5 : vector<16xf32> to vector<1x16xf32>
      tpu.vector_store %arg14[%swap3A_309, %swap3A_310], %swap3A_313 {strides = array<i32>} : memref<128x128xf32, #tpu.memory_space<vmem>>, vector<1x16xf32>,
      %swap3A_314 = arith.index_cast %add3A_261 : i32 to index
      %swap3A_315 = arith.constant 96 : index
      %swap3A_316 = tpu.vector_load %arg14[%swap3A_314, %swap3A_315] {strides = array<i32>} : memref<128x128xf32, #tpu.memory_space<vmem>>, vector<1x16xf32>,
      %swap3A_317 = vector.shape_cast %swap3A_316 : vector<1x16xf32> to vector<16xf32>
      %swap3A_318 = vector.shape_cast %scan3A_282#6 : vector<16xf32> to vector<1x16xf32>
      tpu.vector_store %arg14[%swap3A_314, %swap3A_315], %swap3A_318 {strides = array<i32>} : memref<128x128xf32, #tpu.memory_space<vmem>>, vector<1x16xf32>,
      %swap3A_319 = arith.index_cast %add3A_261 : i32 to index
      %swap3A_320 = arith.constant 112 : index
      %swap3A_321 = tpu.vector_load %arg14[%swap3A_319, %swap3A_320] {strides = array<i32>} : memref<128x128xf32, #tpu.memory_space<vmem>>, vector<1x16xf32>,
      %swap3A_322 = vector.shape_cast %swap3A_321 : vector<1x16xf32> to vector<16xf32>
      %swap3A_323 = vector.shape_cast %scan3A_282#7 : vector<16xf32> to vector<1x16xf32>
      tpu.vector_store %arg14[%swap3A_319, %swap3A_320], %swap3A_323 {strides = array<i32>} : memref<128x128xf32, #tpu.memory_space<vmem>>, vector<1x16xf32>,
      %mul3A_324 = arith.constant 8 : i32
      %mul3A_325 = arith.muli %scan3A_125, %mul3A_324 : i32
      %add3A_326 = arith.constant 3 : i32
      %add3A_327 = arith.addi %mul3A_325, %add3A_326 : i32
      %broadcast_in_dim3A_328 = arith.constant 0.000000e+00 : f32
      %broadcast_in_dim3A_329 = vector.broadcast %broadcast_in_dim3A_328 : f32 to vector<16xf32>
      %broadcast_in_dim3A_330 = arith.constant 0.000000e+00 : f32
      %broadcast_in_dim3A_331 = vector.broadcast %broadcast_in_dim3A_330 : f32 to vector<16xf32>
      %broadcast_in_dim3A_332 = arith.constant 0.000000e+00 : f32
      %broadcast_in_dim3A_333 = vector.broadcast %broadcast_in_dim3A_332 : f32 to vector<16xf32>
      %broadcast_in_dim3A_334 = arith.constant 0.000000e+00 : f32
      %broadcast_in_dim3A_335 = vector.broadcast %broadcast_in_dim3A_334 : f32 to vector<16xf32>
      %broadcast_in_dim3A_336 = arith.constant 0.000000e+00 : f32
      %broadcast_in_dim3A_337 = vector.broadcast %broadcast_in_dim3A_336 : f32 to vector<16xf32>
      %broadcast_in_dim3A_338 = arith.constant 0.000000e+00 : f32
      %broadcast_in_dim3A_339 = vector.broadcast %broadcast_in_dim3A_338 : f32 to vector<16xf32>
      %broadcast_in_dim3A_340 = arith.constant 0.000000e+00 : f32
      %broadcast_in_dim3A_341 = vector.broadcast %broadcast_in_dim3A_340 : f32 to vector<16xf32>
      %broadcast_in_dim3A_342 = arith.constant 0.000000e+00 : f32
      %broadcast_in_dim3A_343 = vector.broadcast %broadcast_in_dim3A_342 : f32 to vector<16xf32>
      %scan3A_344 = arith.constant 0 : i32
      %scan3A_345 = arith.constant 56 : i32
      %scan3A_346 = arith.addi %scan3A_344, %scan3A_345 : i32
      %scan3A_347 = arith.constant 1 : i32
      %scan3A_348:8 = scf.for %scan3A_654 = %scan3A_344 to %scan3A_346 step %scan3A_347 iter_args(%scan3A_655 = %broadcast_in_dim3A_329, %scan3A_656 = %broadcast_in_dim3A_331, %scan3A_657 = %broadcast_in_dim3A_333, %scan3A_658 = %broadcast_in_dim3A_335, %scan3A_659 = %broadcast_in_dim3A_337, %scan3A_660 = %broadcast_in_dim3A_339, %scan3A_661 = %broadcast_in_dim3A_341, %scan3A_662 = %broadcast_in_dim3A_343) -> (vector<16xf32>, vector<16xf32>, vector<16xf32>, vector<16xf32>, vector<16xf32>, vector<16xf32>, vector<16xf32>, vector<16xf32>)  : i32 {
        %get3A_663 = arith.constant 3 : i32
        %get3A_664 = arith.index_cast %get3A_663 : i32 to index
        %get3A_665 = arith.index_cast %scan3A_654 : i32 to index
        %get3A_666 = arith.constant 0 : index
        %get3A_667 = tpu.vector_load %arg12[%get3A_664, %get3A_665, %get3A_666] {strides = array<i32>} : memref<8x56x128xf32, #tpu.memory_space<vmem>>, vector<1x1x16xf32>,
        %get3A_668 = vector.shape_cast %get3A_667 : vector<1x1x16xf32> to vector<16xf32>
        %add3A_669 = arith.addf %scan3A_655, %get3A_668 : vector<16xf32>
        %get3A_670 = arith.constant 3 : i32
        %get3A_671 = arith.index_cast %get3A_670 : i32 to index
        %get3A_672 = arith.index_cast %scan3A_654 : i32 to index
        %get3A_673 = arith.constant 16 : index
        %get3A_674 = tpu.vector_load %arg12[%get3A_671, %get3A_672, %get3A_673] {strides = array<i32>} : memref<8x56x128xf32, #tpu.memory_space<vmem>>, vector<1x1x16xf32>,
        %get3A_675 = vector.shape_cast %get3A_674 : vector<1x1x16xf32> to vector<16xf32>
        %add3A_676 = arith.addf %scan3A_656, %get3A_675 : vector<16xf32>
        %get3A_677 = arith.constant 3 : i32
        %get3A_678 = arith.index_cast %get3A_677 : i32 to index
        %get3A_679 = arith.index_cast %scan3A_654 : i32 to index
        %get3A_680 = arith.constant 32 : index
        %get3A_681 = tpu.vector_load %arg12[%get3A_678, %get3A_679, %get3A_680] {strides = array<i32>} : memref<8x56x128xf32, #tpu.memory_space<vmem>>, vector<1x1x16xf32>,
        %get3A_682 = vector.shape_cast %get3A_681 : vector<1x1x16xf32> to vector<16xf32>
        %add3A_683 = arith.addf %scan3A_657, %get3A_682 : vector<16xf32>
        %get3A_684 = arith.constant 3 : i32
        %get3A_685 = arith.index_cast %get3A_684 : i32 to index
        %get3A_686 = arith.index_cast %scan3A_654 : i32 to index
        %get3A_687 = arith.constant 48 : index
        %get3A_688 = tpu.vector_load %arg12[%get3A_685, %get3A_686, %get3A_687] {strides = array<i32>} : memref<8x56x128xf32, #tpu.memory_space<vmem>>, vector<1x1x16xf32>,
        %get3A_689 = vector.shape_cast %get3A_688 : vector<1x1x16xf32> to vector<16xf32>
        %add3A_690 = arith.addf %scan3A_658, %get3A_689 : vector<16xf32>
        %get3A_691 = arith.constant 3 : i32
        %get3A_692 = arith.index_cast %get3A_691 : i32 to index
        %get3A_693 = arith.index_cast %scan3A_654 : i32 to index
        %get3A_694 = arith.constant 64 : index
        %get3A_695 = tpu.vector_load %arg12[%get3A_692, %get3A_693, %get3A_694] {strides = array<i32>} : memref<8x56x128xf32, #tpu.memory_space<vmem>>, vector<1x1x16xf32>,
        %get3A_696 = vector.shape_cast %get3A_695 : vector<1x1x16xf32> to vector<16xf32>
        %add3A_697 = arith.addf %scan3A_659, %get3A_696 : vector<16xf32>
        %get3A_698 = arith.constant 3 : i32
        %get3A_699 = arith.index_cast %get3A_698 : i32 to index
        %get3A_700 = arith.index_cast %scan3A_654 : i32 to index
        %get3A_701 = arith.constant 80 : index
        %get3A_702 = tpu.vector_load %arg12[%get3A_699, %get3A_700, %get3A_701] {strides = array<i32>} : memref<8x56x128xf32, #tpu.memory_space<vmem>>, vector<1x1x16xf32>,
        %get3A_703 = vector.shape_cast %get3A_702 : vector<1x1x16xf32> to vector<16xf32>
        %add3A_704 = arith.addf %scan3A_660, %get3A_703 : vector<16xf32>
        %get3A_705 = arith.constant 3 : i32
        %get3A_706 = arith.index_cast %get3A_705 : i32 to index
        %get3A_707 = arith.index_cast %scan3A_654 : i32 to index
        %get3A_708 = arith.constant 96 : index
        %get3A_709 = tpu.vector_load %arg12[%get3A_706, %get3A_707, %get3A_708] {strides = array<i32>} : memref<8x56x128xf32, #tpu.memory_space<vmem>>, vector<1x1x16xf32>,
        %get3A_710 = vector.shape_cast %get3A_709 : vector<1x1x16xf32> to vector<16xf32>
        %add3A_711 = arith.addf %scan3A_661, %get3A_710 : vector<16xf32>
        %get3A_712 = arith.constant 3 : i32
        %get3A_713 = arith.index_cast %get3A_712 : i32 to index
        %get3A_714 = arith.index_cast %scan3A_654 : i32 to index
        %get3A_715 = arith.constant 112 : index
        %get3A_716 = tpu.vector_load %arg12[%get3A_713, %get3A_714, %get3A_715] {strides = array<i32>} : memref<8x56x128xf32, #tpu.memory_space<vmem>>, vector<1x1x16xf32>,
        %get3A_717 = vector.shape_cast %get3A_716 : vector<1x1x16xf32> to vector<16xf32>
        %add3A_718 = arith.addf %scan3A_662, %get3A_717 : vector<16xf32>
        scf.yield %add3A_669, %add3A_676, %add3A_683, %add3A_690, %add3A_697, %add3A_704, %add3A_711, %add3A_718 : vector<16xf32>, vector<16xf32>, vector<16xf32>, vector<16xf32>, vector<16xf32>, vector<16xf32>, vector<16xf32>, vector<16xf32>
      }
      %scan3A_349 = arith.constant 56 : i32
      %swap3A_350 = arith.index_cast %add3A_327 : i32 to index
      %swap3A_351 = arith.constant 0 : index
      %swap3A_352 = tpu.vector_load %arg14[%swap3A_350, %swap3A_351] {strides = array<i32>} : memref<128x128xf32, #tpu.memory_space<vmem>>, vector<1x16xf32>,
      %swap3A_353 = vector.shape_cast %swap3A_352 : vector<1x16xf32> to vector<16xf32>
      %swap3A_354 = vector.shape_cast %scan3A_348#0 : vector<16xf32> to vector<1x16xf32>
      tpu.vector_store %arg14[%swap3A_350, %swap3A_351], %swap3A_354 {strides = array<i32>} : memref<128x128xf32, #tpu.memory_space<vmem>>, vector<1x16xf32>,
      %swap3A_355 = arith.index_cast %add3A_327 : i32 to index
      %swap3A_356 = arith.constant 16 : index
      %swap3A_357 = tpu.vector_load %arg14[%swap3A_355, %swap3A_356] {strides = array<i32>} : memref<128x128xf32, #tpu.memory_space<vmem>>, vector<1x16xf32>,
      %swap3A_358 = vector.shape_cast %swap3A_357 : vector<1x16xf32> to vector<16xf32>
      %swap3A_359 = vector.shape_cast %scan3A_348#1 : vector<16xf32> to vector<1x16xf32>
      tpu.vector_store %arg14[%swap3A_355, %swap3A_356], %swap3A_359 {strides = array<i32>} : memref<128x128xf32, #tpu.memory_space<vmem>>, vector<1x16xf32>,
      %swap3A_360 = arith.index_cast %add3A_327 : i32 to index
      %swap3A_361 = arith.constant 32 : index
      %swap3A_362 = tpu.vector_load %arg14[%swap3A_360, %swap3A_361] {strides = array<i32>} : memref<128x128xf32, #tpu.memory_space<vmem>>, vector<1x16xf32>,
      %swap3A_363 = vector.shape_cast %swap3A_362 : vector<1x16xf32> to vector<16xf32>
      %swap3A_364 = vector.shape_cast %scan3A_348#2 : vector<16xf32> to vector<1x16xf32>
      tpu.vector_store %arg14[%swap3A_360, %swap3A_361], %swap3A_364 {strides = array<i32>} : memref<128x128xf32, #tpu.memory_space<vmem>>, vector<1x16xf32>,
      %swap3A_365 = arith.index_cast %add3A_327 : i32 to index
      %swap3A_366 = arith.constant 48 : index
      %swap3A_367 = tpu.vector_load %arg14[%swap3A_365, %swap3A_366] {strides = array<i32>} : memref<128x128xf32, #tpu.memory_space<vmem>>, vector<1x16xf32>,
      %swap3A_368 = vector.shape_cast %swap3A_367 : vector<1x16xf32> to vector<16xf32>
      %swap3A_369 = vector.shape_cast %scan3A_348#3 : vector<16xf32> to vector<1x16xf32>
      tpu.vector_store %arg14[%swap3A_365, %swap3A_366], %swap3A_369 {strides = array<i32>} : memref<128x128xf32, #tpu.memory_space<vmem>>, vector<1x16xf32>,
      %swap3A_370 = arith.index_cast %add3A_327 : i32 to index
      %swap3A_371 = arith.constant 64 : index
      %swap3A_372 = tpu.vector_load %arg14[%swap3A_370, %swap3A_371] {strides = array<i32>} : memref<128x128xf32, #tpu.memory_space<vmem>>, vector<1x16xf32>,
      %swap3A_373 = vector.shape_cast %swap3A_372 : vector<1x16xf32> to vector<16xf32>
      %swap3A_374 = vector.shape_cast %scan3A_348#4 : vector<16xf32> to vector<1x16xf32>
      tpu.vector_store %arg14[%swap3A_370, %swap3A_371], %swap3A_374 {strides = array<i32>} : memref<128x128xf32, #tpu.memory_space<vmem>>, vector<1x16xf32>,
      %swap3A_375 = arith.index_cast %add3A_327 : i32 to index
      %swap3A_376 = arith.constant 80 : index
      %swap3A_377 = tpu.vector_load %arg14[%swap3A_375, %swap3A_376] {strides = array<i32>} : memref<128x128xf32, #tpu.memory_space<vmem>>, vector<1x16xf32>,
      %swap3A_378 = vector.shape_cast %swap3A_377 : vector<1x16xf32> to vector<16xf32>
      %swap3A_379 = vector.shape_cast %scan3A_348#5 : vector<16xf32> to vector<1x16xf32>
      tpu.vector_store %arg14[%swap3A_375, %swap3A_376], %swap3A_379 {strides = array<i32>} : memref<128x128xf32, #tpu.memory_space<vmem>>, vector<1x16xf32>,
      %swap3A_380 = arith.index_cast %add3A_327 : i32 to index
      %swap3A_381 = arith.constant 96 : index
      %swap3A_382 = tpu.vector_load %arg14[%swap3A_380, %swap3A_381] {strides = array<i32>} : memref<128x128xf32, #tpu.memory_space<vmem>>, vector<1x16xf32>,
      %swap3A_383 = vector.shape_cast %swap3A_382 : vector<1x16xf32> to vector<16xf32>
      %swap3A_384 = vector.shape_cast %scan3A_348#6 : vector<16xf32> to vector<1x16xf32>
      tpu.vector_store %arg14[%swap3A_380, %swap3A_381], %swap3A_384 {strides = array<i32>} : memref<128x128xf32, #tpu.memory_space<vmem>>, vector<1x16xf32>,
      %swap3A_385 = arith.index_cast %add3A_327 : i32 to index
      %swap3A_386 = arith.constant 112 : index
      %swap3A_387 = tpu.vector_load %arg14[%swap3A_385, %swap3A_386] {strides = array<i32>} : memref<128x128xf32, #tpu.memory_space<vmem>>, vector<1x16xf32>,
      %swap3A_388 = vector.shape_cast %swap3A_387 : vector<1x16xf32> to vector<16xf32>
      %swap3A_389 = vector.shape_cast %scan3A_348#7 : vector<16xf32> to vector<1x16xf32>
      tpu.vector_store %arg14[%swap3A_385, %swap3A_386], %swap3A_389 {strides = array<i32>} : memref<128x128xf32, #tpu.memory_space<vmem>>, vector<1x16xf32>,
      %mul3A_390 = arith.constant 8 : i32
      %mul3A_391 = arith.muli %scan3A_125, %mul3A_390 : i32
      %add3A_392 = arith.constant 4 : i32
      %add3A_393 = arith.addi %mul3A_391, %add3A_392 : i32
      %broadcast_in_dim3A_394 = arith.constant 0.000000e+00 : f32
      %broadcast_in_dim3A_395 = vector.broadcast %broadcast_in_dim3A_394 : f32 to vector<16xf32>
      %broadcast_in_dim3A_396 = arith.constant 0.000000e+00 : f32
      %broadcast_in_dim3A_397 = vector.broadcast %broadcast_in_dim3A_396 : f32 to vector<16xf32>
      %broadcast_in_dim3A_398 = arith.constant 0.000000e+00 : f32
      %broadcast_in_dim3A_399 = vector.broadcast %broadcast_in_dim3A_398 : f32 to vector<16xf32>
      %broadcast_in_dim3A_400 = arith.constant 0.000000e+00 : f32
      %broadcast_in_dim3A_401 = vector.broadcast %broadcast_in_dim3A_400 : f32 to vector<16xf32>
      %broadcast_in_dim3A_402 = arith.constant 0.000000e+00 : f32
      %broadcast_in_dim3A_403 = vector.broadcast %broadcast_in_dim3A_402 : f32 to vector<16xf32>
      %broadcast_in_dim3A_404 = arith.constant 0.000000e+00 : f32
      %broadcast_in_dim3A_405 = vector.broadcast %broadcast_in_dim3A_404 : f32 to vector<16xf32>
      %broadcast_in_dim3A_406 = arith.constant 0.000000e+00 : f32
      %broadcast_in_dim3A_407 = vector.broadcast %broadcast_in_dim3A_406 : f32 to vector<16xf32>
      %broadcast_in_dim3A_408 = arith.constant 0.000000e+00 : f32
      %broadcast_in_dim3A_409 = vector.broadcast %broadcast_in_dim3A_408 : f32 to vector<16xf32>
      %scan3A_410 = arith.constant 0 : i32
      %scan3A_411 = arith.constant 56 : i32
      %scan3A_412 = arith.addi %scan3A_410, %scan3A_411 : i32
      %scan3A_413 = arith.constant 1 : i32
      %scan3A_414:8 = scf.for %scan3A_654 = %scan3A_410 to %scan3A_412 step %scan3A_413 iter_args(%scan3A_655 = %broadcast_in_dim3A_395, %scan3A_656 = %broadcast_in_dim3A_397, %scan3A_657 = %broadcast_in_dim3A_399, %scan3A_658 = %broadcast_in_dim3A_401, %scan3A_659 = %broadcast_in_dim3A_403, %scan3A_660 = %broadcast_in_dim3A_405, %scan3A_661 = %broadcast_in_dim3A_407, %scan3A_662 = %broadcast_in_dim3A_409) -> (vector<16xf32>, vector<16xf32>, vector<16xf32>, vector<16xf32>, vector<16xf32>, vector<16xf32>, vector<16xf32>, vector<16xf32>)  : i32 {
        %get3A_663 = arith.constant 4 : i32
        %get3A_664 = arith.index_cast %get3A_663 : i32 to index
        %get3A_665 = arith.index_cast %scan3A_654 : i32 to index
        %get3A_666 = arith.constant 0 : index
        %get3A_667 = tpu.vector_load %arg12[%get3A_664, %get3A_665, %get3A_666] {strides = array<i32>} : memref<8x56x128xf32, #tpu.memory_space<vmem>>, vector<1x1x16xf32>,
        %get3A_668 = vector.shape_cast %get3A_667 : vector<1x1x16xf32> to vector<16xf32>
        %add3A_669 = arith.addf %scan3A_655, %get3A_668 : vector<16xf32>
        %get3A_670 = arith.constant 4 : i32
        %get3A_671 = arith.index_cast %get3A_670 : i32 to index
        %get3A_672 = arith.index_cast %scan3A_654 : i32 to index
        %get3A_673 = arith.constant 16 : index
        %get3A_674 = tpu.vector_load %arg12[%get3A_671, %get3A_672, %get3A_673] {strides = array<i32>} : memref<8x56x128xf32, #tpu.memory_space<vmem>>, vector<1x1x16xf32>,
        %get3A_675 = vector.shape_cast %get3A_674 : vector<1x1x16xf32> to vector<16xf32>
        %add3A_676 = arith.addf %scan3A_656, %get3A_675 : vector<16xf32>
        %get3A_677 = arith.constant 4 : i32
        %get3A_678 = arith.index_cast %get3A_677 : i32 to index
        %get3A_679 = arith.index_cast %scan3A_654 : i32 to index
        %get3A_680 = arith.constant 32 : index
        %get3A_681 = tpu.vector_load %arg12[%get3A_678, %get3A_679, %get3A_680] {strides = array<i32>} : memref<8x56x128xf32, #tpu.memory_space<vmem>>, vector<1x1x16xf32>,
        %get3A_682 = vector.shape_cast %get3A_681 : vector<1x1x16xf32> to vector<16xf32>
        %add3A_683 = arith.addf %scan3A_657, %get3A_682 : vector<16xf32>
        %get3A_684 = arith.constant 4 : i32
        %get3A_685 = arith.index_cast %get3A_684 : i32 to index
        %get3A_686 = arith.index_cast %scan3A_654 : i32 to index
        %get3A_687 = arith.constant 48 : index
        %get3A_688 = tpu.vector_load %arg12[%get3A_685, %get3A_686, %get3A_687] {strides = array<i32>} : memref<8x56x128xf32, #tpu.memory_space<vmem>>, vector<1x1x16xf32>,
        %get3A_689 = vector.shape_cast %get3A_688 : vector<1x1x16xf32> to vector<16xf32>
        %add3A_690 = arith.addf %scan3A_658, %get3A_689 : vector<16xf32>
        %get3A_691 = arith.constant 4 : i32
        %get3A_692 = arith.index_cast %get3A_691 : i32 to index
        %get3A_693 = arith.index_cast %scan3A_654 : i32 to index
        %get3A_694 = arith.constant 64 : index
        %get3A_695 = tpu.vector_load %arg12[%get3A_692, %get3A_693, %get3A_694] {strides = array<i32>} : memref<8x56x128xf32, #tpu.memory_space<vmem>>, vector<1x1x16xf32>,
        %get3A_696 = vector.shape_cast %get3A_695 : vector<1x1x16xf32> to vector<16xf32>
        %add3A_697 = arith.addf %scan3A_659, %get3A_696 : vector<16xf32>
        %get3A_698 = arith.constant 4 : i32
        %get3A_699 = arith.index_cast %get3A_698 : i32 to index
        %get3A_700 = arith.index_cast %scan3A_654 : i32 to index
        %get3A_701 = arith.constant 80 : index
        %get3A_702 = tpu.vector_load %arg12[%get3A_699, %get3A_700, %get3A_701] {strides = array<i32>} : memref<8x56x128xf32, #tpu.memory_space<vmem>>, vector<1x1x16xf32>,
        %get3A_703 = vector.shape_cast %get3A_702 : vector<1x1x16xf32> to vector<16xf32>
        %add3A_704 = arith.addf %scan3A_660, %get3A_703 : vector<16xf32>
        %get3A_705 = arith.constant 4 : i32
        %get3A_706 = arith.index_cast %get3A_705 : i32 to index
        %get3A_707 = arith.index_cast %scan3A_654 : i32 to index
        %get3A_708 = arith.constant 96 : index
        %get3A_709 = tpu.vector_load %arg12[%get3A_706, %get3A_707, %get3A_708] {strides = array<i32>} : memref<8x56x128xf32, #tpu.memory_space<vmem>>, vector<1x1x16xf32>,
        %get3A_710 = vector.shape_cast %get3A_709 : vector<1x1x16xf32> to vector<16xf32>
        %add3A_711 = arith.addf %scan3A_661, %get3A_710 : vector<16xf32>
        %get3A_712 = arith.constant 4 : i32
        %get3A_713 = arith.index_cast %get3A_712 : i32 to index
        %get3A_714 = arith.index_cast %scan3A_654 : i32 to index
        %get3A_715 = arith.constant 112 : index
        %get3A_716 = tpu.vector_load %arg12[%get3A_713, %get3A_714, %get3A_715] {strides = array<i32>} : memref<8x56x128xf32, #tpu.memory_space<vmem>>, vector<1x1x16xf32>,
        %get3A_717 = vector.shape_cast %get3A_716 : vector<1x1x16xf32> to vector<16xf32>
        %add3A_718 = arith.addf %scan3A_662, %get3A_717 : vector<16xf32>
        scf.yield %add3A_669, %add3A_676, %add3A_683, %add3A_690, %add3A_697, %add3A_704, %add3A_711, %add3A_718 : vector<16xf32>, vector<16xf32>, vector<16xf32>, vector<16xf32>, vector<16xf32>, vector<16xf32>, vector<16xf32>, vector<16xf32>
      }
      %scan3A_415 = arith.constant 56 : i32
      %swap3A_416 = arith.index_cast %add3A_393 : i32 to index
      %swap3A_417 = arith.constant 0 : index
      %swap3A_418 = tpu.vector_load %arg14[%swap3A_416, %swap3A_417] {strides = array<i32>} : memref<128x128xf32, #tpu.memory_space<vmem>>, vector<1x16xf32>,
      %swap3A_419 = vector.shape_cast %swap3A_418 : vector<1x16xf32> to vector<16xf32>
      %swap3A_420 = vector.shape_cast %scan3A_414#0 : vector<16xf32> to vector<1x16xf32>
      tpu.vector_store %arg14[%swap3A_416, %swap3A_417], %swap3A_420 {strides = array<i32>} : memref<128x128xf32, #tpu.memory_space<vmem>>, vector<1x16xf32>,
      %swap3A_421 = arith.index_cast %add3A_393 : i32 to index
      %swap3A_422 = arith.constant 16 : index
      %swap3A_423 = tpu.vector_load %arg14[%swap3A_421, %swap3A_422] {strides = array<i32>} : memref<128x128xf32, #tpu.memory_space<vmem>>, vector<1x16xf32>,
      %swap3A_424 = vector.shape_cast %swap3A_423 : vector<1x16xf32> to vector<16xf32>
      %swap3A_425 = vector.shape_cast %scan3A_414#1 : vector<16xf32> to vector<1x16xf32>
      tpu.vector_store %arg14[%swap3A_421, %swap3A_422], %swap3A_425 {strides = array<i32>} : memref<128x128xf32, #tpu.memory_space<vmem>>, vector<1x16xf32>,
      %swap3A_426 = arith.index_cast %add3A_393 : i32 to index
      %swap3A_427 = arith.constant 32 : index
      %swap3A_428 = tpu.vector_load %arg14[%swap3A_426, %swap3A_427] {strides = array<i32>} : memref<128x128xf32, #tpu.memory_space<vmem>>, vector<1x16xf32>,
      %swap3A_429 = vector.shape_cast %swap3A_428 : vector<1x16xf32> to vector<16xf32>
      %swap3A_430 = vector.shape_cast %scan3A_414#2 : vector<16xf32> to vector<1x16xf32>
      tpu.vector_store %arg14[%swap3A_426, %swap3A_427], %swap3A_430 {strides = array<i32>} : memref<128x128xf32, #tpu.memory_space<vmem>>, vector<1x16xf32>,
      %swap3A_431 = arith.index_cast %add3A_393 : i32 to index
      %swap3A_432 = arith.constant 48 : index
      %swap3A_433 = tpu.vector_load %arg14[%swap3A_431, %swap3A_432] {strides = array<i32>} : memref<128x128xf32, #tpu.memory_space<vmem>>, vector<1x16xf32>,
      %swap3A_434 = vector.shape_cast %swap3A_433 : vector<1x16xf32> to vector<16xf32>
      %swap3A_435 = vector.shape_cast %scan3A_414#3 : vector<16xf32> to vector<1x16xf32>
      tpu.vector_store %arg14[%swap3A_431, %swap3A_432], %swap3A_435 {strides = array<i32>} : memref<128x128xf32, #tpu.memory_space<vmem>>, vector<1x16xf32>,
      %swap3A_436 = arith.index_cast %add3A_393 : i32 to index
      %swap3A_437 = arith.constant 64 : index
      %swap3A_438 = tpu.vector_load %arg14[%swap3A_436, %swap3A_437] {strides = array<i32>} : memref<128x128xf32, #tpu.memory_space<vmem>>, vector<1x16xf32>,
      %swap3A_439 = vector.shape_cast %swap3A_438 : vector<1x16xf32> to vector<16xf32>
      %swap3A_440 = vector.shape_cast %scan3A_414#4 : vector<16xf32> to vector<1x16xf32>
      tpu.vector_store %arg14[%swap3A_436, %swap3A_437], %swap3A_440 {strides = array<i32>} : memref<128x128xf32, #tpu.memory_space<vmem>>, vector<1x16xf32>,
      %swap3A_441 = arith.index_cast %add3A_393 : i32 to index
      %swap3A_442 = arith.constant 80 : index
      %swap3A_443 = tpu.vector_load %arg14[%swap3A_441, %swap3A_442] {strides = array<i32>} : memref<128x128xf32, #tpu.memory_space<vmem>>, vector<1x16xf32>,
      %swap3A_444 = vector.shape_cast %swap3A_443 : vector<1x16xf32> to vector<16xf32>
      %swap3A_445 = vector.shape_cast %scan3A_414#5 : vector<16xf32> to vector<1x16xf32>
      tpu.vector_store %arg14[%swap3A_441, %swap3A_442], %swap3A_445 {strides = array<i32>} : memref<128x128xf32, #tpu.memory_space<vmem>>, vector<1x16xf32>,
      %swap3A_446 = arith.index_cast %add3A_393 : i32 to index
      %swap3A_447 = arith.constant 96 : index
      %swap3A_448 = tpu.vector_load %arg14[%swap3A_446, %swap3A_447] {strides = array<i32>} : memref<128x128xf32, #tpu.memory_space<vmem>>, vector<1x16xf32>,
      %swap3A_449 = vector.shape_cast %swap3A_448 : vector<1x16xf32> to vector<16xf32>
      %swap3A_450 = vector.shape_cast %scan3A_414#6 : vector<16xf32> to vector<1x16xf32>
      tpu.vector_store %arg14[%swap3A_446, %swap3A_447], %swap3A_450 {strides = array<i32>} : memref<128x128xf32, #tpu.memory_space<vmem>>, vector<1x16xf32>,
      %swap3A_451 = arith.index_cast %add3A_393 : i32 to index
      %swap3A_452 = arith.constant 112 : index
      %swap3A_453 = tpu.vector_load %arg14[%swap3A_451, %swap3A_452] {strides = array<i32>} : memref<128x128xf32, #tpu.memory_space<vmem>>, vector<1x16xf32>,
      %swap3A_454 = vector.shape_cast %swap3A_453 : vector<1x16xf32> to vector<16xf32>
      %swap3A_455 = vector.shape_cast %scan3A_414#7 : vector<16xf32> to vector<1x16xf32>
      tpu.vector_store %arg14[%swap3A_451, %swap3A_452], %swap3A_455 {strides = array<i32>} : memref<128x128xf32, #tpu.memory_space<vmem>>, vector<1x16xf32>,
      %mul3A_456 = arith.constant 8 : i32
      %mul3A_457 = arith.muli %scan3A_125, %mul3A_456 : i32
      %add3A_458 = arith.constant 5 : i32
      %add3A_459 = arith.addi %mul3A_457, %add3A_458 : i32
      %broadcast_in_dim3A_460 = arith.constant 0.000000e+00 : f32
      %broadcast_in_dim3A_461 = vector.broadcast %broadcast_in_dim3A_460 : f32 to vector<16xf32>
      %broadcast_in_dim3A_462 = arith.constant 0.000000e+00 : f32
      %broadcast_in_dim3A_463 = vector.broadcast %broadcast_in_dim3A_462 : f32 to vector<16xf32>
      %broadcast_in_dim3A_464 = arith.constant 0.000000e+00 : f32
      %broadcast_in_dim3A_465 = vector.broadcast %broadcast_in_dim3A_464 : f32 to vector<16xf32>
      %broadcast_in_dim3A_466 = arith.constant 0.000000e+00 : f32
      %broadcast_in_dim3A_467 = vector.broadcast %broadcast_in_dim3A_466 : f32 to vector<16xf32>
      %broadcast_in_dim3A_468 = arith.constant 0.000000e+00 : f32
      %broadcast_in_dim3A_469 = vector.broadcast %broadcast_in_dim3A_468 : f32 to vector<16xf32>
      %broadcast_in_dim3A_470 = arith.constant 0.000000e+00 : f32
      %broadcast_in_dim3A_471 = vector.broadcast %broadcast_in_dim3A_470 : f32 to vector<16xf32>
      %broadcast_in_dim3A_472 = arith.constant 0.000000e+00 : f32
      %broadcast_in_dim3A_473 = vector.broadcast %broadcast_in_dim3A_472 : f32 to vector<16xf32>
      %broadcast_in_dim3A_474 = arith.constant 0.000000e+00 : f32
      %broadcast_in_dim3A_475 = vector.broadcast %broadcast_in_dim3A_474 : f32 to vector<16xf32>
      %scan3A_476 = arith.constant 0 : i32
      %scan3A_477 = arith.constant 56 : i32
      %scan3A_478 = arith.addi %scan3A_476, %scan3A_477 : i32
      %scan3A_479 = arith.constant 1 : i32
      %scan3A_480:8 = scf.for %scan3A_654 = %scan3A_476 to %scan3A_478 step %scan3A_479 iter_args(%scan3A_655 = %broadcast_in_dim3A_461, %scan3A_656 = %broadcast_in_dim3A_463, %scan3A_657 = %broadcast_in_dim3A_465, %scan3A_658 = %broadcast_in_dim3A_467, %scan3A_659 = %broadcast_in_dim3A_469, %scan3A_660 = %broadcast_in_dim3A_471, %scan3A_661 = %broadcast_in_dim3A_473, %scan3A_662 = %broadcast_in_dim3A_475) -> (vector<16xf32>, vector<16xf32>, vector<16xf32>, vector<16xf32>, vector<16xf32>, vector<16xf32>, vector<16xf32>, vector<16xf32>)  : i32 {
        %get3A_663 = arith.constant 5 : i32
        %get3A_664 = arith.index_cast %get3A_663 : i32 to index
        %get3A_665 = arith.index_cast %scan3A_654 : i32 to index
        %get3A_666 = arith.constant 0 : index
        %get3A_667 = tpu.vector_load %arg12[%get3A_664, %get3A_665, %get3A_666] {strides = array<i32>} : memref<8x56x128xf32, #tpu.memory_space<vmem>>, vector<1x1x16xf32>,
        %get3A_668 = vector.shape_cast %get3A_667 : vector<1x1x16xf32> to vector<16xf32>
        %add3A_669 = arith.addf %scan3A_655, %get3A_668 : vector<16xf32>
        %get3A_670 = arith.constant 5 : i32
        %get3A_671 = arith.index_cast %get3A_670 : i32 to index
        %get3A_672 = arith.index_cast %scan3A_654 : i32 to index
        %get3A_673 = arith.constant 16 : index
        %get3A_674 = tpu.vector_load %arg12[%get3A_671, %get3A_672, %get3A_673] {strides = array<i32>} : memref<8x56x128xf32, #tpu.memory_space<vmem>>, vector<1x1x16xf32>,
        %get3A_675 = vector.shape_cast %get3A_674 : vector<1x1x16xf32> to vector<16xf32>
        %add3A_676 = arith.addf %scan3A_656, %get3A_675 : vector<16xf32>
        %get3A_677 = arith.constant 5 : i32
        %get3A_678 = arith.index_cast %get3A_677 : i32 to index
        %get3A_679 = arith.index_cast %scan3A_654 : i32 to index
        %get3A_680 = arith.constant 32 : index
        %get3A_681 = tpu.vector_load %arg12[%get3A_678, %get3A_679, %get3A_680] {strides = array<i32>} : memref<8x56x128xf32, #tpu.memory_space<vmem>>, vector<1x1x16xf32>,
        %get3A_682 = vector.shape_cast %get3A_681 : vector<1x1x16xf32> to vector<16xf32>
        %add3A_683 = arith.addf %scan3A_657, %get3A_682 : vector<16xf32>
        %get3A_684 = arith.constant 5 : i32
        %get3A_685 = arith.index_cast %get3A_684 : i32 to index
        %get3A_686 = arith.index_cast %scan3A_654 : i32 to index
        %get3A_687 = arith.constant 48 : index
        %get3A_688 = tpu.vector_load %arg12[%get3A_685, %get3A_686, %get3A_687] {strides = array<i32>} : memref<8x56x128xf32, #tpu.memory_space<vmem>>, vector<1x1x16xf32>,
        %get3A_689 = vector.shape_cast %get3A_688 : vector<1x1x16xf32> to vector<16xf32>
        %add3A_690 = arith.addf %scan3A_658, %get3A_689 : vector<16xf32>
        %get3A_691 = arith.constant 5 : i32
        %get3A_692 = arith.index_cast %get3A_691 : i32 to index
        %get3A_693 = arith.index_cast %scan3A_654 : i32 to index
        %get3A_694 = arith.constant 64 : index
        %get3A_695 = tpu.vector_load %arg12[%get3A_692, %get3A_693, %get3A_694] {strides = array<i32>} : memref<8x56x128xf32, #tpu.memory_space<vmem>>, vector<1x1x16xf32>,
        %get3A_696 = vector.shape_cast %get3A_695 : vector<1x1x16xf32> to vector<16xf32>
        %add3A_697 = arith.addf %scan3A_659, %get3A_696 : vector<16xf32>
        %get3A_698 = arith.constant 5 : i32
        %get3A_699 = arith.index_cast %get3A_698 : i32 to index
        %get3A_700 = arith.index_cast %scan3A_654 : i32 to index
        %get3A_701 = arith.constant 80 : index
        %get3A_702 = tpu.vector_load %arg12[%get3A_699, %get3A_700, %get3A_701] {strides = array<i32>} : memref<8x56x128xf32, #tpu.memory_space<vmem>>, vector<1x1x16xf32>,
        %get3A_703 = vector.shape_cast %get3A_702 : vector<1x1x16xf32> to vector<16xf32>
        %add3A_704 = arith.addf %scan3A_660, %get3A_703 : vector<16xf32>
        %get3A_705 = arith.constant 5 : i32
        %get3A_706 = arith.index_cast %get3A_705 : i32 to index
        %get3A_707 = arith.index_cast %scan3A_654 : i32 to index
        %get3A_708 = arith.constant 96 : index
        %get3A_709 = tpu.vector_load %arg12[%get3A_706, %get3A_707, %get3A_708] {strides = array<i32>} : memref<8x56x128xf32, #tpu.memory_space<vmem>>, vector<1x1x16xf32>,
        %get3A_710 = vector.shape_cast %get3A_709 : vector<1x1x16xf32> to vector<16xf32>
        %add3A_711 = arith.addf %scan3A_661, %get3A_710 : vector<16xf32>
        %get3A_712 = arith.constant 5 : i32
        %get3A_713 = arith.index_cast %get3A_712 : i32 to index
        %get3A_714 = arith.index_cast %scan3A_654 : i32 to index
        %get3A_715 = arith.constant 112 : index
        %get3A_716 = tpu.vector_load %arg12[%get3A_713, %get3A_714, %get3A_715] {strides = array<i32>} : memref<8x56x128xf32, #tpu.memory_space<vmem>>, vector<1x1x16xf32>,
        %get3A_717 = vector.shape_cast %get3A_716 : vector<1x1x16xf32> to vector<16xf32>
        %add3A_718 = arith.addf %scan3A_662, %get3A_717 : vector<16xf32>
        scf.yield %add3A_669, %add3A_676, %add3A_683, %add3A_690, %add3A_697, %add3A_704, %add3A_711, %add3A_718 : vector<16xf32>, vector<16xf32>, vector<16xf32>, vector<16xf32>, vector<16xf32>, vector<16xf32>, vector<16xf32>, vector<16xf32>
      }
      %scan3A_481 = arith.constant 56 : i32
      %swap3A_482 = arith.index_cast %add3A_459 : i32 to index
      %swap3A_483 = arith.constant 0 : index
      %swap3A_484 = tpu.vector_load %arg14[%swap3A_482, %swap3A_483] {strides = array<i32>} : memref<128x128xf32, #tpu.memory_space<vmem>>, vector<1x16xf32>,
      %swap3A_485 = vector.shape_cast %swap3A_484 : vector<1x16xf32> to vector<16xf32>
      %swap3A_486 = vector.shape_cast %scan3A_480#0 : vector<16xf32> to vector<1x16xf32>
      tpu.vector_store %arg14[%swap3A_482, %swap3A_483], %swap3A_486 {strides = array<i32>} : memref<128x128xf32, #tpu.memory_space<vmem>>, vector<1x16xf32>,
      %swap3A_487 = arith.index_cast %add3A_459 : i32 to index
      %swap3A_488 = arith.constant 16 : index
      %swap3A_489 = tpu.vector_load %arg14[%swap3A_487, %swap3A_488] {strides = array<i32>} : memref<128x128xf32, #tpu.memory_space<vmem>>, vector<1x16xf32>,
      %swap3A_490 = vector.shape_cast %swap3A_489 : vector<1x16xf32> to vector<16xf32>
      %swap3A_491 = vector.shape_cast %scan3A_480#1 : vector<16xf32> to vector<1x16xf32>
      tpu.vector_store %arg14[%swap3A_487, %swap3A_488], %swap3A_491 {strides = array<i32>} : memref<128x128xf32, #tpu.memory_space<vmem>>, vector<1x16xf32>,
      %swap3A_492 = arith.index_cast %add3A_459 : i32 to index
      %swap3A_493 = arith.constant 32 : index
      %swap3A_494 = tpu.vector_load %arg14[%swap3A_492, %swap3A_493] {strides = array<i32>} : memref<128x128xf32, #tpu.memory_space<vmem>>, vector<1x16xf32>,
      %swap3A_495 = vector.shape_cast %swap3A_494 : vector<1x16xf32> to vector<16xf32>
      %swap3A_496 = vector.shape_cast %scan3A_480#2 : vector<16xf32> to vector<1x16xf32>
      tpu.vector_store %arg14[%swap3A_492, %swap3A_493], %swap3A_496 {strides = array<i32>} : memref<128x128xf32, #tpu.memory_space<vmem>>, vector<1x16xf32>,
      %swap3A_497 = arith.index_cast %add3A_459 : i32 to index
      %swap3A_498 = arith.constant 48 : index
      %swap3A_499 = tpu.vector_load %arg14[%swap3A_497, %swap3A_498] {strides = array<i32>} : memref<128x128xf32, #tpu.memory_space<vmem>>, vector<1x16xf32>,
      %swap3A_500 = vector.shape_cast %swap3A_499 : vector<1x16xf32> to vector<16xf32>
      %swap3A_501 = vector.shape_cast %scan3A_480#3 : vector<16xf32> to vector<1x16xf32>
      tpu.vector_store %arg14[%swap3A_497, %swap3A_498], %swap3A_501 {strides = array<i32>} : memref<128x128xf32, #tpu.memory_space<vmem>>, vector<1x16xf32>,
      %swap3A_502 = arith.index_cast %add3A_459 : i32 to index
      %swap3A_503 = arith.constant 64 : index
      %swap3A_504 = tpu.vector_load %arg14[%swap3A_502, %swap3A_503] {strides = array<i32>} : memref<128x128xf32, #tpu.memory_space<vmem>>, vector<1x16xf32>,
      %swap3A_505 = vector.shape_cast %swap3A_504 : vector<1x16xf32> to vector<16xf32>
      %swap3A_506 = vector.shape_cast %scan3A_480#4 : vector<16xf32> to vector<1x16xf32>
      tpu.vector_store %arg14[%swap3A_502, %swap3A_503], %swap3A_506 {strides = array<i32>} : memref<128x128xf32, #tpu.memory_space<vmem>>, vector<1x16xf32>,
      %swap3A_507 = arith.index_cast %add3A_459 : i32 to index
      %swap3A_508 = arith.constant 80 : index
      %swap3A_509 = tpu.vector_load %arg14[%swap3A_507, %swap3A_508] {strides = array<i32>} : memref<128x128xf32, #tpu.memory_space<vmem>>, vector<1x16xf32>,
      %swap3A_510 = vector.shape_cast %swap3A_509 : vector<1x16xf32> to vector<16xf32>
      %swap3A_511 = vector.shape_cast %scan3A_480#5 : vector<16xf32> to vector<1x16xf32>
      tpu.vector_store %arg14[%swap3A_507, %swap3A_508], %swap3A_511 {strides = array<i32>} : memref<128x128xf32, #tpu.memory_space<vmem>>, vector<1x16xf32>,
      %swap3A_512 = arith.index_cast %add3A_459 : i32 to index
      %swap3A_513 = arith.constant 96 : index
      %swap3A_514 = tpu.vector_load %arg14[%swap3A_512, %swap3A_513] {strides = array<i32>} : memref<128x128xf32, #tpu.memory_space<vmem>>, vector<1x16xf32>,
      %swap3A_515 = vector.shape_cast %swap3A_514 : vector<1x16xf32> to vector<16xf32>
      %swap3A_516 = vector.shape_cast %scan3A_480#6 : vector<16xf32> to vector<1x16xf32>
      tpu.vector_store %arg14[%swap3A_512, %swap3A_513], %swap3A_516 {strides = array<i32>} : memref<128x128xf32, #tpu.memory_space<vmem>>, vector<1x16xf32>,
      %swap3A_517 = arith.index_cast %add3A_459 : i32 to index
      %swap3A_518 = arith.constant 112 : index
      %swap3A_519 = tpu.vector_load %arg14[%swap3A_517, %swap3A_518] {strides = array<i32>} : memref<128x128xf32, #tpu.memory_space<vmem>>, vector<1x16xf32>,
      %swap3A_520 = vector.shape_cast %swap3A_519 : vector<1x16xf32> to vector<16xf32>
      %swap3A_521 = vector.shape_cast %scan3A_480#7 : vector<16xf32> to vector<1x16xf32>
      tpu.vector_store %arg14[%swap3A_517, %swap3A_518], %swap3A_521 {strides = array<i32>} : memref<128x128xf32, #tpu.memory_space<vmem>>, vector<1x16xf32>,
      %mul3A_522 = arith.constant 8 : i32
      %mul3A_523 = arith.muli %scan3A_125, %mul3A_522 : i32
      %add3A_524 = arith.constant 6 : i32
      %add3A_525 = arith.addi %mul3A_523, %add3A_524 : i32
      %broadcast_in_dim3A_526 = arith.constant 0.000000e+00 : f32
      %broadcast_in_dim3A_527 = vector.broadcast %broadcast_in_dim3A_526 : f32 to vector<16xf32>
      %broadcast_in_dim3A_528 = arith.constant 0.000000e+00 : f32
      %broadcast_in_dim3A_529 = vector.broadcast %broadcast_in_dim3A_528 : f32 to vector<16xf32>
      %broadcast_in_dim3A_530 = arith.constant 0.000000e+00 : f32
      %broadcast_in_dim3A_531 = vector.broadcast %broadcast_in_dim3A_530 : f32 to vector<16xf32>
      %broadcast_in_dim3A_532 = arith.constant 0.000000e+00 : f32
      %broadcast_in_dim3A_533 = vector.broadcast %broadcast_in_dim3A_532 : f32 to vector<16xf32>
      %broadcast_in_dim3A_534 = arith.constant 0.000000e+00 : f32
      %broadcast_in_dim3A_535 = vector.broadcast %broadcast_in_dim3A_534 : f32 to vector<16xf32>
      %broadcast_in_dim3A_536 = arith.constant 0.000000e+00 : f32
      %broadcast_in_dim3A_537 = vector.broadcast %broadcast_in_dim3A_536 : f32 to vector<16xf32>
      %broadcast_in_dim3A_538 = arith.constant 0.000000e+00 : f32
      %broadcast_in_dim3A_539 = vector.broadcast %broadcast_in_dim3A_538 : f32 to vector<16xf32>
      %broadcast_in_dim3A_540 = arith.constant 0.000000e+00 : f32
      %broadcast_in_dim3A_541 = vector.broadcast %broadcast_in_dim3A_540 : f32 to vector<16xf32>
      %scan3A_542 = arith.constant 0 : i32
      %scan3A_543 = arith.constant 56 : i32
      %scan3A_544 = arith.addi %scan3A_542, %scan3A_543 : i32
      %scan3A_545 = arith.constant 1 : i32
      %scan3A_546:8 = scf.for %scan3A_654 = %scan3A_542 to %scan3A_544 step %scan3A_545 iter_args(%scan3A_655 = %broadcast_in_dim3A_527, %scan3A_656 = %broadcast_in_dim3A_529, %scan3A_657 = %broadcast_in_dim3A_531, %scan3A_658 = %broadcast_in_dim3A_533, %scan3A_659 = %broadcast_in_dim3A_535, %scan3A_660 = %broadcast_in_dim3A_537, %scan3A_661 = %broadcast_in_dim3A_539, %scan3A_662 = %broadcast_in_dim3A_541) -> (vector<16xf32>, vector<16xf32>, vector<16xf32>, vector<16xf32>, vector<16xf32>, vector<16xf32>, vector<16xf32>, vector<16xf32>)  : i32 {
        %get3A_663 = arith.constant 6 : i32
        %get3A_664 = arith.index_cast %get3A_663 : i32 to index
        %get3A_665 = arith.index_cast %scan3A_654 : i32 to index
        %get3A_666 = arith.constant 0 : index
        %get3A_667 = tpu.vector_load %arg12[%get3A_664, %get3A_665, %get3A_666] {strides = array<i32>} : memref<8x56x128xf32, #tpu.memory_space<vmem>>, vector<1x1x16xf32>,
        %get3A_668 = vector.shape_cast %get3A_667 : vector<1x1x16xf32> to vector<16xf32>
        %add3A_669 = arith.addf %scan3A_655, %get3A_668 : vector<16xf32>
        %get3A_670 = arith.constant 6 : i32
        %get3A_671 = arith.index_cast %get3A_670 : i32 to index
        %get3A_672 = arith.index_cast %scan3A_654 : i32 to index
        %get3A_673 = arith.constant 16 : index
        %get3A_674 = tpu.vector_load %arg12[%get3A_671, %get3A_672, %get3A_673] {strides = array<i32>} : memref<8x56x128xf32, #tpu.memory_space<vmem>>, vector<1x1x16xf32>,
        %get3A_675 = vector.shape_cast %get3A_674 : vector<1x1x16xf32> to vector<16xf32>
        %add3A_676 = arith.addf %scan3A_656, %get3A_675 : vector<16xf32>
        %get3A_677 = arith.constant 6 : i32
        %get3A_678 = arith.index_cast %get3A_677 : i32 to index
        %get3A_679 = arith.index_cast %scan3A_654 : i32 to index
        %get3A_680 = arith.constant 32 : index
        %get3A_681 = tpu.vector_load %arg12[%get3A_678, %get3A_679, %get3A_680] {strides = array<i32>} : memref<8x56x128xf32, #tpu.memory_space<vmem>>, vector<1x1x16xf32>,
        %get3A_682 = vector.shape_cast %get3A_681 : vector<1x1x16xf32> to vector<16xf32>
        %add3A_683 = arith.addf %scan3A_657, %get3A_682 : vector<16xf32>
        %get3A_684 = arith.constant 6 : i32
        %get3A_685 = arith.index_cast %get3A_684 : i32 to index
        %get3A_686 = arith.index_cast %scan3A_654 : i32 to index
        %get3A_687 = arith.constant 48 : index
        %get3A_688 = tpu.vector_load %arg12[%get3A_685, %get3A_686, %get3A_687] {strides = array<i32>} : memref<8x56x128xf32, #tpu.memory_space<vmem>>, vector<1x1x16xf32>,
        %get3A_689 = vector.shape_cast %get3A_688 : vector<1x1x16xf32> to vector<16xf32>
        %add3A_690 = arith.addf %scan3A_658, %get3A_689 : vector<16xf32>
        %get3A_691 = arith.constant 6 : i32
        %get3A_692 = arith.index_cast %get3A_691 : i32 to index
        %get3A_693 = arith.index_cast %scan3A_654 : i32 to index
        %get3A_694 = arith.constant 64 : index
        %get3A_695 = tpu.vector_load %arg12[%get3A_692, %get3A_693, %get3A_694] {strides = array<i32>} : memref<8x56x128xf32, #tpu.memory_space<vmem>>, vector<1x1x16xf32>,
        %get3A_696 = vector.shape_cast %get3A_695 : vector<1x1x16xf32> to vector<16xf32>
        %add3A_697 = arith.addf %scan3A_659, %get3A_696 : vector<16xf32>
        %get3A_698 = arith.constant 6 : i32
        %get3A_699 = arith.index_cast %get3A_698 : i32 to index
        %get3A_700 = arith.index_cast %scan3A_654 : i32 to index
        %get3A_701 = arith.constant 80 : index
        %get3A_702 = tpu.vector_load %arg12[%get3A_699, %get3A_700, %get3A_701] {strides = array<i32>} : memref<8x56x128xf32, #tpu.memory_space<vmem>>, vector<1x1x16xf32>,
        %get3A_703 = vector.shape_cast %get3A_702 : vector<1x1x16xf32> to vector<16xf32>
        %add3A_704 = arith.addf %scan3A_660, %get3A_703 : vector<16xf32>
        %get3A_705 = arith.constant 6 : i32
        %get3A_706 = arith.index_cast %get3A_705 : i32 to index
        %get3A_707 = arith.index_cast %scan3A_654 : i32 to index
        %get3A_708 = arith.constant 96 : index
        %get3A_709 = tpu.vector_load %arg12[%get3A_706, %get3A_707, %get3A_708] {strides = array<i32>} : memref<8x56x128xf32, #tpu.memory_space<vmem>>, vector<1x1x16xf32>,
        %get3A_710 = vector.shape_cast %get3A_709 : vector<1x1x16xf32> to vector<16xf32>
        %add3A_711 = arith.addf %scan3A_661, %get3A_710 : vector<16xf32>
        %get3A_712 = arith.constant 6 : i32
        %get3A_713 = arith.index_cast %get3A_712 : i32 to index
        %get3A_714 = arith.index_cast %scan3A_654 : i32 to index
        %get3A_715 = arith.constant 112 : index
        %get3A_716 = tpu.vector_load %arg12[%get3A_713, %get3A_714, %get3A_715] {strides = array<i32>} : memref<8x56x128xf32, #tpu.memory_space<vmem>>, vector<1x1x16xf32>,
        %get3A_717 = vector.shape_cast %get3A_716 : vector<1x1x16xf32> to vector<16xf32>
        %add3A_718 = arith.addf %scan3A_662, %get3A_717 : vector<16xf32>
        scf.yield %add3A_669, %add3A_676, %add3A_683, %add3A_690, %add3A_697, %add3A_704, %add3A_711, %add3A_718 : vector<16xf32>, vector<16xf32>, vector<16xf32>, vector<16xf32>, vector<16xf32>, vector<16xf32>, vector<16xf32>, vector<16xf32>
      }
      %scan3A_547 = arith.constant 56 : i32
      %swap3A_548 = arith.index_cast %add3A_525 : i32 to index
      %swap3A_549 = arith.constant 0 : index
      %swap3A_550 = tpu.vector_load %arg14[%swap3A_548, %swap3A_549] {strides = array<i32>} : memref<128x128xf32, #tpu.memory_space<vmem>>, vector<1x16xf32>,
      %swap3A_551 = vector.shape_cast %swap3A_550 : vector<1x16xf32> to vector<16xf32>
      %swap3A_552 = vector.shape_cast %scan3A_546#0 : vector<16xf32> to vector<1x16xf32>
      tpu.vector_store %arg14[%swap3A_548, %swap3A_549], %swap3A_552 {strides = array<i32>} : memref<128x128xf32, #tpu.memory_space<vmem>>, vector<1x16xf32>,
      %swap3A_553 = arith.index_cast %add3A_525 : i32 to index
      %swap3A_554 = arith.constant 16 : index
      %swap3A_555 = tpu.vector_load %arg14[%swap3A_553, %swap3A_554] {strides = array<i32>} : memref<128x128xf32, #tpu.memory_space<vmem>>, vector<1x16xf32>,
      %swap3A_556 = vector.shape_cast %swap3A_555 : vector<1x16xf32> to vector<16xf32>
      %swap3A_557 = vector.shape_cast %scan3A_546#1 : vector<16xf32> to vector<1x16xf32>
      tpu.vector_store %arg14[%swap3A_553, %swap3A_554], %swap3A_557 {strides = array<i32>} : memref<128x128xf32, #tpu.memory_space<vmem>>, vector<1x16xf32>,
      %swap3A_558 = arith.index_cast %add3A_525 : i32 to index
      %swap3A_559 = arith.constant 32 : index
      %swap3A_560 = tpu.vector_load %arg14[%swap3A_558, %swap3A_559] {strides = array<i32>} : memref<128x128xf32, #tpu.memory_space<vmem>>, vector<1x16xf32>,
      %swap3A_561 = vector.shape_cast %swap3A_560 : vector<1x16xf32> to vector<16xf32>
      %swap3A_562 = vector.shape_cast %scan3A_546#2 : vector<16xf32> to vector<1x16xf32>
      tpu.vector_store %arg14[%swap3A_558, %swap3A_559], %swap3A_562 {strides = array<i32>} : memref<128x128xf32, #tpu.memory_space<vmem>>, vector<1x16xf32>,
      %swap3A_563 = arith.index_cast %add3A_525 : i32 to index
      %swap3A_564 = arith.constant 48 : index
      %swap3A_565 = tpu.vector_load %arg14[%swap3A_563, %swap3A_564] {strides = array<i32>} : memref<128x128xf32, #tpu.memory_space<vmem>>, vector<1x16xf32>,
      %swap3A_566 = vector.shape_cast %swap3A_565 : vector<1x16xf32> to vector<16xf32>
      %swap3A_567 = vector.shape_cast %scan3A_546#3 : vector<16xf32> to vector<1x16xf32>
      tpu.vector_store %arg14[%swap3A_563, %swap3A_564], %swap3A_567 {strides = array<i32>} : memref<128x128xf32, #tpu.memory_space<vmem>>, vector<1x16xf32>,
      %swap3A_568 = arith.index_cast %add3A_525 : i32 to index
      %swap3A_569 = arith.constant 64 : index
      %swap3A_570 = tpu.vector_load %arg14[%swap3A_568, %swap3A_569] {strides = array<i32>} : memref<128x128xf32, #tpu.memory_space<vmem>>, vector<1x16xf32>,
      %swap3A_571 = vector.shape_cast %swap3A_570 : vector<1x16xf32> to vector<16xf32>
      %swap3A_572 = vector.shape_cast %scan3A_546#4 : vector<16xf32> to vector<1x16xf32>
      tpu.vector_store %arg14[%swap3A_568, %swap3A_569], %swap3A_572 {strides = array<i32>} : memref<128x128xf32, #tpu.memory_space<vmem>>, vector<1x16xf32>,
      %swap3A_573 = arith.index_cast %add3A_525 : i32 to index
      %swap3A_574 = arith.constant 80 : index
      %swap3A_575 = tpu.vector_load %arg14[%swap3A_573, %swap3A_574] {strides = array<i32>} : memref<128x128xf32, #tpu.memory_space<vmem>>, vector<1x16xf32>,
      %swap3A_576 = vector.shape_cast %swap3A_575 : vector<1x16xf32> to vector<16xf32>
      %swap3A_577 = vector.shape_cast %scan3A_546#5 : vector<16xf32> to vector<1x16xf32>
      tpu.vector_store %arg14[%swap3A_573, %swap3A_574], %swap3A_577 {strides = array<i32>} : memref<128x128xf32, #tpu.memory_space<vmem>>, vector<1x16xf32>,
      %swap3A_578 = arith.index_cast %add3A_525 : i32 to index
      %swap3A_579 = arith.constant 96 : index
      %swap3A_580 = tpu.vector_load %arg14[%swap3A_578, %swap3A_579] {strides = array<i32>} : memref<128x128xf32, #tpu.memory_space<vmem>>, vector<1x16xf32>,
      %swap3A_581 = vector.shape_cast %swap3A_580 : vector<1x16xf32> to vector<16xf32>
      %swap3A_582 = vector.shape_cast %scan3A_546#6 : vector<16xf32> to vector<1x16xf32>
      tpu.vector_store %arg14[%swap3A_578, %swap3A_579], %swap3A_582 {strides = array<i32>} : memref<128x128xf32, #tpu.memory_space<vmem>>, vector<1x16xf32>,
      %swap3A_583 = arith.index_cast %add3A_525 : i32 to index
      %swap3A_584 = arith.constant 112 : index
      %swap3A_585 = tpu.vector_load %arg14[%swap3A_583, %swap3A_584] {strides = array<i32>} : memref<128x128xf32, #tpu.memory_space<vmem>>, vector<1x16xf32>,
      %swap3A_586 = vector.shape_cast %swap3A_585 : vector<1x16xf32> to vector<16xf32>
      %swap3A_587 = vector.shape_cast %scan3A_546#7 : vector<16xf32> to vector<1x16xf32>
      tpu.vector_store %arg14[%swap3A_583, %swap3A_584], %swap3A_587 {strides = array<i32>} : memref<128x128xf32, #tpu.memory_space<vmem>>, vector<1x16xf32>,
      %mul3A_588 = arith.constant 8 : i32
      %mul3A_589 = arith.muli %scan3A_125, %mul3A_588 : i32
      %add3A_590 = arith.constant 7 : i32
      %add3A_591 = arith.addi %mul3A_589, %add3A_590 : i32
      %broadcast_in_dim3A_592 = arith.constant 0.000000e+00 : f32
      %broadcast_in_dim3A_593 = vector.broadcast %broadcast_in_dim3A_592 : f32 to vector<16xf32>
      %broadcast_in_dim3A_594 = arith.constant 0.000000e+00 : f32
      %broadcast_in_dim3A_595 = vector.broadcast %broadcast_in_dim3A_594 : f32 to vector<16xf32>
      %broadcast_in_dim3A_596 = arith.constant 0.000000e+00 : f32
      %broadcast_in_dim3A_597 = vector.broadcast %broadcast_in_dim3A_596 : f32 to vector<16xf32>
      %broadcast_in_dim3A_598 = arith.constant 0.000000e+00 : f32
      %broadcast_in_dim3A_599 = vector.broadcast %broadcast_in_dim3A_598 : f32 to vector<16xf32>
      %broadcast_in_dim3A_600 = arith.constant 0.000000e+00 : f32
      %broadcast_in_dim3A_601 = vector.broadcast %broadcast_in_dim3A_600 : f32 to vector<16xf32>
      %broadcast_in_dim3A_602 = arith.constant 0.000000e+00 : f32
      %broadcast_in_dim3A_603 = vector.broadcast %broadcast_in_dim3A_602 : f32 to vector<16xf32>
      %broadcast_in_dim3A_604 = arith.constant 0.000000e+00 : f32
      %broadcast_in_dim3A_605 = vector.broadcast %broadcast_in_dim3A_604 : f32 to vector<16xf32>
      %broadcast_in_dim3A_606 = arith.constant 0.000000e+00 : f32
      %broadcast_in_dim3A_607 = vector.broadcast %broadcast_in_dim3A_606 : f32 to vector<16xf32>
      %scan3A_608 = arith.constant 0 : i32
      %scan3A_609 = arith.constant 56 : i32
      %scan3A_610 = arith.addi %scan3A_608, %scan3A_609 : i32
      %scan3A_611 = arith.constant 1 : i32
      %scan3A_612:8 = scf.for %scan3A_654 = %scan3A_608 to %scan3A_610 step %scan3A_611 iter_args(%scan3A_655 = %broadcast_in_dim3A_593, %scan3A_656 = %broadcast_in_dim3A_595, %scan3A_657 = %broadcast_in_dim3A_597, %scan3A_658 = %broadcast_in_dim3A_599, %scan3A_659 = %broadcast_in_dim3A_601, %scan3A_660 = %broadcast_in_dim3A_603, %scan3A_661 = %broadcast_in_dim3A_605, %scan3A_662 = %broadcast_in_dim3A_607) -> (vector<16xf32>, vector<16xf32>, vector<16xf32>, vector<16xf32>, vector<16xf32>, vector<16xf32>, vector<16xf32>, vector<16xf32>)  : i32 {
        %get3A_663 = arith.constant 7 : i32
        %get3A_664 = arith.index_cast %get3A_663 : i32 to index
        %get3A_665 = arith.index_cast %scan3A_654 : i32 to index
        %get3A_666 = arith.constant 0 : index
        %get3A_667 = tpu.vector_load %arg12[%get3A_664, %get3A_665, %get3A_666] {strides = array<i32>} : memref<8x56x128xf32, #tpu.memory_space<vmem>>, vector<1x1x16xf32>,
        %get3A_668 = vector.shape_cast %get3A_667 : vector<1x1x16xf32> to vector<16xf32>
        %add3A_669 = arith.addf %scan3A_655, %get3A_668 : vector<16xf32>
        %get3A_670 = arith.constant 7 : i32
        %get3A_671 = arith.index_cast %get3A_670 : i32 to index
        %get3A_672 = arith.index_cast %scan3A_654 : i32 to index
        %get3A_673 = arith.constant 16 : index
        %get3A_674 = tpu.vector_load %arg12[%get3A_671, %get3A_672, %get3A_673] {strides = array<i32>} : memref<8x56x128xf32, #tpu.memory_space<vmem>>, vector<1x1x16xf32>,
        %get3A_675 = vector.shape_cast %get3A_674 : vector<1x1x16xf32> to vector<16xf32>
        %add3A_676 = arith.addf %scan3A_656, %get3A_675 : vector<16xf32>
        %get3A_677 = arith.constant 7 : i32
        %get3A_678 = arith.index_cast %get3A_677 : i32 to index
        %get3A_679 = arith.index_cast %scan3A_654 : i32 to index
        %get3A_680 = arith.constant 32 : index
        %get3A_681 = tpu.vector_load %arg12[%get3A_678, %get3A_679, %get3A_680] {strides = array<i32>} : memref<8x56x128xf32, #tpu.memory_space<vmem>>, vector<1x1x16xf32>,
        %get3A_682 = vector.shape_cast %get3A_681 : vector<1x1x16xf32> to vector<16xf32>
        %add3A_683 = arith.addf %scan3A_657, %get3A_682 : vector<16xf32>
        %get3A_684 = arith.constant 7 : i32
        %get3A_685 = arith.index_cast %get3A_684 : i32 to index
        %get3A_686 = arith.index_cast %scan3A_654 : i32 to index
        %get3A_687 = arith.constant 48 : index
        %get3A_688 = tpu.vector_load %arg12[%get3A_685, %get3A_686, %get3A_687] {strides = array<i32>} : memref<8x56x128xf32, #tpu.memory_space<vmem>>, vector<1x1x16xf32>,
        %get3A_689 = vector.shape_cast %get3A_688 : vector<1x1x16xf32> to vector<16xf32>
        %add3A_690 = arith.addf %scan3A_658, %get3A_689 : vector<16xf32>
        %get3A_691 = arith.constant 7 : i32
        %get3A_692 = arith.index_cast %get3A_691 : i32 to index
        %get3A_693 = arith.index_cast %scan3A_654 : i32 to index
        %get3A_694 = arith.constant 64 : index
        %get3A_695 = tpu.vector_load %arg12[%get3A_692, %get3A_693, %get3A_694] {strides = array<i32>} : memref<8x56x128xf32, #tpu.memory_space<vmem>>, vector<1x1x16xf32>,
        %get3A_696 = vector.shape_cast %get3A_695 : vector<1x1x16xf32> to vector<16xf32>
        %add3A_697 = arith.addf %scan3A_659, %get3A_696 : vector<16xf32>
        %get3A_698 = arith.constant 7 : i32
        %get3A_699 = arith.index_cast %get3A_698 : i32 to index
        %get3A_700 = arith.index_cast %scan3A_654 : i32 to index
        %get3A_701 = arith.constant 80 : index
        %get3A_702 = tpu.vector_load %arg12[%get3A_699, %get3A_700, %get3A_701] {strides = array<i32>} : memref<8x56x128xf32, #tpu.memory_space<vmem>>, vector<1x1x16xf32>,
        %get3A_703 = vector.shape_cast %get3A_702 : vector<1x1x16xf32> to vector<16xf32>
        %add3A_704 = arith.addf %scan3A_660, %get3A_703 : vector<16xf32>
        %get3A_705 = arith.constant 7 : i32
        %get3A_706 = arith.index_cast %get3A_705 : i32 to index
        %get3A_707 = arith.index_cast %scan3A_654 : i32 to index
        %get3A_708 = arith.constant 96 : index
        %get3A_709 = tpu.vector_load %arg12[%get3A_706, %get3A_707, %get3A_708] {strides = array<i32>} : memref<8x56x128xf32, #tpu.memory_space<vmem>>, vector<1x1x16xf32>,
        %get3A_710 = vector.shape_cast %get3A_709 : vector<1x1x16xf32> to vector<16xf32>
        %add3A_711 = arith.addf %scan3A_661, %get3A_710 : vector<16xf32>
        %get3A_712 = arith.constant 7 : i32
        %get3A_713 = arith.index_cast %get3A_712 : i32 to index
        %get3A_714 = arith.index_cast %scan3A_654 : i32 to index
        %get3A_715 = arith.constant 112 : index
        %get3A_716 = tpu.vector_load %arg12[%get3A_713, %get3A_714, %get3A_715] {strides = array<i32>} : memref<8x56x128xf32, #tpu.memory_space<vmem>>, vector<1x1x16xf32>,
        %get3A_717 = vector.shape_cast %get3A_716 : vector<1x1x16xf32> to vector<16xf32>
        %add3A_718 = arith.addf %scan3A_662, %get3A_717 : vector<16xf32>
        scf.yield %add3A_669, %add3A_676, %add3A_683, %add3A_690, %add3A_697, %add3A_704, %add3A_711, %add3A_718 : vector<16xf32>, vector<16xf32>, vector<16xf32>, vector<16xf32>, vector<16xf32>, vector<16xf32>, vector<16xf32>, vector<16xf32>
      }
      %scan3A_613 = arith.constant 56 : i32
      %swap3A_614 = arith.index_cast %add3A_591 : i32 to index
      %swap3A_615 = arith.constant 0 : index
      %swap3A_616 = tpu.vector_load %arg14[%swap3A_614, %swap3A_615] {strides = array<i32>} : memref<128x128xf32, #tpu.memory_space<vmem>>, vector<1x16xf32>,
      %swap3A_617 = vector.shape_cast %swap3A_616 : vector<1x16xf32> to vector<16xf32>
      %swap3A_618 = vector.shape_cast %scan3A_612#0 : vector<16xf32> to vector<1x16xf32>
      tpu.vector_store %arg14[%swap3A_614, %swap3A_615], %swap3A_618 {strides = array<i32>} : memref<128x128xf32, #tpu.memory_space<vmem>>, vector<1x16xf32>,
      %swap3A_619 = arith.index_cast %add3A_591 : i32 to index
      %swap3A_620 = arith.constant 16 : index
      %swap3A_621 = tpu.vector_load %arg14[%swap3A_619, %swap3A_620] {strides = array<i32>} : memref<128x128xf32, #tpu.memory_space<vmem>>, vector<1x16xf32>,
      %swap3A_622 = vector.shape_cast %swap3A_621 : vector<1x16xf32> to vector<16xf32>
      %swap3A_623 = vector.shape_cast %scan3A_612#1 : vector<16xf32> to vector<1x16xf32>
      tpu.vector_store %arg14[%swap3A_619, %swap3A_620], %swap3A_623 {strides = array<i32>} : memref<128x128xf32, #tpu.memory_space<vmem>>, vector<1x16xf32>,
      %swap3A_624 = arith.index_cast %add3A_591 : i32 to index
      %swap3A_625 = arith.constant 32 : index
      %swap3A_626 = tpu.vector_load %arg14[%swap3A_624, %swap3A_625] {strides = array<i32>} : memref<128x128xf32, #tpu.memory_space<vmem>>, vector<1x16xf32>,
      %swap3A_627 = vector.shape_cast %swap3A_626 : vector<1x16xf32> to vector<16xf32>
      %swap3A_628 = vector.shape_cast %scan3A_612#2 : vector<16xf32> to vector<1x16xf32>
      tpu.vector_store %arg14[%swap3A_624, %swap3A_625], %swap3A_628 {strides = array<i32>} : memref<128x128xf32, #tpu.memory_space<vmem>>, vector<1x16xf32>,
      %swap3A_629 = arith.index_cast %add3A_591 : i32 to index
      %swap3A_630 = arith.constant 48 : index
      %swap3A_631 = tpu.vector_load %arg14[%swap3A_629, %swap3A_630] {strides = array<i32>} : memref<128x128xf32, #tpu.memory_space<vmem>>, vector<1x16xf32>,
      %swap3A_632 = vector.shape_cast %swap3A_631 : vector<1x16xf32> to vector<16xf32>
      %swap3A_633 = vector.shape_cast %scan3A_612#3 : vector<16xf32> to vector<1x16xf32>
      tpu.vector_store %arg14[%swap3A_629, %swap3A_630], %swap3A_633 {strides = array<i32>} : memref<128x128xf32, #tpu.memory_space<vmem>>, vector<1x16xf32>,
      %swap3A_634 = arith.index_cast %add3A_591 : i32 to index
      %swap3A_635 = arith.constant 64 : index
      %swap3A_636 = tpu.vector_load %arg14[%swap3A_634, %swap3A_635] {strides = array<i32>} : memref<128x128xf32, #tpu.memory_space<vmem>>, vector<1x16xf32>,
      %swap3A_637 = vector.shape_cast %swap3A_636 : vector<1x16xf32> to vector<16xf32>
      %swap3A_638 = vector.shape_cast %scan3A_612#4 : vector<16xf32> to vector<1x16xf32>
      tpu.vector_store %arg14[%swap3A_634, %swap3A_635], %swap3A_638 {strides = array<i32>} : memref<128x128xf32, #tpu.memory_space<vmem>>, vector<1x16xf32>,
      %swap3A_639 = arith.index_cast %add3A_591 : i32 to index
      %swap3A_640 = arith.constant 80 : index
      %swap3A_641 = tpu.vector_load %arg14[%swap3A_639, %swap3A_640] {strides = array<i32>} : memref<128x128xf32, #tpu.memory_space<vmem>>, vector<1x16xf32>,
      %swap3A_642 = vector.shape_cast %swap3A_641 : vector<1x16xf32> to vector<16xf32>
      %swap3A_643 = vector.shape_cast %scan3A_612#5 : vector<16xf32> to vector<1x16xf32>
      tpu.vector_store %arg14[%swap3A_639, %swap3A_640], %swap3A_643 {strides = array<i32>} : memref<128x128xf32, #tpu.memory_space<vmem>>, vector<1x16xf32>,
      %swap3A_644 = arith.index_cast %add3A_591 : i32 to index
      %swap3A_645 = arith.constant 96 : index
      %swap3A_646 = tpu.vector_load %arg14[%swap3A_644, %swap3A_645] {strides = array<i32>} : memref<128x128xf32, #tpu.memory_space<vmem>>, vector<1x16xf32>,
      %swap3A_647 = vector.shape_cast %swap3A_646 : vector<1x16xf32> to vector<16xf32>
      %swap3A_648 = vector.shape_cast %scan3A_612#6 : vector<16xf32> to vector<1x16xf32>
      tpu.vector_store %arg14[%swap3A_644, %swap3A_645], %swap3A_648 {strides = array<i32>} : memref<128x128xf32, #tpu.memory_space<vmem>>, vector<1x16xf32>,
      %swap3A_649 = arith.index_cast %add3A_591 : i32 to index
      %swap3A_650 = arith.constant 112 : index
      %swap3A_651 = tpu.vector_load %arg14[%swap3A_649, %swap3A_650] {strides = array<i32>} : memref<128x128xf32, #tpu.memory_space<vmem>>, vector<1x16xf32>,
      %swap3A_652 = vector.shape_cast %swap3A_651 : vector<1x16xf32> to vector<16xf32>
      %swap3A_653 = vector.shape_cast %scan3A_612#7 : vector<16xf32> to vector<1x16xf32>
      tpu.vector_store %arg14[%swap3A_649, %swap3A_650], %swap3A_653 {strides = array<i32>} : memref<128x128xf32, #tpu.memory_space<vmem>>, vector<1x16xf32>,
    }
    %scan3A_112 = arith.constant 16 : i32
    "tpu.region"() ({
      %run_scoped3A = tpu.sem_alloc : memref<!tpu.dma_semaphore, #tpu.memory_space<semaphore_mem>>
      %dma_start3A_125 = arith.constant 0 : i32
      %dma_start3A_126 = tpu.memref_slice %arg6[%mul3A_2, %dma_start3A_125] : memref<4096x128xf32, #tpu.memory_space<hbm>> -> memref<128x128xf32, #tpu.memory_space<hbm>>
      %dma_start3A_127 = arith.constant 0 : i32
      %dma_start3A_128 = tpu.memref_slice %arg6[%mul3A_2, %dma_start3A_127] : memref<4096x128xf32, #tpu.memory_space<hbm>> -> memref<128x128xf32, #tpu.memory_space<hbm>>
      tpu.enqueue_dma source(%arg14 : memref<128x128xf32, #tpu.memory_space<vmem>>) target(%dma_start3A_128 : memref<128x128xf32, #tpu.memory_space<hbm>>) target_semaphore(%run_scoped3A : memref<!tpu.dma_semaphore, #tpu.memory_space<semaphore_mem>>)
      %dma_wait3A_129 = arith.constant 0 : i32
      %dma_wait3A_130 = tpu.memref_slice %arg6[%mul3A_2, %dma_wait3A_129] : memref<4096x128xf32, #tpu.memory_space<hbm>> -> memref<128x128xf32, #tpu.memory_space<hbm>>
      %dma_wait3A_131 = arith.constant 0 : i32
      %dma_wait3A_132 = tpu.memref_slice %arg6[%mul3A_2, %dma_wait3A_131] : memref<4096x128xf32, #tpu.memory_space<hbm>> -> memref<128x128xf32, #tpu.memory_space<hbm>>
      tpu.wait_dma2 semaphore(%run_scoped3A : memref<!tpu.dma_semaphore, #tpu.memory_space<semaphore_mem>>) src(%arg14 : memref<128x128xf32, #tpu.memory_space<vmem>>) dst(%dma_wait3A_132 : memref<128x128xf32, #tpu.memory_space<hbm>>)
      tpu.yield
    }) : () -> ()
    %dma_start3A_113 = arith.constant 0 : i32
    %dma_start3A_114 = arith.constant 0 : i32
    %dma_start3A_115 = tpu.memref_slice %arg3[%dma_start3A_113, %dma_start3A_114] : memref<100352x128xf32, #tpu.memory_space<hbm>> -> memref<100352x128xf32, #tpu.memory_space<hbm>>
    tpu.enqueue_indirect_dma source(%dma_start3A_115 : memref<100352x128xf32, #tpu.memory_space<hbm>>) target(%arg13 : memref<128x128xf32, #tpu.memory_space<vmem>>) offsets(%arg11 : memref<128xi32, #tpu.memory_space<vmem>>) semaphore(%arg15 : memref<!tpu.dma_semaphore, #tpu.memory_space<semaphore_mem>>)
    %dma_wait3A_116 = arith.constant 0 : i32
    %dma_wait3A_117 = arith.constant 0 : i32
    %dma_wait3A_118 = tpu.memref_slice %arg3[%dma_wait3A_116, %dma_wait3A_117] : memref<100352x128xf32, #tpu.memory_space<hbm>> -> memref<100352x128xf32, #tpu.memory_space<hbm>>
    tpu.wait_indirect_dma semaphore(%arg15 : memref<!tpu.dma_semaphore, #tpu.memory_space<semaphore_mem>>) src(%dma_wait3A_118 : memref<100352x128xf32, #tpu.memory_space<hbm>>) dst(%arg13 : memref<128x128xf32, #tpu.memory_space<vmem>>)
    "tpu.region"() ({
      %run_scoped3A = tpu.sem_alloc : memref<!tpu.dma_semaphore, #tpu.memory_space<semaphore_mem>>
      %dma_start3A_125 = arith.constant 0 : i32
      %dma_start3A_126 = tpu.memref_slice %arg9[%mul3A_2, %dma_start3A_125] : memref<4096x128xf32, #tpu.memory_space<hbm>> -> memref<128x128xf32, #tpu.memory_space<hbm>>
      %dma_start3A_127 = arith.constant 0 : i32
      %dma_start3A_128 = tpu.memref_slice %arg9[%mul3A_2, %dma_start3A_127] : memref<4096x128xf32, #tpu.memory_space<hbm>> -> memref<128x128xf32, #tpu.memory_space<hbm>>
      tpu.enqueue_dma source(%arg13 : memref<128x128xf32, #tpu.memory_space<vmem>>) target(%dma_start3A_128 : memref<128x128xf32, #tpu.memory_space<hbm>>) target_semaphore(%run_scoped3A : memref<!tpu.dma_semaphore, #tpu.memory_space<semaphore_mem>>)
      %dma_wait3A_129 = arith.constant 0 : i32
      %dma_wait3A_130 = tpu.memref_slice %arg9[%mul3A_2, %dma_wait3A_129] : memref<4096x128xf32, #tpu.memory_space<hbm>> -> memref<128x128xf32, #tpu.memory_space<hbm>>
      %dma_wait3A_131 = arith.constant 0 : i32
      %dma_wait3A_132 = tpu.memref_slice %arg9[%mul3A_2, %dma_wait3A_131] : memref<4096x128xf32, #tpu.memory_space<hbm>> -> memref<128x128xf32, #tpu.memory_space<hbm>>
      tpu.wait_dma2 semaphore(%run_scoped3A : memref<!tpu.dma_semaphore, #tpu.memory_space<semaphore_mem>>) src(%arg13 : memref<128x128xf32, #tpu.memory_space<vmem>>) dst(%dma_wait3A_132 : memref<128x128xf32, #tpu.memory_space<hbm>>)
      tpu.yield
    }) : () -> ()
    %scan3A_119 = arith.constant 0 : i32
    %scan3A_120 = arith.constant 0 : i32
    %scan3A_121 = arith.constant 16 : i32
    %scan3A_122 = arith.addi %scan3A_120, %scan3A_121 : i32
    %scan3A_123 = arith.constant 1 : i32
    scf.for %scan3A_125 = %scan3A_120 to %scan3A_122 step %scan3A_123  : i32 {
      %mul3A_126 = arith.constant 8 : i32
      %mul3A_127 = arith.muli %scan3A_125, %mul3A_126 : i32
      %add3A_128 = arith.constant 0 : i32
      %add3A_129 = arith.addi %mul3A_127, %add3A_128 : i32
      %broadcast_in_dim3A_130 = arith.constant 0.000000e+00 : f32
      %broadcast_in_dim3A_131 = vector.broadcast %broadcast_in_dim3A_130 : f32 to vector<16xf32>
      %broadcast_in_dim3A_132 = arith.constant 0.000000e+00 : f32
      %broadcast_in_dim3A_133 = vector.broadcast %broadcast_in_dim3A_132 : f32 to vector<16xf32>
      %broadcast_in_dim3A_134 = arith.constant 0.000000e+00 : f32
      %broadcast_in_dim3A_135 = vector.broadcast %broadcast_in_dim3A_134 : f32 to vector<16xf32>
      %broadcast_in_dim3A_136 = arith.constant 0.000000e+00 : f32
      %broadcast_in_dim3A_137 = vector.broadcast %broadcast_in_dim3A_136 : f32 to vector<16xf32>
      %broadcast_in_dim3A_138 = arith.constant 0.000000e+00 : f32
      %broadcast_in_dim3A_139 = vector.broadcast %broadcast_in_dim3A_138 : f32 to vector<16xf32>
      %broadcast_in_dim3A_140 = arith.constant 0.000000e+00 : f32
      %broadcast_in_dim3A_141 = vector.broadcast %broadcast_in_dim3A_140 : f32 to vector<16xf32>
      %broadcast_in_dim3A_142 = arith.constant 0.000000e+00 : f32
      %broadcast_in_dim3A_143 = vector.broadcast %broadcast_in_dim3A_142 : f32 to vector<16xf32>
      %broadcast_in_dim3A_144 = arith.constant 0.000000e+00 : f32
      %broadcast_in_dim3A_145 = vector.broadcast %broadcast_in_dim3A_144 : f32 to vector<16xf32>
      %scan3A_146 = arith.constant 0 : i32
      %scan3A_147 = arith.constant 56 : i32
      %scan3A_148 = arith.addi %scan3A_146, %scan3A_147 : i32
      %scan3A_149 = arith.constant 1 : i32
      %scan3A_150:8 = scf.for %scan3A_654 = %scan3A_146 to %scan3A_148 step %scan3A_149 iter_args(%scan3A_655 = %broadcast_in_dim3A_131, %scan3A_656 = %broadcast_in_dim3A_133, %scan3A_657 = %broadcast_in_dim3A_135, %scan3A_658 = %broadcast_in_dim3A_137, %scan3A_659 = %broadcast_in_dim3A_139, %scan3A_660 = %broadcast_in_dim3A_141, %scan3A_661 = %broadcast_in_dim3A_143, %scan3A_662 = %broadcast_in_dim3A_145) -> (vector<16xf32>, vector<16xf32>, vector<16xf32>, vector<16xf32>, vector<16xf32>, vector<16xf32>, vector<16xf32>, vector<16xf32>)  : i32 {
        %get3A_663 = arith.constant 0 : i32
        %get3A_664 = arith.index_cast %get3A_663 : i32 to index
        %get3A_665 = arith.index_cast %scan3A_654 : i32 to index
        %get3A_666 = arith.constant 0 : index
        %get3A_667 = tpu.vector_load %arg12[%get3A_664, %get3A_665, %get3A_666] {strides = array<i32>} : memref<8x56x128xf32, #tpu.memory_space<vmem>>, vector<1x1x16xf32>,
        %get3A_668 = vector.shape_cast %get3A_667 : vector<1x1x16xf32> to vector<16xf32>
        %add3A_669 = arith.addf %scan3A_655, %get3A_668 : vector<16xf32>
        %get3A_670 = arith.constant 0 : i32
        %get3A_671 = arith.index_cast %get3A_670 : i32 to index
        %get3A_672 = arith.index_cast %scan3A_654 : i32 to index
        %get3A_673 = arith.constant 16 : index
        %get3A_674 = tpu.vector_load %arg12[%get3A_671, %get3A_672, %get3A_673] {strides = array<i32>} : memref<8x56x128xf32, #tpu.memory_space<vmem>>, vector<1x1x16xf32>,
        %get3A_675 = vector.shape_cast %get3A_674 : vector<1x1x16xf32> to vector<16xf32>
        %add3A_676 = arith.addf %scan3A_656, %get3A_675 : vector<16xf32>
        %get3A_677 = arith.constant 0 : i32
        %get3A_678 = arith.index_cast %get3A_677 : i32 to index
        %get3A_679 = arith.index_cast %scan3A_654 : i32 to index
        %get3A_680 = arith.constant 32 : index
        %get3A_681 = tpu.vector_load %arg12[%get3A_678, %get3A_679, %get3A_680] {strides = array<i32>} : memref<8x56x128xf32, #tpu.memory_space<vmem>>, vector<1x1x16xf32>,
        %get3A_682 = vector.shape_cast %get3A_681 : vector<1x1x16xf32> to vector<16xf32>
        %add3A_683 = arith.addf %scan3A_657, %get3A_682 : vector<16xf32>
        %get3A_684 = arith.constant 0 : i32
        %get3A_685 = arith.index_cast %get3A_684 : i32 to index
        %get3A_686 = arith.index_cast %scan3A_654 : i32 to index
        %get3A_687 = arith.constant 48 : index
        %get3A_688 = tpu.vector_load %arg12[%get3A_685, %get3A_686, %get3A_687] {strides = array<i32>} : memref<8x56x128xf32, #tpu.memory_space<vmem>>, vector<1x1x16xf32>,
        %get3A_689 = vector.shape_cast %get3A_688 : vector<1x1x16xf32> to vector<16xf32>
        %add3A_690 = arith.addf %scan3A_658, %get3A_689 : vector<16xf32>
        %get3A_691 = arith.constant 0 : i32
        %get3A_692 = arith.index_cast %get3A_691 : i32 to index
        %get3A_693 = arith.index_cast %scan3A_654 : i32 to index
        %get3A_694 = arith.constant 64 : index
        %get3A_695 = tpu.vector_load %arg12[%get3A_692, %get3A_693, %get3A_694] {strides = array<i32>} : memref<8x56x128xf32, #tpu.memory_space<vmem>>, vector<1x1x16xf32>,
        %get3A_696 = vector.shape_cast %get3A_695 : vector<1x1x16xf32> to vector<16xf32>
        %add3A_697 = arith.addf %scan3A_659, %get3A_696 : vector<16xf32>
        %get3A_698 = arith.constant 0 : i32
        %get3A_699 = arith.index_cast %get3A_698 : i32 to index
        %get3A_700 = arith.index_cast %scan3A_654 : i32 to index
        %get3A_701 = arith.constant 80 : index
        %get3A_702 = tpu.vector_load %arg12[%get3A_699, %get3A_700, %get3A_701] {strides = array<i32>} : memref<8x56x128xf32, #tpu.memory_space<vmem>>, vector<1x1x16xf32>,
        %get3A_703 = vector.shape_cast %get3A_702 : vector<1x1x16xf32> to vector<16xf32>
        %add3A_704 = arith.addf %scan3A_660, %get3A_703 : vector<16xf32>
        %get3A_705 = arith.constant 0 : i32
        %get3A_706 = arith.index_cast %get3A_705 : i32 to index
        %get3A_707 = arith.index_cast %scan3A_654 : i32 to index
        %get3A_708 = arith.constant 96 : index
        %get3A_709 = tpu.vector_load %arg12[%get3A_706, %get3A_707, %get3A_708] {strides = array<i32>} : memref<8x56x128xf32, #tpu.memory_space<vmem>>, vector<1x1x16xf32>,
        %get3A_710 = vector.shape_cast %get3A_709 : vector<1x1x16xf32> to vector<16xf32>
        %add3A_711 = arith.addf %scan3A_661, %get3A_710 : vector<16xf32>
        %get3A_712 = arith.constant 0 : i32
        %get3A_713 = arith.index_cast %get3A_712 : i32 to index
        %get3A_714 = arith.index_cast %scan3A_654 : i32 to index
        %get3A_715 = arith.constant 112 : index
        %get3A_716 = tpu.vector_load %arg12[%get3A_713, %get3A_714, %get3A_715] {strides = array<i32>} : memref<8x56x128xf32, #tpu.memory_space<vmem>>, vector<1x1x16xf32>,
        %get3A_717 = vector.shape_cast %get3A_716 : vector<1x1x16xf32> to vector<16xf32>
        %add3A_718 = arith.addf %scan3A_662, %get3A_717 : vector<16xf32>
        scf.yield %add3A_669, %add3A_676, %add3A_683, %add3A_690, %add3A_697, %add3A_704, %add3A_711, %add3A_718 : vector<16xf32>, vector<16xf32>, vector<16xf32>, vector<16xf32>, vector<16xf32>, vector<16xf32>, vector<16xf32>, vector<16xf32>
      }
      %scan3A_151 = arith.constant 56 : i32
      %swap3A_152 = arith.index_cast %add3A_129 : i32 to index
      %swap3A_153 = arith.constant 0 : index
      %swap3A_154 = tpu.vector_load %arg14[%swap3A_152, %swap3A_153] {strides = array<i32>} : memref<128x128xf32, #tpu.memory_space<vmem>>, vector<1x16xf32>,
      %swap3A_155 = vector.shape_cast %swap3A_154 : vector<1x16xf32> to vector<16xf32>
      %swap3A_156 = vector.shape_cast %scan3A_150#0 : vector<16xf32> to vector<1x16xf32>
      tpu.vector_store %arg14[%swap3A_152, %swap3A_153], %swap3A_156 {strides = array<i32>} : memref<128x128xf32, #tpu.memory_space<vmem>>, vector<1x16xf32>,
      %swap3A_157 = arith.index_cast %add3A_129 : i32 to index
      %swap3A_158 = arith.constant 16 : index
      %swap3A_159 = tpu.vector_load %arg14[%swap3A_157, %swap3A_158] {strides = array<i32>} : memref<128x128xf32, #tpu.memory_space<vmem>>, vector<1x16xf32>,
      %swap3A_160 = vector.shape_cast %swap3A_159 : vector<1x16xf32> to vector<16xf32>
      %swap3A_161 = vector.shape_cast %scan3A_150#1 : vector<16xf32> to vector<1x16xf32>
      tpu.vector_store %arg14[%swap3A_157, %swap3A_158], %swap3A_161 {strides = array<i32>} : memref<128x128xf32, #tpu.memory_space<vmem>>, vector<1x16xf32>,
      %swap3A_162 = arith.index_cast %add3A_129 : i32 to index
      %swap3A_163 = arith.constant 32 : index
      %swap3A_164 = tpu.vector_load %arg14[%swap3A_162, %swap3A_163] {strides = array<i32>} : memref<128x128xf32, #tpu.memory_space<vmem>>, vector<1x16xf32>,
      %swap3A_165 = vector.shape_cast %swap3A_164 : vector<1x16xf32> to vector<16xf32>
      %swap3A_166 = vector.shape_cast %scan3A_150#2 : vector<16xf32> to vector<1x16xf32>
      tpu.vector_store %arg14[%swap3A_162, %swap3A_163], %swap3A_166 {strides = array<i32>} : memref<128x128xf32, #tpu.memory_space<vmem>>, vector<1x16xf32>,
      %swap3A_167 = arith.index_cast %add3A_129 : i32 to index
      %swap3A_168 = arith.constant 48 : index
      %swap3A_169 = tpu.vector_load %arg14[%swap3A_167, %swap3A_168] {strides = array<i32>} : memref<128x128xf32, #tpu.memory_space<vmem>>, vector<1x16xf32>,
      %swap3A_170 = vector.shape_cast %swap3A_169 : vector<1x16xf32> to vector<16xf32>
      %swap3A_171 = vector.shape_cast %scan3A_150#3 : vector<16xf32> to vector<1x16xf32>
      tpu.vector_store %arg14[%swap3A_167, %swap3A_168], %swap3A_171 {strides = array<i32>} : memref<128x128xf32, #tpu.memory_space<vmem>>, vector<1x16xf32>,
      %swap3A_172 = arith.index_cast %add3A_129 : i32 to index
      %swap3A_173 = arith.constant 64 : index
      %swap3A_174 = tpu.vector_load %arg14[%swap3A_172, %swap3A_173] {strides = array<i32>} : memref<128x128xf32, #tpu.memory_space<vmem>>, vector<1x16xf32>,
      %swap3A_175 = vector.shape_cast %swap3A_174 : vector<1x16xf32> to vector<16xf32>
      %swap3A_176 = vector.shape_cast %scan3A_150#4 : vector<16xf32> to vector<1x16xf32>
      tpu.vector_store %arg14[%swap3A_172, %swap3A_173], %swap3A_176 {strides = array<i32>} : memref<128x128xf32, #tpu.memory_space<vmem>>, vector<1x16xf32>,
      %swap3A_177 = arith.index_cast %add3A_129 : i32 to index
      %swap3A_178 = arith.constant 80 : index
      %swap3A_179 = tpu.vector_load %arg14[%swap3A_177, %swap3A_178] {strides = array<i32>} : memref<128x128xf32, #tpu.memory_space<vmem>>, vector<1x16xf32>,
      %swap3A_180 = vector.shape_cast %swap3A_179 : vector<1x16xf32> to vector<16xf32>
      %swap3A_181 = vector.shape_cast %scan3A_150#5 : vector<16xf32> to vector<1x16xf32>
      tpu.vector_store %arg14[%swap3A_177, %swap3A_178], %swap3A_181 {strides = array<i32>} : memref<128x128xf32, #tpu.memory_space<vmem>>, vector<1x16xf32>,
      %swap3A_182 = arith.index_cast %add3A_129 : i32 to index
      %swap3A_183 = arith.constant 96 : index
      %swap3A_184 = tpu.vector_load %arg14[%swap3A_182, %swap3A_183] {strides = array<i32>} : memref<128x128xf32, #tpu.memory_space<vmem>>, vector<1x16xf32>,
      %swap3A_185 = vector.shape_cast %swap3A_184 : vector<1x16xf32> to vector<16xf32>
      %swap3A_186 = vector.shape_cast %scan3A_150#6 : vector<16xf32> to vector<1x16xf32>
      tpu.vector_store %arg14[%swap3A_182, %swap3A_183], %swap3A_186 {strides = array<i32>} : memref<128x128xf32, #tpu.memory_space<vmem>>, vector<1x16xf32>,
      %swap3A_187 = arith.index_cast %add3A_129 : i32 to index
      %swap3A_188 = arith.constant 112 : index
      %swap3A_189 = tpu.vector_load %arg14[%swap3A_187, %swap3A_188] {strides = array<i32>} : memref<128x128xf32, #tpu.memory_space<vmem>>, vector<1x16xf32>,
      %swap3A_190 = vector.shape_cast %swap3A_189 : vector<1x16xf32> to vector<16xf32>
      %swap3A_191 = vector.shape_cast %scan3A_150#7 : vector<16xf32> to vector<1x16xf32>
      tpu.vector_store %arg14[%swap3A_187, %swap3A_188], %swap3A_191 {strides = array<i32>} : memref<128x128xf32, #tpu.memory_space<vmem>>, vector<1x16xf32>,
      %mul3A_192 = arith.constant 8 : i32
      %mul3A_193 = arith.muli %scan3A_125, %mul3A_192 : i32
      %add3A_194 = arith.constant 1 : i32
      %add3A_195 = arith.addi %mul3A_193, %add3A_194 : i32
      %broadcast_in_dim3A_196 = arith.constant 0.000000e+00 : f32
      %broadcast_in_dim3A_197 = vector.broadcast %broadcast_in_dim3A_196 : f32 to vector<16xf32>
      %broadcast_in_dim3A_198 = arith.constant 0.000000e+00 : f32
      %broadcast_in_dim3A_199 = vector.broadcast %broadcast_in_dim3A_198 : f32 to vector<16xf32>
      %broadcast_in_dim3A_200 = arith.constant 0.000000e+00 : f32
      %broadcast_in_dim3A_201 = vector.broadcast %broadcast_in_dim3A_200 : f32 to vector<16xf32>
      %broadcast_in_dim3A_202 = arith.constant 0.000000e+00 : f32
      %broadcast_in_dim3A_203 = vector.broadcast %broadcast_in_dim3A_202 : f32 to vector<16xf32>
      %broadcast_in_dim3A_204 = arith.constant 0.000000e+00 : f32
      %broadcast_in_dim3A_205 = vector.broadcast %broadcast_in_dim3A_204 : f32 to vector<16xf32>
      %broadcast_in_dim3A_206 = arith.constant 0.000000e+00 : f32
      %broadcast_in_dim3A_207 = vector.broadcast %broadcast_in_dim3A_206 : f32 to vector<16xf32>
      %broadcast_in_dim3A_208 = arith.constant 0.000000e+00 : f32
      %broadcast_in_dim3A_209 = vector.broadcast %broadcast_in_dim3A_208 : f32 to vector<16xf32>
      %broadcast_in_dim3A_210 = arith.constant 0.000000e+00 : f32
      %broadcast_in_dim3A_211 = vector.broadcast %broadcast_in_dim3A_210 : f32 to vector<16xf32>
      %scan3A_212 = arith.constant 0 : i32
      %scan3A_213 = arith.constant 56 : i32
      %scan3A_214 = arith.addi %scan3A_212, %scan3A_213 : i32
      %scan3A_215 = arith.constant 1 : i32
      %scan3A_216:8 = scf.for %scan3A_654 = %scan3A_212 to %scan3A_214 step %scan3A_215 iter_args(%scan3A_655 = %broadcast_in_dim3A_197, %scan3A_656 = %broadcast_in_dim3A_199, %scan3A_657 = %broadcast_in_dim3A_201, %scan3A_658 = %broadcast_in_dim3A_203, %scan3A_659 = %broadcast_in_dim3A_205, %scan3A_660 = %broadcast_in_dim3A_207, %scan3A_661 = %broadcast_in_dim3A_209, %scan3A_662 = %broadcast_in_dim3A_211) -> (vector<16xf32>, vector<16xf32>, vector<16xf32>, vector<16xf32>, vector<16xf32>, vector<16xf32>, vector<16xf32>, vector<16xf32>)  : i32 {
        %get3A_663 = arith.constant 1 : i32
        %get3A_664 = arith.index_cast %get3A_663 : i32 to index
        %get3A_665 = arith.index_cast %scan3A_654 : i32 to index
        %get3A_666 = arith.constant 0 : index
        %get3A_667 = tpu.vector_load %arg12[%get3A_664, %get3A_665, %get3A_666] {strides = array<i32>} : memref<8x56x128xf32, #tpu.memory_space<vmem>>, vector<1x1x16xf32>,
        %get3A_668 = vector.shape_cast %get3A_667 : vector<1x1x16xf32> to vector<16xf32>
        %add3A_669 = arith.addf %scan3A_655, %get3A_668 : vector<16xf32>
        %get3A_670 = arith.constant 1 : i32
        %get3A_671 = arith.index_cast %get3A_670 : i32 to index
        %get3A_672 = arith.index_cast %scan3A_654 : i32 to index
        %get3A_673 = arith.constant 16 : index
        %get3A_674 = tpu.vector_load %arg12[%get3A_671, %get3A_672, %get3A_673] {strides = array<i32>} : memref<8x56x128xf32, #tpu.memory_space<vmem>>, vector<1x1x16xf32>,
        %get3A_675 = vector.shape_cast %get3A_674 : vector<1x1x16xf32> to vector<16xf32>
        %add3A_676 = arith.addf %scan3A_656, %get3A_675 : vector<16xf32>
        %get3A_677 = arith.constant 1 : i32
        %get3A_678 = arith.index_cast %get3A_677 : i32 to index
        %get3A_679 = arith.index_cast %scan3A_654 : i32 to index
        %get3A_680 = arith.constant 32 : index
        %get3A_681 = tpu.vector_load %arg12[%get3A_678, %get3A_679, %get3A_680] {strides = array<i32>} : memref<8x56x128xf32, #tpu.memory_space<vmem>>, vector<1x1x16xf32>,
        %get3A_682 = vector.shape_cast %get3A_681 : vector<1x1x16xf32> to vector<16xf32>
        %add3A_683 = arith.addf %scan3A_657, %get3A_682 : vector<16xf32>
        %get3A_684 = arith.constant 1 : i32
        %get3A_685 = arith.index_cast %get3A_684 : i32 to index
        %get3A_686 = arith.index_cast %scan3A_654 : i32 to index
        %get3A_687 = arith.constant 48 : index
        %get3A_688 = tpu.vector_load %arg12[%get3A_685, %get3A_686, %get3A_687] {strides = array<i32>} : memref<8x56x128xf32, #tpu.memory_space<vmem>>, vector<1x1x16xf32>,
        %get3A_689 = vector.shape_cast %get3A_688 : vector<1x1x16xf32> to vector<16xf32>
        %add3A_690 = arith.addf %scan3A_658, %get3A_689 : vector<16xf32>
        %get3A_691 = arith.constant 1 : i32
        %get3A_692 = arith.index_cast %get3A_691 : i32 to index
        %get3A_693 = arith.index_cast %scan3A_654 : i32 to index
        %get3A_694 = arith.constant 64 : index
        %get3A_695 = tpu.vector_load %arg12[%get3A_692, %get3A_693, %get3A_694] {strides = array<i32>} : memref<8x56x128xf32, #tpu.memory_space<vmem>>, vector<1x1x16xf32>,
        %get3A_696 = vector.shape_cast %get3A_695 : vector<1x1x16xf32> to vector<16xf32>
        %add3A_697 = arith.addf %scan3A_659, %get3A_696 : vector<16xf32>
        %get3A_698 = arith.constant 1 : i32
        %get3A_699 = arith.index_cast %get3A_698 : i32 to index
        %get3A_700 = arith.index_cast %scan3A_654 : i32 to index
        %get3A_701 = arith.constant 80 : index
        %get3A_702 = tpu.vector_load %arg12[%get3A_699, %get3A_700, %get3A_701] {strides = array<i32>} : memref<8x56x128xf32, #tpu.memory_space<vmem>>, vector<1x1x16xf32>,
        %get3A_703 = vector.shape_cast %get3A_702 : vector<1x1x16xf32> to vector<16xf32>
        %add3A_704 = arith.addf %scan3A_660, %get3A_703 : vector<16xf32>
        %get3A_705 = arith.constant 1 : i32
        %get3A_706 = arith.index_cast %get3A_705 : i32 to index
        %get3A_707 = arith.index_cast %scan3A_654 : i32 to index
        %get3A_708 = arith.constant 96 : index
        %get3A_709 = tpu.vector_load %arg12[%get3A_706, %get3A_707, %get3A_708] {strides = array<i32>} : memref<8x56x128xf32, #tpu.memory_space<vmem>>, vector<1x1x16xf32>,
        %get3A_710 = vector.shape_cast %get3A_709 : vector<1x1x16xf32> to vector<16xf32>
        %add3A_711 = arith.addf %scan3A_661, %get3A_710 : vector<16xf32>
        %get3A_712 = arith.constant 1 : i32
        %get3A_713 = arith.index_cast %get3A_712 : i32 to index
        %get3A_714 = arith.index_cast %scan3A_654 : i32 to index
        %get3A_715 = arith.constant 112 : index
        %get3A_716 = tpu.vector_load %arg12[%get3A_713, %get3A_714, %get3A_715] {strides = array<i32>} : memref<8x56x128xf32, #tpu.memory_space<vmem>>, vector<1x1x16xf32>,
        %get3A_717 = vector.shape_cast %get3A_716 : vector<1x1x16xf32> to vector<16xf32>
        %add3A_718 = arith.addf %scan3A_662, %get3A_717 : vector<16xf32>
        scf.yield %add3A_669, %add3A_676, %add3A_683, %add3A_690, %add3A_697, %add3A_704, %add3A_711, %add3A_718 : vector<16xf32>, vector<16xf32>, vector<16xf32>, vector<16xf32>, vector<16xf32>, vector<16xf32>, vector<16xf32>, vector<16xf32>
      }
      %scan3A_217 = arith.constant 56 : i32
      %swap3A_218 = arith.index_cast %add3A_195 : i32 to index
      %swap3A_219 = arith.constant 0 : index
      %swap3A_220 = tpu.vector_load %arg14[%swap3A_218, %swap3A_219] {strides = array<i32>} : memref<128x128xf32, #tpu.memory_space<vmem>>, vector<1x16xf32>,
      %swap3A_221 = vector.shape_cast %swap3A_220 : vector<1x16xf32> to vector<16xf32>
      %swap3A_222 = vector.shape_cast %scan3A_216#0 : vector<16xf32> to vector<1x16xf32>
      tpu.vector_store %arg14[%swap3A_218, %swap3A_219], %swap3A_222 {strides = array<i32>} : memref<128x128xf32, #tpu.memory_space<vmem>>, vector<1x16xf32>,
      %swap3A_223 = arith.index_cast %add3A_195 : i32 to index
      %swap3A_224 = arith.constant 16 : index
      %swap3A_225 = tpu.vector_load %arg14[%swap3A_223, %swap3A_224] {strides = array<i32>} : memref<128x128xf32, #tpu.memory_space<vmem>>, vector<1x16xf32>,
      %swap3A_226 = vector.shape_cast %swap3A_225 : vector<1x16xf32> to vector<16xf32>
      %swap3A_227 = vector.shape_cast %scan3A_216#1 : vector<16xf32> to vector<1x16xf32>
      tpu.vector_store %arg14[%swap3A_223, %swap3A_224], %swap3A_227 {strides = array<i32>} : memref<128x128xf32, #tpu.memory_space<vmem>>, vector<1x16xf32>,
      %swap3A_228 = arith.index_cast %add3A_195 : i32 to index
      %swap3A_229 = arith.constant 32 : index
      %swap3A_230 = tpu.vector_load %arg14[%swap3A_228, %swap3A_229] {strides = array<i32>} : memref<128x128xf32, #tpu.memory_space<vmem>>, vector<1x16xf32>,
      %swap3A_231 = vector.shape_cast %swap3A_230 : vector<1x16xf32> to vector<16xf32>
      %swap3A_232 = vector.shape_cast %scan3A_216#2 : vector<16xf32> to vector<1x16xf32>
      tpu.vector_store %arg14[%swap3A_228, %swap3A_229], %swap3A_232 {strides = array<i32>} : memref<128x128xf32, #tpu.memory_space<vmem>>, vector<1x16xf32>,
      %swap3A_233 = arith.index_cast %add3A_195 : i32 to index
      %swap3A_234 = arith.constant 48 : index
      %swap3A_235 = tpu.vector_load %arg14[%swap3A_233, %swap3A_234] {strides = array<i32>} : memref<128x128xf32, #tpu.memory_space<vmem>>, vector<1x16xf32>,
      %swap3A_236 = vector.shape_cast %swap3A_235 : vector<1x16xf32> to vector<16xf32>
      %swap3A_237 = vector.shape_cast %scan3A_216#3 : vector<16xf32> to vector<1x16xf32>
      tpu.vector_store %arg14[%swap3A_233, %swap3A_234], %swap3A_237 {strides = array<i32>} : memref<128x128xf32, #tpu.memory_space<vmem>>, vector<1x16xf32>,
      %swap3A_238 = arith.index_cast %add3A_195 : i32 to index
      %swap3A_239 = arith.constant 64 : index
      %swap3A_240 = tpu.vector_load %arg14[%swap3A_238, %swap3A_239] {strides = array<i32>} : memref<128x128xf32, #tpu.memory_space<vmem>>, vector<1x16xf32>,
      %swap3A_241 = vector.shape_cast %swap3A_240 : vector<1x16xf32> to vector<16xf32>
      %swap3A_242 = vector.shape_cast %scan3A_216#4 : vector<16xf32> to vector<1x16xf32>
      tpu.vector_store %arg14[%swap3A_238, %swap3A_239], %swap3A_242 {strides = array<i32>} : memref<128x128xf32, #tpu.memory_space<vmem>>, vector<1x16xf32>,
      %swap3A_243 = arith.index_cast %add3A_195 : i32 to index
      %swap3A_244 = arith.constant 80 : index
      %swap3A_245 = tpu.vector_load %arg14[%swap3A_243, %swap3A_244] {strides = array<i32>} : memref<128x128xf32, #tpu.memory_space<vmem>>, vector<1x16xf32>,
      %swap3A_246 = vector.shape_cast %swap3A_245 : vector<1x16xf32> to vector<16xf32>
      %swap3A_247 = vector.shape_cast %scan3A_216#5 : vector<16xf32> to vector<1x16xf32>
      tpu.vector_store %arg14[%swap3A_243, %swap3A_244], %swap3A_247 {strides = array<i32>} : memref<128x128xf32, #tpu.memory_space<vmem>>, vector<1x16xf32>,
      %swap3A_248 = arith.index_cast %add3A_195 : i32 to index
      %swap3A_249 = arith.constant 96 : index
      %swap3A_250 = tpu.vector_load %arg14[%swap3A_248, %swap3A_249] {strides = array<i32>} : memref<128x128xf32, #tpu.memory_space<vmem>>, vector<1x16xf32>,
      %swap3A_251 = vector.shape_cast %swap3A_250 : vector<1x16xf32> to vector<16xf32>
      %swap3A_252 = vector.shape_cast %scan3A_216#6 : vector<16xf32> to vector<1x16xf32>
      tpu.vector_store %arg14[%swap3A_248, %swap3A_249], %swap3A_252 {strides = array<i32>} : memref<128x128xf32, #tpu.memory_space<vmem>>, vector<1x16xf32>,
      %swap3A_253 = arith.index_cast %add3A_195 : i32 to index
      %swap3A_254 = arith.constant 112 : index
      %swap3A_255 = tpu.vector_load %arg14[%swap3A_253, %swap3A_254] {strides = array<i32>} : memref<128x128xf32, #tpu.memory_space<vmem>>, vector<1x16xf32>,
      %swap3A_256 = vector.shape_cast %swap3A_255 : vector<1x16xf32> to vector<16xf32>
      %swap3A_257 = vector.shape_cast %scan3A_216#7 : vector<16xf32> to vector<1x16xf32>
      tpu.vector_store %arg14[%swap3A_253, %swap3A_254], %swap3A_257 {strides = array<i32>} : memref<128x128xf32, #tpu.memory_space<vmem>>, vector<1x16xf32>,
      %mul3A_258 = arith.constant 8 : i32
      %mul3A_259 = arith.muli %scan3A_125, %mul3A_258 : i32
      %add3A_260 = arith.constant 2 : i32
      %add3A_261 = arith.addi %mul3A_259, %add3A_260 : i32
      %broadcast_in_dim3A_262 = arith.constant 0.000000e+00 : f32
      %broadcast_in_dim3A_263 = vector.broadcast %broadcast_in_dim3A_262 : f32 to vector<16xf32>
      %broadcast_in_dim3A_264 = arith.constant 0.000000e+00 : f32
      %broadcast_in_dim3A_265 = vector.broadcast %broadcast_in_dim3A_264 : f32 to vector<16xf32>
      %broadcast_in_dim3A_266 = arith.constant 0.000000e+00 : f32
      %broadcast_in_dim3A_267 = vector.broadcast %broadcast_in_dim3A_266 : f32 to vector<16xf32>
      %broadcast_in_dim3A_268 = arith.constant 0.000000e+00 : f32
      %broadcast_in_dim3A_269 = vector.broadcast %broadcast_in_dim3A_268 : f32 to vector<16xf32>
      %broadcast_in_dim3A_270 = arith.constant 0.000000e+00 : f32
      %broadcast_in_dim3A_271 = vector.broadcast %broadcast_in_dim3A_270 : f32 to vector<16xf32>
      %broadcast_in_dim3A_272 = arith.constant 0.000000e+00 : f32
      %broadcast_in_dim3A_273 = vector.broadcast %broadcast_in_dim3A_272 : f32 to vector<16xf32>
      %broadcast_in_dim3A_274 = arith.constant 0.000000e+00 : f32
      %broadcast_in_dim3A_275 = vector.broadcast %broadcast_in_dim3A_274 : f32 to vector<16xf32>
      %broadcast_in_dim3A_276 = arith.constant 0.000000e+00 : f32
      %broadcast_in_dim3A_277 = vector.broadcast %broadcast_in_dim3A_276 : f32 to vector<16xf32>
      %scan3A_278 = arith.constant 0 : i32
      %scan3A_279 = arith.constant 56 : i32
      %scan3A_280 = arith.addi %scan3A_278, %scan3A_279 : i32
      %scan3A_281 = arith.constant 1 : i32
      %scan3A_282:8 = scf.for %scan3A_654 = %scan3A_278 to %scan3A_280 step %scan3A_281 iter_args(%scan3A_655 = %broadcast_in_dim3A_263, %scan3A_656 = %broadcast_in_dim3A_265, %scan3A_657 = %broadcast_in_dim3A_267, %scan3A_658 = %broadcast_in_dim3A_269, %scan3A_659 = %broadcast_in_dim3A_271, %scan3A_660 = %broadcast_in_dim3A_273, %scan3A_661 = %broadcast_in_dim3A_275, %scan3A_662 = %broadcast_in_dim3A_277) -> (vector<16xf32>, vector<16xf32>, vector<16xf32>, vector<16xf32>, vector<16xf32>, vector<16xf32>, vector<16xf32>, vector<16xf32>)  : i32 {
        %get3A_663 = arith.constant 2 : i32
        %get3A_664 = arith.index_cast %get3A_663 : i32 to index
        %get3A_665 = arith.index_cast %scan3A_654 : i32 to index
        %get3A_666 = arith.constant 0 : index
        %get3A_667 = tpu.vector_load %arg12[%get3A_664, %get3A_665, %get3A_666] {strides = array<i32>} : memref<8x56x128xf32, #tpu.memory_space<vmem>>, vector<1x1x16xf32>,
        %get3A_668 = vector.shape_cast %get3A_667 : vector<1x1x16xf32> to vector<16xf32>
        %add3A_669 = arith.addf %scan3A_655, %get3A_668 : vector<16xf32>
        %get3A_670 = arith.constant 2 : i32
        %get3A_671 = arith.index_cast %get3A_670 : i32 to index
        %get3A_672 = arith.index_cast %scan3A_654 : i32 to index
        %get3A_673 = arith.constant 16 : index
        %get3A_674 = tpu.vector_load %arg12[%get3A_671, %get3A_672, %get3A_673] {strides = array<i32>} : memref<8x56x128xf32, #tpu.memory_space<vmem>>, vector<1x1x16xf32>,
        %get3A_675 = vector.shape_cast %get3A_674 : vector<1x1x16xf32> to vector<16xf32>
        %add3A_676 = arith.addf %scan3A_656, %get3A_675 : vector<16xf32>
        %get3A_677 = arith.constant 2 : i32
        %get3A_678 = arith.index_cast %get3A_677 : i32 to index
        %get3A_679 = arith.index_cast %scan3A_654 : i32 to index
        %get3A_680 = arith.constant 32 : index
        %get3A_681 = tpu.vector_load %arg12[%get3A_678, %get3A_679, %get3A_680] {strides = array<i32>} : memref<8x56x128xf32, #tpu.memory_space<vmem>>, vector<1x1x16xf32>,
        %get3A_682 = vector.shape_cast %get3A_681 : vector<1x1x16xf32> to vector<16xf32>
        %add3A_683 = arith.addf %scan3A_657, %get3A_682 : vector<16xf32>
        %get3A_684 = arith.constant 2 : i32
        %get3A_685 = arith.index_cast %get3A_684 : i32 to index
        %get3A_686 = arith.index_cast %scan3A_654 : i32 to index
        %get3A_687 = arith.constant 48 : index
        %get3A_688 = tpu.vector_load %arg12[%get3A_685, %get3A_686, %get3A_687] {strides = array<i32>} : memref<8x56x128xf32, #tpu.memory_space<vmem>>, vector<1x1x16xf32>,
        %get3A_689 = vector.shape_cast %get3A_688 : vector<1x1x16xf32> to vector<16xf32>
        %add3A_690 = arith.addf %scan3A_658, %get3A_689 : vector<16xf32>
        %get3A_691 = arith.constant 2 : i32
        %get3A_692 = arith.index_cast %get3A_691 : i32 to index
        %get3A_693 = arith.index_cast %scan3A_654 : i32 to index
        %get3A_694 = arith.constant 64 : index
        %get3A_695 = tpu.vector_load %arg12[%get3A_692, %get3A_693, %get3A_694] {strides = array<i32>} : memref<8x56x128xf32, #tpu.memory_space<vmem>>, vector<1x1x16xf32>,
        %get3A_696 = vector.shape_cast %get3A_695 : vector<1x1x16xf32> to vector<16xf32>
        %add3A_697 = arith.addf %scan3A_659, %get3A_696 : vector<16xf32>
        %get3A_698 = arith.constant 2 : i32
        %get3A_699 = arith.index_cast %get3A_698 : i32 to index
        %get3A_700 = arith.index_cast %scan3A_654 : i32 to index
        %get3A_701 = arith.constant 80 : index
        %get3A_702 = tpu.vector_load %arg12[%get3A_699, %get3A_700, %get3A_701] {strides = array<i32>} : memref<8x56x128xf32, #tpu.memory_space<vmem>>, vector<1x1x16xf32>,
        %get3A_703 = vector.shape_cast %get3A_702 : vector<1x1x16xf32> to vector<16xf32>
        %add3A_704 = arith.addf %scan3A_660, %get3A_703 : vector<16xf32>
        %get3A_705 = arith.constant 2 : i32
        %get3A_706 = arith.index_cast %get3A_705 : i32 to index
        %get3A_707 = arith.index_cast %scan3A_654 : i32 to index
        %get3A_708 = arith.constant 96 : index
        %get3A_709 = tpu.vector_load %arg12[%get3A_706, %get3A_707, %get3A_708] {strides = array<i32>} : memref<8x56x128xf32, #tpu.memory_space<vmem>>, vector<1x1x16xf32>,
        %get3A_710 = vector.shape_cast %get3A_709 : vector<1x1x16xf32> to vector<16xf32>
        %add3A_711 = arith.addf %scan3A_661, %get3A_710 : vector<16xf32>
        %get3A_712 = arith.constant 2 : i32
        %get3A_713 = arith.index_cast %get3A_712 : i32 to index
        %get3A_714 = arith.index_cast %scan3A_654 : i32 to index
        %get3A_715 = arith.constant 112 : index
        %get3A_716 = tpu.vector_load %arg12[%get3A_713, %get3A_714, %get3A_715] {strides = array<i32>} : memref<8x56x128xf32, #tpu.memory_space<vmem>>, vector<1x1x16xf32>,
        %get3A_717 = vector.shape_cast %get3A_716 : vector<1x1x16xf32> to vector<16xf32>
        %add3A_718 = arith.addf %scan3A_662, %get3A_717 : vector<16xf32>
        scf.yield %add3A_669, %add3A_676, %add3A_683, %add3A_690, %add3A_697, %add3A_704, %add3A_711, %add3A_718 : vector<16xf32>, vector<16xf32>, vector<16xf32>, vector<16xf32>, vector<16xf32>, vector<16xf32>, vector<16xf32>, vector<16xf32>
      }
      %scan3A_283 = arith.constant 56 : i32
      %swap3A_284 = arith.index_cast %add3A_261 : i32 to index
      %swap3A_285 = arith.constant 0 : index
      %swap3A_286 = tpu.vector_load %arg14[%swap3A_284, %swap3A_285] {strides = array<i32>} : memref<128x128xf32, #tpu.memory_space<vmem>>, vector<1x16xf32>,
      %swap3A_287 = vector.shape_cast %swap3A_286 : vector<1x16xf32> to vector<16xf32>
      %swap3A_288 = vector.shape_cast %scan3A_282#0 : vector<16xf32> to vector<1x16xf32>
      tpu.vector_store %arg14[%swap3A_284, %swap3A_285], %swap3A_288 {strides = array<i32>} : memref<128x128xf32, #tpu.memory_space<vmem>>, vector<1x16xf32>,
      %swap3A_289 = arith.index_cast %add3A_261 : i32 to index
      %swap3A_290 = arith.constant 16 : index
      %swap3A_291 = tpu.vector_load %arg14[%swap3A_289, %swap3A_290] {strides = array<i32>} : memref<128x128xf32, #tpu.memory_space<vmem>>, vector<1x16xf32>,
      %swap3A_292 = vector.shape_cast %swap3A_291 : vector<1x16xf32> to vector<16xf32>
      %swap3A_293 = vector.shape_cast %scan3A_282#1 : vector<16xf32> to vector<1x16xf32>
      tpu.vector_store %arg14[%swap3A_289, %swap3A_290], %swap3A_293 {strides = array<i32>} : memref<128x128xf32, #tpu.memory_space<vmem>>, vector<1x16xf32>,
      %swap3A_294 = arith.index_cast %add3A_261 : i32 to index
      %swap3A_295 = arith.constant 32 : index
      %swap3A_296 = tpu.vector_load %arg14[%swap3A_294, %swap3A_295] {strides = array<i32>} : memref<128x128xf32, #tpu.memory_space<vmem>>, vector<1x16xf32>,
      %swap3A_297 = vector.shape_cast %swap3A_296 : vector<1x16xf32> to vector<16xf32>
      %swap3A_298 = vector.shape_cast %scan3A_282#2 : vector<16xf32> to vector<1x16xf32>
      tpu.vector_store %arg14[%swap3A_294, %swap3A_295], %swap3A_298 {strides = array<i32>} : memref<128x128xf32, #tpu.memory_space<vmem>>, vector<1x16xf32>,
      %swap3A_299 = arith.index_cast %add3A_261 : i32 to index
      %swap3A_300 = arith.constant 48 : index
      %swap3A_301 = tpu.vector_load %arg14[%swap3A_299, %swap3A_300] {strides = array<i32>} : memref<128x128xf32, #tpu.memory_space<vmem>>, vector<1x16xf32>,
      %swap3A_302 = vector.shape_cast %swap3A_301 : vector<1x16xf32> to vector<16xf32>
      %swap3A_303 = vector.shape_cast %scan3A_282#3 : vector<16xf32> to vector<1x16xf32>
      tpu.vector_store %arg14[%swap3A_299, %swap3A_300], %swap3A_303 {strides = array<i32>} : memref<128x128xf32, #tpu.memory_space<vmem>>, vector<1x16xf32>,
      %swap3A_304 = arith.index_cast %add3A_261 : i32 to index
      %swap3A_305 = arith.constant 64 : index
      %swap3A_306 = tpu.vector_load %arg14[%swap3A_304, %swap3A_305] {strides = array<i32>} : memref<128x128xf32, #tpu.memory_space<vmem>>, vector<1x16xf32>,
      %swap3A_307 = vector.shape_cast %swap3A_306 : vector<1x16xf32> to vector<16xf32>
      %swap3A_308 = vector.shape_cast %scan3A_282#4 : vector<16xf32> to vector<1x16xf32>
      tpu.vector_store %arg14[%swap3A_304, %swap3A_305], %swap3A_308 {strides = array<i32>} : memref<128x128xf32, #tpu.memory_space<vmem>>, vector<1x16xf32>,
      %swap3A_309 = arith.index_cast %add3A_261 : i32 to index
      %swap3A_310 = arith.constant 80 : index
      %swap3A_311 = tpu.vector_load %arg14[%swap3A_309, %swap3A_310] {strides = array<i32>} : memref<128x128xf32, #tpu.memory_space<vmem>>, vector<1x16xf32>,
      %swap3A_312 = vector.shape_cast %swap3A_311 : vector<1x16xf32> to vector<16xf32>
      %swap3A_313 = vector.shape_cast %scan3A_282#5 : vector<16xf32> to vector<1x16xf32>
      tpu.vector_store %arg14[%swap3A_309, %swap3A_310], %swap3A_313 {strides = array<i32>} : memref<128x128xf32, #tpu.memory_space<vmem>>, vector<1x16xf32>,
      %swap3A_314 = arith.index_cast %add3A_261 : i32 to index
      %swap3A_315 = arith.constant 96 : index
      %swap3A_316 = tpu.vector_load %arg14[%swap3A_314, %swap3A_315] {strides = array<i32>} : memref<128x128xf32, #tpu.memory_space<vmem>>, vector<1x16xf32>,
      %swap3A_317 = vector.shape_cast %swap3A_316 : vector<1x16xf32> to vector<16xf32>
      %swap3A_318 = vector.shape_cast %scan3A_282#6 : vector<16xf32> to vector<1x16xf32>
      tpu.vector_store %arg14[%swap3A_314, %swap3A_315], %swap3A_318 {strides = array<i32>} : memref<128x128xf32, #tpu.memory_space<vmem>>, vector<1x16xf32>,
      %swap3A_319 = arith.index_cast %add3A_261 : i32 to index
      %swap3A_320 = arith.constant 112 : index
      %swap3A_321 = tpu.vector_load %arg14[%swap3A_319, %swap3A_320] {strides = array<i32>} : memref<128x128xf32, #tpu.memory_space<vmem>>, vector<1x16xf32>,
      %swap3A_322 = vector.shape_cast %swap3A_321 : vector<1x16xf32> to vector<16xf32>
      %swap3A_323 = vector.shape_cast %scan3A_282#7 : vector<16xf32> to vector<1x16xf32>
      tpu.vector_store %arg14[%swap3A_319, %swap3A_320], %swap3A_323 {strides = array<i32>} : memref<128x128xf32, #tpu.memory_space<vmem>>, vector<1x16xf32>,
      %mul3A_324 = arith.constant 8 : i32
      %mul3A_325 = arith.muli %scan3A_125, %mul3A_324 : i32
      %add3A_326 = arith.constant 3 : i32
      %add3A_327 = arith.addi %mul3A_325, %add3A_326 : i32
      %broadcast_in_dim3A_328 = arith.constant 0.000000e+00 : f32
      %broadcast_in_dim3A_329 = vector.broadcast %broadcast_in_dim3A_328 : f32 to vector<16xf32>
      %broadcast_in_dim3A_330 = arith.constant 0.000000e+00 : f32
      %broadcast_in_dim3A_331 = vector.broadcast %broadcast_in_dim3A_330 : f32 to vector<16xf32>
      %broadcast_in_dim3A_332 = arith.constant 0.000000e+00 : f32
      %broadcast_in_dim3A_333 = vector.broadcast %broadcast_in_dim3A_332 : f32 to vector<16xf32>
      %broadcast_in_dim3A_334 = arith.constant 0.000000e+00 : f32
      %broadcast_in_dim3A_335 = vector.broadcast %broadcast_in_dim3A_334 : f32 to vector<16xf32>
      %broadcast_in_dim3A_336 = arith.constant 0.000000e+00 : f32
      %broadcast_in_dim3A_337 = vector.broadcast %broadcast_in_dim3A_336 : f32 to vector<16xf32>
      %broadcast_in_dim3A_338 = arith.constant 0.000000e+00 : f32
      %broadcast_in_dim3A_339 = vector.broadcast %broadcast_in_dim3A_338 : f32 to vector<16xf32>
      %broadcast_in_dim3A_340 = arith.constant 0.000000e+00 : f32
      %broadcast_in_dim3A_341 = vector.broadcast %broadcast_in_dim3A_340 : f32 to vector<16xf32>
      %broadcast_in_dim3A_342 = arith.constant 0.000000e+00 : f32
      %broadcast_in_dim3A_343 = vector.broadcast %broadcast_in_dim3A_342 : f32 to vector<16xf32>
      %scan3A_344 = arith.constant 0 : i32
      %scan3A_345 = arith.constant 56 : i32
      %scan3A_346 = arith.addi %scan3A_344, %scan3A_345 : i32
      %scan3A_347 = arith.constant 1 : i32
      %scan3A_348:8 = scf.for %scan3A_654 = %scan3A_344 to %scan3A_346 step %scan3A_347 iter_args(%scan3A_655 = %broadcast_in_dim3A_329, %scan3A_656 = %broadcast_in_dim3A_331, %scan3A_657 = %broadcast_in_dim3A_333, %scan3A_658 = %broadcast_in_dim3A_335, %scan3A_659 = %broadcast_in_dim3A_337, %scan3A_660 = %broadcast_in_dim3A_339, %scan3A_661 = %broadcast_in_dim3A_341, %scan3A_662 = %broadcast_in_dim3A_343) -> (vector<16xf32>, vector<16xf32>, vector<16xf32>, vector<16xf32>, vector<16xf32>, vector<16xf32>, vector<16xf32>, vector<16xf32>)  : i32 {
        %get3A_663 = arith.constant 3 : i32
        %get3A_664 = arith.index_cast %get3A_663 : i32 to index
        %get3A_665 = arith.index_cast %scan3A_654 : i32 to index
        %get3A_666 = arith.constant 0 : index
        %get3A_667 = tpu.vector_load %arg12[%get3A_664, %get3A_665, %get3A_666] {strides = array<i32>} : memref<8x56x128xf32, #tpu.memory_space<vmem>>, vector<1x1x16xf32>,
        %get3A_668 = vector.shape_cast %get3A_667 : vector<1x1x16xf32> to vector<16xf32>
        %add3A_669 = arith.addf %scan3A_655, %get3A_668 : vector<16xf32>
        %get3A_670 = arith.constant 3 : i32
        %get3A_671 = arith.index_cast %get3A_670 : i32 to index
        %get3A_672 = arith.index_cast %scan3A_654 : i32 to index
        %get3A_673 = arith.constant 16 : index
        %get3A_674 = tpu.vector_load %arg12[%get3A_671, %get3A_672, %get3A_673] {strides = array<i32>} : memref<8x56x128xf32, #tpu.memory_space<vmem>>, vector<1x1x16xf32>,
        %get3A_675 = vector.shape_cast %get3A_674 : vector<1x1x16xf32> to vector<16xf32>
        %add3A_676 = arith.addf %scan3A_656, %get3A_675 : vector<16xf32>
        %get3A_677 = arith.constant 3 : i32
        %get3A_678 = arith.index_cast %get3A_677 : i32 to index
        %get3A_679 = arith.index_cast %scan3A_654 : i32 to index
        %get3A_680 = arith.constant 32 : index
        %get3A_681 = tpu.vector_load %arg12[%get3A_678, %get3A_679, %get3A_680] {strides = array<i32>} : memref<8x56x128xf32, #tpu.memory_space<vmem>>, vector<1x1x16xf32>,
        %get3A_682 = vector.shape_cast %get3A_681 : vector<1x1x16xf32> to vector<16xf32>
        %add3A_683 = arith.addf %scan3A_657, %get3A_682 : vector<16xf32>
        %get3A_684 = arith.constant 3 : i32
        %get3A_685 = arith.index_cast %get3A_684 : i32 to index
        %get3A_686 = arith.index_cast %scan3A_654 : i32 to index
        %get3A_687 = arith.constant 48 : index
        %get3A_688 = tpu.vector_load %arg12[%get3A_685, %get3A_686, %get3A_687] {strides = array<i32>} : memref<8x56x128xf32, #tpu.memory_space<vmem>>, vector<1x1x16xf32>,
        %get3A_689 = vector.shape_cast %get3A_688 : vector<1x1x16xf32> to vector<16xf32>
        %add3A_690 = arith.addf %scan3A_658, %get3A_689 : vector<16xf32>
        %get3A_691 = arith.constant 3 : i32
        %get3A_692 = arith.index_cast %get3A_691 : i32 to index
        %get3A_693 = arith.index_cast %scan3A_654 : i32 to index
        %get3A_694 = arith.constant 64 : index
        %get3A_695 = tpu.vector_load %arg12[%get3A_692, %get3A_693, %get3A_694] {strides = array<i32>} : memref<8x56x128xf32, #tpu.memory_space<vmem>>, vector<1x1x16xf32>,
        %get3A_696 = vector.shape_cast %get3A_695 : vector<1x1x16xf32> to vector<16xf32>
        %add3A_697 = arith.addf %scan3A_659, %get3A_696 : vector<16xf32>
        %get3A_698 = arith.constant 3 : i32
        %get3A_699 = arith.index_cast %get3A_698 : i32 to index
        %get3A_700 = arith.index_cast %scan3A_654 : i32 to index
        %get3A_701 = arith.constant 80 : index
        %get3A_702 = tpu.vector_load %arg12[%get3A_699, %get3A_700, %get3A_701] {strides = array<i32>} : memref<8x56x128xf32, #tpu.memory_space<vmem>>, vector<1x1x16xf32>,
        %get3A_703 = vector.shape_cast %get3A_702 : vector<1x1x16xf32> to vector<16xf32>
        %add3A_704 = arith.addf %scan3A_660, %get3A_703 : vector<16xf32>
        %get3A_705 = arith.constant 3 : i32
        %get3A_706 = arith.index_cast %get3A_705 : i32 to index
        %get3A_707 = arith.index_cast %scan3A_654 : i32 to index
        %get3A_708 = arith.constant 96 : index
        %get3A_709 = tpu.vector_load %arg12[%get3A_706, %get3A_707, %get3A_708] {strides = array<i32>} : memref<8x56x128xf32, #tpu.memory_space<vmem>>, vector<1x1x16xf32>,
        %get3A_710 = vector.shape_cast %get3A_709 : vector<1x1x16xf32> to vector<16xf32>
        %add3A_711 = arith.addf %scan3A_661, %get3A_710 : vector<16xf32>
        %get3A_712 = arith.constant 3 : i32
        %get3A_713 = arith.index_cast %get3A_712 : i32 to index
        %get3A_714 = arith.index_cast %scan3A_654 : i32 to index
        %get3A_715 = arith.constant 112 : index
        %get3A_716 = tpu.vector_load %arg12[%get3A_713, %get3A_714, %get3A_715] {strides = array<i32>} : memref<8x56x128xf32, #tpu.memory_space<vmem>>, vector<1x1x16xf32>,
        %get3A_717 = vector.shape_cast %get3A_716 : vector<1x1x16xf32> to vector<16xf32>
        %add3A_718 = arith.addf %scan3A_662, %get3A_717 : vector<16xf32>
        scf.yield %add3A_669, %add3A_676, %add3A_683, %add3A_690, %add3A_697, %add3A_704, %add3A_711, %add3A_718 : vector<16xf32>, vector<16xf32>, vector<16xf32>, vector<16xf32>, vector<16xf32>, vector<16xf32>, vector<16xf32>, vector<16xf32>
      }
      %scan3A_349 = arith.constant 56 : i32
      %swap3A_350 = arith.index_cast %add3A_327 : i32 to index
      %swap3A_351 = arith.constant 0 : index
      %swap3A_352 = tpu.vector_load %arg14[%swap3A_350, %swap3A_351] {strides = array<i32>} : memref<128x128xf32, #tpu.memory_space<vmem>>, vector<1x16xf32>,
      %swap3A_353 = vector.shape_cast %swap3A_352 : vector<1x16xf32> to vector<16xf32>
      %swap3A_354 = vector.shape_cast %scan3A_348#0 : vector<16xf32> to vector<1x16xf32>
      tpu.vector_store %arg14[%swap3A_350, %swap3A_351], %swap3A_354 {strides = array<i32>} : memref<128x128xf32, #tpu.memory_space<vmem>>, vector<1x16xf32>,
      %swap3A_355 = arith.index_cast %add3A_327 : i32 to index
      %swap3A_356 = arith.constant 16 : index
      %swap3A_357 = tpu.vector_load %arg14[%swap3A_355, %swap3A_356] {strides = array<i32>} : memref<128x128xf32, #tpu.memory_space<vmem>>, vector<1x16xf32>,
      %swap3A_358 = vector.shape_cast %swap3A_357 : vector<1x16xf32> to vector<16xf32>
      %swap3A_359 = vector.shape_cast %scan3A_348#1 : vector<16xf32> to vector<1x16xf32>
      tpu.vector_store %arg14[%swap3A_355, %swap3A_356], %swap3A_359 {strides = array<i32>} : memref<128x128xf32, #tpu.memory_space<vmem>>, vector<1x16xf32>,
      %swap3A_360 = arith.index_cast %add3A_327 : i32 to index
      %swap3A_361 = arith.constant 32 : index
      %swap3A_362 = tpu.vector_load %arg14[%swap3A_360, %swap3A_361] {strides = array<i32>} : memref<128x128xf32, #tpu.memory_space<vmem>>, vector<1x16xf32>,
      %swap3A_363 = vector.shape_cast %swap3A_362 : vector<1x16xf32> to vector<16xf32>
      %swap3A_364 = vector.shape_cast %scan3A_348#2 : vector<16xf32> to vector<1x16xf32>
      tpu.vector_store %arg14[%swap3A_360, %swap3A_361], %swap3A_364 {strides = array<i32>} : memref<128x128xf32, #tpu.memory_space<vmem>>, vector<1x16xf32>,
      %swap3A_365 = arith.index_cast %add3A_327 : i32 to index
      %swap3A_366 = arith.constant 48 : index
      %swap3A_367 = tpu.vector_load %arg14[%swap3A_365, %swap3A_366] {strides = array<i32>} : memref<128x128xf32, #tpu.memory_space<vmem>>, vector<1x16xf32>,
      %swap3A_368 = vector.shape_cast %swap3A_367 : vector<1x16xf32> to vector<16xf32>
      %swap3A_369 = vector.shape_cast %scan3A_348#3 : vector<16xf32> to vector<1x16xf32>
      tpu.vector_store %arg14[%swap3A_365, %swap3A_366], %swap3A_369 {strides = array<i32>} : memref<128x128xf32, #tpu.memory_space<vmem>>, vector<1x16xf32>,
      %swap3A_370 = arith.index_cast %add3A_327 : i32 to index
      %swap3A_371 = arith.constant 64 : index
      %swap3A_372 = tpu.vector_load %arg14[%swap3A_370, %swap3A_371] {strides = array<i32>} : memref<128x128xf32, #tpu.memory_space<vmem>>, vector<1x16xf32>,
      %swap3A_373 = vector.shape_cast %swap3A_372 : vector<1x16xf32> to vector<16xf32>
      %swap3A_374 = vector.shape_cast %scan3A_348#4 : vector<16xf32> to vector<1x16xf32>
      tpu.vector_store %arg14[%swap3A_370, %swap3A_371], %swap3A_374 {strides = array<i32>} : memref<128x128xf32, #tpu.memory_space<vmem>>, vector<1x16xf32>,
      %swap3A_375 = arith.index_cast %add3A_327 : i32 to index
      %swap3A_376 = arith.constant 80 : index
      %swap3A_377 = tpu.vector_load %arg14[%swap3A_375, %swap3A_376] {strides = array<i32>} : memref<128x128xf32, #tpu.memory_space<vmem>>, vector<1x16xf32>,
      %swap3A_378 = vector.shape_cast %swap3A_377 : vector<1x16xf32> to vector<16xf32>
      %swap3A_379 = vector.shape_cast %scan3A_348#5 : vector<16xf32> to vector<1x16xf32>
      tpu.vector_store %arg14[%swap3A_375, %swap3A_376], %swap3A_379 {strides = array<i32>} : memref<128x128xf32, #tpu.memory_space<vmem>>, vector<1x16xf32>,
      %swap3A_380 = arith.index_cast %add3A_327 : i32 to index
      %swap3A_381 = arith.constant 96 : index
      %swap3A_382 = tpu.vector_load %arg14[%swap3A_380, %swap3A_381] {strides = array<i32>} : memref<128x128xf32, #tpu.memory_space<vmem>>, vector<1x16xf32>,
      %swap3A_383 = vector.shape_cast %swap3A_382 : vector<1x16xf32> to vector<16xf32>
      %swap3A_384 = vector.shape_cast %scan3A_348#6 : vector<16xf32> to vector<1x16xf32>
      tpu.vector_store %arg14[%swap3A_380, %swap3A_381], %swap3A_384 {strides = array<i32>} : memref<128x128xf32, #tpu.memory_space<vmem>>, vector<1x16xf32>,
      %swap3A_385 = arith.index_cast %add3A_327 : i32 to index
      %swap3A_386 = arith.constant 112 : index
      %swap3A_387 = tpu.vector_load %arg14[%swap3A_385, %swap3A_386] {strides = array<i32>} : memref<128x128xf32, #tpu.memory_space<vmem>>, vector<1x16xf32>,
      %swap3A_388 = vector.shape_cast %swap3A_387 : vector<1x16xf32> to vector<16xf32>
      %swap3A_389 = vector.shape_cast %scan3A_348#7 : vector<16xf32> to vector<1x16xf32>
      tpu.vector_store %arg14[%swap3A_385, %swap3A_386], %swap3A_389 {strides = array<i32>} : memref<128x128xf32, #tpu.memory_space<vmem>>, vector<1x16xf32>,
      %mul3A_390 = arith.constant 8 : i32
      %mul3A_391 = arith.muli %scan3A_125, %mul3A_390 : i32
      %add3A_392 = arith.constant 4 : i32
      %add3A_393 = arith.addi %mul3A_391, %add3A_392 : i32
      %broadcast_in_dim3A_394 = arith.constant 0.000000e+00 : f32
      %broadcast_in_dim3A_395 = vector.broadcast %broadcast_in_dim3A_394 : f32 to vector<16xf32>
      %broadcast_in_dim3A_396 = arith.constant 0.000000e+00 : f32
      %broadcast_in_dim3A_397 = vector.broadcast %broadcast_in_dim3A_396 : f32 to vector<16xf32>
      %broadcast_in_dim3A_398 = arith.constant 0.000000e+00 : f32
      %broadcast_in_dim3A_399 = vector.broadcast %broadcast_in_dim3A_398 : f32 to vector<16xf32>
      %broadcast_in_dim3A_400 = arith.constant 0.000000e+00 : f32
      %broadcast_in_dim3A_401 = vector.broadcast %broadcast_in_dim3A_400 : f32 to vector<16xf32>
      %broadcast_in_dim3A_402 = arith.constant 0.000000e+00 : f32
      %broadcast_in_dim3A_403 = vector.broadcast %broadcast_in_dim3A_402 : f32 to vector<16xf32>
      %broadcast_in_dim3A_404 = arith.constant 0.000000e+00 : f32
      %broadcast_in_dim3A_405 = vector.broadcast %broadcast_in_dim3A_404 : f32 to vector<16xf32>
      %broadcast_in_dim3A_406 = arith.constant 0.000000e+00 : f32
      %broadcast_in_dim3A_407 = vector.broadcast %broadcast_in_dim3A_406 : f32 to vector<16xf32>
      %broadcast_in_dim3A_408 = arith.constant 0.000000e+00 : f32
      %broadcast_in_dim3A_409 = vector.broadcast %broadcast_in_dim3A_408 : f32 to vector<16xf32>
      %scan3A_410 = arith.constant 0 : i32
      %scan3A_411 = arith.constant 56 : i32
      %scan3A_412 = arith.addi %scan3A_410, %scan3A_411 : i32
      %scan3A_413 = arith.constant 1 : i32
      %scan3A_414:8 = scf.for %scan3A_654 = %scan3A_410 to %scan3A_412 step %scan3A_413 iter_args(%scan3A_655 = %broadcast_in_dim3A_395, %scan3A_656 = %broadcast_in_dim3A_397, %scan3A_657 = %broadcast_in_dim3A_399, %scan3A_658 = %broadcast_in_dim3A_401, %scan3A_659 = %broadcast_in_dim3A_403, %scan3A_660 = %broadcast_in_dim3A_405, %scan3A_661 = %broadcast_in_dim3A_407, %scan3A_662 = %broadcast_in_dim3A_409) -> (vector<16xf32>, vector<16xf32>, vector<16xf32>, vector<16xf32>, vector<16xf32>, vector<16xf32>, vector<16xf32>, vector<16xf32>)  : i32 {
        %get3A_663 = arith.constant 4 : i32
        %get3A_664 = arith.index_cast %get3A_663 : i32 to index
        %get3A_665 = arith.index_cast %scan3A_654 : i32 to index
        %get3A_666 = arith.constant 0 : index
        %get3A_667 = tpu.vector_load %arg12[%get3A_664, %get3A_665, %get3A_666] {strides = array<i32>} : memref<8x56x128xf32, #tpu.memory_space<vmem>>, vector<1x1x16xf32>,
        %get3A_668 = vector.shape_cast %get3A_667 : vector<1x1x16xf32> to vector<16xf32>
        %add3A_669 = arith.addf %scan3A_655, %get3A_668 : vector<16xf32>
        %get3A_670 = arith.constant 4 : i32
        %get3A_671 = arith.index_cast %get3A_670 : i32 to index
        %get3A_672 = arith.index_cast %scan3A_654 : i32 to index
        %get3A_673 = arith.constant 16 : index
        %get3A_674 = tpu.vector_load %arg12[%get3A_671, %get3A_672, %get3A_673] {strides = array<i32>} : memref<8x56x128xf32, #tpu.memory_space<vmem>>, vector<1x1x16xf32>,
        %get3A_675 = vector.shape_cast %get3A_674 : vector<1x1x16xf32> to vector<16xf32>
        %add3A_676 = arith.addf %scan3A_656, %get3A_675 : vector<16xf32>
        %get3A_677 = arith.constant 4 : i32
        %get3A_678 = arith.index_cast %get3A_677 : i32 to index
        %get3A_679 = arith.index_cast %scan3A_654 : i32 to index
        %get3A_680 = arith.constant 32 : index
        %get3A_681 = tpu.vector_load %arg12[%get3A_678, %get3A_679, %get3A_680] {strides = array<i32>} : memref<8x56x128xf32, #tpu.memory_space<vmem>>, vector<1x1x16xf32>,
        %get3A_682 = vector.shape_cast %get3A_681 : vector<1x1x16xf32> to vector<16xf32>
        %add3A_683 = arith.addf %scan3A_657, %get3A_682 : vector<16xf32>
        %get3A_684 = arith.constant 4 : i32
        %get3A_685 = arith.index_cast %get3A_684 : i32 to index
        %get3A_686 = arith.index_cast %scan3A_654 : i32 to index
        %get3A_687 = arith.constant 48 : index
        %get3A_688 = tpu.vector_load %arg12[%get3A_685, %get3A_686, %get3A_687] {strides = array<i32>} : memref<8x56x128xf32, #tpu.memory_space<vmem>>, vector<1x1x16xf32>,
        %get3A_689 = vector.shape_cast %get3A_688 : vector<1x1x16xf32> to vector<16xf32>
        %add3A_690 = arith.addf %scan3A_658, %get3A_689 : vector<16xf32>
        %get3A_691 = arith.constant 4 : i32
        %get3A_692 = arith.index_cast %get3A_691 : i32 to index
        %get3A_693 = arith.index_cast %scan3A_654 : i32 to index
        %get3A_694 = arith.constant 64 : index
        %get3A_695 = tpu.vector_load %arg12[%get3A_692, %get3A_693, %get3A_694] {strides = array<i32>} : memref<8x56x128xf32, #tpu.memory_space<vmem>>, vector<1x1x16xf32>,
        %get3A_696 = vector.shape_cast %get3A_695 : vector<1x1x16xf32> to vector<16xf32>
        %add3A_697 = arith.addf %scan3A_659, %get3A_696 : vector<16xf32>
        %get3A_698 = arith.constant 4 : i32
        %get3A_699 = arith.index_cast %get3A_698 : i32 to index
        %get3A_700 = arith.index_cast %scan3A_654 : i32 to index
        %get3A_701 = arith.constant 80 : index
        %get3A_702 = tpu.vector_load %arg12[%get3A_699, %get3A_700, %get3A_701] {strides = array<i32>} : memref<8x56x128xf32, #tpu.memory_space<vmem>>, vector<1x1x16xf32>,
        %get3A_703 = vector.shape_cast %get3A_702 : vector<1x1x16xf32> to vector<16xf32>
        %add3A_704 = arith.addf %scan3A_660, %get3A_703 : vector<16xf32>
        %get3A_705 = arith.constant 4 : i32
        %get3A_706 = arith.index_cast %get3A_705 : i32 to index
        %get3A_707 = arith.index_cast %scan3A_654 : i32 to index
        %get3A_708 = arith.constant 96 : index
        %get3A_709 = tpu.vector_load %arg12[%get3A_706, %get3A_707, %get3A_708] {strides = array<i32>} : memref<8x56x128xf32, #tpu.memory_space<vmem>>, vector<1x1x16xf32>,
        %get3A_710 = vector.shape_cast %get3A_709 : vector<1x1x16xf32> to vector<16xf32>
        %add3A_711 = arith.addf %scan3A_661, %get3A_710 : vector<16xf32>
        %get3A_712 = arith.constant 4 : i32
        %get3A_713 = arith.index_cast %get3A_712 : i32 to index
        %get3A_714 = arith.index_cast %scan3A_654 : i32 to index
        %get3A_715 = arith.constant 112 : index
        %get3A_716 = tpu.vector_load %arg12[%get3A_713, %get3A_714, %get3A_715] {strides = array<i32>} : memref<8x56x128xf32, #tpu.memory_space<vmem>>, vector<1x1x16xf32>,
        %get3A_717 = vector.shape_cast %get3A_716 : vector<1x1x16xf32> to vector<16xf32>
        %add3A_718 = arith.addf %scan3A_662, %get3A_717 : vector<16xf32>
        scf.yield %add3A_669, %add3A_676, %add3A_683, %add3A_690, %add3A_697, %add3A_704, %add3A_711, %add3A_718 : vector<16xf32>, vector<16xf32>, vector<16xf32>, vector<16xf32>, vector<16xf32>, vector<16xf32>, vector<16xf32>, vector<16xf32>
      }
      %scan3A_415 = arith.constant 56 : i32
      %swap3A_416 = arith.index_cast %add3A_393 : i32 to index
      %swap3A_417 = arith.constant 0 : index
      %swap3A_418 = tpu.vector_load %arg14[%swap3A_416, %swap3A_417] {strides = array<i32>} : memref<128x128xf32, #tpu.memory_space<vmem>>, vector<1x16xf32>,
      %swap3A_419 = vector.shape_cast %swap3A_418 : vector<1x16xf32> to vector<16xf32>
      %swap3A_420 = vector.shape_cast %scan3A_414#0 : vector<16xf32> to vector<1x16xf32>
      tpu.vector_store %arg14[%swap3A_416, %swap3A_417], %swap3A_420 {strides = array<i32>} : memref<128x128xf32, #tpu.memory_space<vmem>>, vector<1x16xf32>,
      %swap3A_421 = arith.index_cast %add3A_393 : i32 to index
      %swap3A_422 = arith.constant 16 : index
      %swap3A_423 = tpu.vector_load %arg14[%swap3A_421, %swap3A_422] {strides = array<i32>} : memref<128x128xf32, #tpu.memory_space<vmem>>, vector<1x16xf32>,
      %swap3A_424 = vector.shape_cast %swap3A_423 : vector<1x16xf32> to vector<16xf32>
      %swap3A_425 = vector.shape_cast %scan3A_414#1 : vector<16xf32> to vector<1x16xf32>
      tpu.vector_store %arg14[%swap3A_421, %swap3A_422], %swap3A_425 {strides = array<i32>} : memref<128x128xf32, #tpu.memory_space<vmem>>, vector<1x16xf32>,
      %swap3A_426 = arith.index_cast %add3A_393 : i32 to index
      %swap3A_427 = arith.constant 32 : index
      %swap3A_428 = tpu.vector_load %arg14[%swap3A_426, %swap3A_427] {strides = array<i32>} : memref<128x128xf32, #tpu.memory_space<vmem>>, vector<1x16xf32>,
      %swap3A_429 = vector.shape_cast %swap3A_428 : vector<1x16xf32> to vector<16xf32>
      %swap3A_430 = vector.shape_cast %scan3A_414#2 : vector<16xf32> to vector<1x16xf32>
      tpu.vector_store %arg14[%swap3A_426, %swap3A_427], %swap3A_430 {strides = array<i32>} : memref<128x128xf32, #tpu.memory_space<vmem>>, vector<1x16xf32>,
      %swap3A_431 = arith.index_cast %add3A_393 : i32 to index
      %swap3A_432 = arith.constant 48 : index
      %swap3A_433 = tpu.vector_load %arg14[%swap3A_431, %swap3A_432] {strides = array<i32>} : memref<128x128xf32, #tpu.memory_space<vmem>>, vector<1x16xf32>,
      %swap3A_434 = vector.shape_cast %swap3A_433 : vector<1x16xf32> to vector<16xf32>
      %swap3A_435 = vector.shape_cast %scan3A_414#3 : vector<16xf32> to vector<1x16xf32>
      tpu.vector_store %arg14[%swap3A_431, %swap3A_432], %swap3A_435 {strides = array<i32>} : memref<128x128xf32, #tpu.memory_space<vmem>>, vector<1x16xf32>,
      %swap3A_436 = arith.index_cast %add3A_393 : i32 to index
      %swap3A_437 = arith.constant 64 : index
      %swap3A_438 = tpu.vector_load %arg14[%swap3A_436, %swap3A_437] {strides = array<i32>} : memref<128x128xf32, #tpu.memory_space<vmem>>, vector<1x16xf32>,
      %swap3A_439 = vector.shape_cast %swap3A_438 : vector<1x16xf32> to vector<16xf32>
      %swap3A_440 = vector.shape_cast %scan3A_414#4 : vector<16xf32> to vector<1x16xf32>
      tpu.vector_store %arg14[%swap3A_436, %swap3A_437], %swap3A_440 {strides = array<i32>} : memref<128x128xf32, #tpu.memory_space<vmem>>, vector<1x16xf32>,
      %swap3A_441 = arith.index_cast %add3A_393 : i32 to index
      %swap3A_442 = arith.constant 80 : index
      %swap3A_443 = tpu.vector_load %arg14[%swap3A_441, %swap3A_442] {strides = array<i32>} : memref<128x128xf32, #tpu.memory_space<vmem>>, vector<1x16xf32>,
      %swap3A_444 = vector.shape_cast %swap3A_443 : vector<1x16xf32> to vector<16xf32>
      %swap3A_445 = vector.shape_cast %scan3A_414#5 : vector<16xf32> to vector<1x16xf32>
      tpu.vector_store %arg14[%swap3A_441, %swap3A_442], %swap3A_445 {strides = array<i32>} : memref<128x128xf32, #tpu.memory_space<vmem>>, vector<1x16xf32>,
      %swap3A_446 = arith.index_cast %add3A_393 : i32 to index
      %swap3A_447 = arith.constant 96 : index
      %swap3A_448 = tpu.vector_load %arg14[%swap3A_446, %swap3A_447] {strides = array<i32>} : memref<128x128xf32, #tpu.memory_space<vmem>>, vector<1x16xf32>,
      %swap3A_449 = vector.shape_cast %swap3A_448 : vector<1x16xf32> to vector<16xf32>
      %swap3A_450 = vector.shape_cast %scan3A_414#6 : vector<16xf32> to vector<1x16xf32>
      tpu.vector_store %arg14[%swap3A_446, %swap3A_447], %swap3A_450 {strides = array<i32>} : memref<128x128xf32, #tpu.memory_space<vmem>>, vector<1x16xf32>,
      %swap3A_451 = arith.index_cast %add3A_393 : i32 to index
      %swap3A_452 = arith.constant 112 : index
      %swap3A_453 = tpu.vector_load %arg14[%swap3A_451, %swap3A_452] {strides = array<i32>} : memref<128x128xf32, #tpu.memory_space<vmem>>, vector<1x16xf32>,
      %swap3A_454 = vector.shape_cast %swap3A_453 : vector<1x16xf32> to vector<16xf32>
      %swap3A_455 = vector.shape_cast %scan3A_414#7 : vector<16xf32> to vector<1x16xf32>
      tpu.vector_store %arg14[%swap3A_451, %swap3A_452], %swap3A_455 {strides = array<i32>} : memref<128x128xf32, #tpu.memory_space<vmem>>, vector<1x16xf32>,
      %mul3A_456 = arith.constant 8 : i32
      %mul3A_457 = arith.muli %scan3A_125, %mul3A_456 : i32
      %add3A_458 = arith.constant 5 : i32
      %add3A_459 = arith.addi %mul3A_457, %add3A_458 : i32
      %broadcast_in_dim3A_460 = arith.constant 0.000000e+00 : f32
      %broadcast_in_dim3A_461 = vector.broadcast %broadcast_in_dim3A_460 : f32 to vector<16xf32>
      %broadcast_in_dim3A_462 = arith.constant 0.000000e+00 : f32
      %broadcast_in_dim3A_463 = vector.broadcast %broadcast_in_dim3A_462 : f32 to vector<16xf32>
      %broadcast_in_dim3A_464 = arith.constant 0.000000e+00 : f32
      %broadcast_in_dim3A_465 = vector.broadcast %broadcast_in_dim3A_464 : f32 to vector<16xf32>
      %broadcast_in_dim3A_466 = arith.constant 0.000000e+00 : f32
      %broadcast_in_dim3A_467 = vector.broadcast %broadcast_in_dim3A_466 : f32 to vector<16xf32>
      %broadcast_in_dim3A_468 = arith.constant 0.000000e+00 : f32
      %broadcast_in_dim3A_469 = vector.broadcast %broadcast_in_dim3A_468 : f32 to vector<16xf32>
      %broadcast_in_dim3A_470 = arith.constant 0.000000e+00 : f32
      %broadcast_in_dim3A_471 = vector.broadcast %broadcast_in_dim3A_470 : f32 to vector<16xf32>
      %broadcast_in_dim3A_472 = arith.constant 0.000000e+00 : f32
      %broadcast_in_dim3A_473 = vector.broadcast %broadcast_in_dim3A_472 : f32 to vector<16xf32>
      %broadcast_in_dim3A_474 = arith.constant 0.000000e+00 : f32
      %broadcast_in_dim3A_475 = vector.broadcast %broadcast_in_dim3A_474 : f32 to vector<16xf32>
      %scan3A_476 = arith.constant 0 : i32
      %scan3A_477 = arith.constant 56 : i32
      %scan3A_478 = arith.addi %scan3A_476, %scan3A_477 : i32
      %scan3A_479 = arith.constant 1 : i32
      %scan3A_480:8 = scf.for %scan3A_654 = %scan3A_476 to %scan3A_478 step %scan3A_479 iter_args(%scan3A_655 = %broadcast_in_dim3A_461, %scan3A_656 = %broadcast_in_dim3A_463, %scan3A_657 = %broadcast_in_dim3A_465, %scan3A_658 = %broadcast_in_dim3A_467, %scan3A_659 = %broadcast_in_dim3A_469, %scan3A_660 = %broadcast_in_dim3A_471, %scan3A_661 = %broadcast_in_dim3A_473, %scan3A_662 = %broadcast_in_dim3A_475) -> (vector<16xf32>, vector<16xf32>, vector<16xf32>, vector<16xf32>, vector<16xf32>, vector<16xf32>, vector<16xf32>, vector<16xf32>)  : i32 {
        %get3A_663 = arith.constant 5 : i32
        %get3A_664 = arith.index_cast %get3A_663 : i32 to index
        %get3A_665 = arith.index_cast %scan3A_654 : i32 to index
        %get3A_666 = arith.constant 0 : index
        %get3A_667 = tpu.vector_load %arg12[%get3A_664, %get3A_665, %get3A_666] {strides = array<i32>} : memref<8x56x128xf32, #tpu.memory_space<vmem>>, vector<1x1x16xf32>,
        %get3A_668 = vector.shape_cast %get3A_667 : vector<1x1x16xf32> to vector<16xf32>
        %add3A_669 = arith.addf %scan3A_655, %get3A_668 : vector<16xf32>
        %get3A_670 = arith.constant 5 : i32
        %get3A_671 = arith.index_cast %get3A_670 : i32 to index
        %get3A_672 = arith.index_cast %scan3A_654 : i32 to index
        %get3A_673 = arith.constant 16 : index
        %get3A_674 = tpu.vector_load %arg12[%get3A_671, %get3A_672, %get3A_673] {strides = array<i32>} : memref<8x56x128xf32, #tpu.memory_space<vmem>>, vector<1x1x16xf32>,
        %get3A_675 = vector.shape_cast %get3A_674 : vector<1x1x16xf32> to vector<16xf32>
        %add3A_676 = arith.addf %scan3A_656, %get3A_675 : vector<16xf32>
        %get3A_677 = arith.constant 5 : i32
        %get3A_678 = arith.index_cast %get3A_677 : i32 to index
        %get3A_679 = arith.index_cast %scan3A_654 : i32 to index
        %get3A_680 = arith.constant 32 : index
        %get3A_681 = tpu.vector_load %arg12[%get3A_678, %get3A_679, %get3A_680] {strides = array<i32>} : memref<8x56x128xf32, #tpu.memory_space<vmem>>, vector<1x1x16xf32>,
        %get3A_682 = vector.shape_cast %get3A_681 : vector<1x1x16xf32> to vector<16xf32>
        %add3A_683 = arith.addf %scan3A_657, %get3A_682 : vector<16xf32>
        %get3A_684 = arith.constant 5 : i32
        %get3A_685 = arith.index_cast %get3A_684 : i32 to index
        %get3A_686 = arith.index_cast %scan3A_654 : i32 to index
        %get3A_687 = arith.constant 48 : index
        %get3A_688 = tpu.vector_load %arg12[%get3A_685, %get3A_686, %get3A_687] {strides = array<i32>} : memref<8x56x128xf32, #tpu.memory_space<vmem>>, vector<1x1x16xf32>,
        %get3A_689 = vector.shape_cast %get3A_688 : vector<1x1x16xf32> to vector<16xf32>
        %add3A_690 = arith.addf %scan3A_658, %get3A_689 : vector<16xf32>
        %get3A_691 = arith.constant 5 : i32
        %get3A_692 = arith.index_cast %get3A_691 : i32 to index
        %get3A_693 = arith.index_cast %scan3A_654 : i32 to index
        %get3A_694 = arith.constant 64 : index
        %get3A_695 = tpu.vector_load %arg12[%get3A_692, %get3A_693, %get3A_694] {strides = array<i32>} : memref<8x56x128xf32, #tpu.memory_space<vmem>>, vector<1x1x16xf32>,
        %get3A_696 = vector.shape_cast %get3A_695 : vector<1x1x16xf32> to vector<16xf32>
        %add3A_697 = arith.addf %scan3A_659, %get3A_696 : vector<16xf32>
        %get3A_698 = arith.constant 5 : i32
        %get3A_699 = arith.index_cast %get3A_698 : i32 to index
        %get3A_700 = arith.index_cast %scan3A_654 : i32 to index
        %get3A_701 = arith.constant 80 : index
        %get3A_702 = tpu.vector_load %arg12[%get3A_699, %get3A_700, %get3A_701] {strides = array<i32>} : memref<8x56x128xf32, #tpu.memory_space<vmem>>, vector<1x1x16xf32>,
        %get3A_703 = vector.shape_cast %get3A_702 : vector<1x1x16xf32> to vector<16xf32>
        %add3A_704 = arith.addf %scan3A_660, %get3A_703 : vector<16xf32>
        %get3A_705 = arith.constant 5 : i32
        %get3A_706 = arith.index_cast %get3A_705 : i32 to index
        %get3A_707 = arith.index_cast %scan3A_654 : i32 to index
        %get3A_708 = arith.constant 96 : index
        %get3A_709 = tpu.vector_load %arg12[%get3A_706, %get3A_707, %get3A_708] {strides = array<i32>} : memref<8x56x128xf32, #tpu.memory_space<vmem>>, vector<1x1x16xf32>,
        %get3A_710 = vector.shape_cast %get3A_709 : vector<1x1x16xf32> to vector<16xf32>
        %add3A_711 = arith.addf %scan3A_661, %get3A_710 : vector<16xf32>
        %get3A_712 = arith.constant 5 : i32
        %get3A_713 = arith.index_cast %get3A_712 : i32 to index
        %get3A_714 = arith.index_cast %scan3A_654 : i32 to index
        %get3A_715 = arith.constant 112 : index
        %get3A_716 = tpu.vector_load %arg12[%get3A_713, %get3A_714, %get3A_715] {strides = array<i32>} : memref<8x56x128xf32, #tpu.memory_space<vmem>>, vector<1x1x16xf32>,
        %get3A_717 = vector.shape_cast %get3A_716 : vector<1x1x16xf32> to vector<16xf32>
        %add3A_718 = arith.addf %scan3A_662, %get3A_717 : vector<16xf32>
        scf.yield %add3A_669, %add3A_676, %add3A_683, %add3A_690, %add3A_697, %add3A_704, %add3A_711, %add3A_718 : vector<16xf32>, vector<16xf32>, vector<16xf32>, vector<16xf32>, vector<16xf32>, vector<16xf32>, vector<16xf32>, vector<16xf32>
      }
      %scan3A_481 = arith.constant 56 : i32
      %swap3A_482 = arith.index_cast %add3A_459 : i32 to index
      %swap3A_483 = arith.constant 0 : index
      %swap3A_484 = tpu.vector_load %arg14[%swap3A_482, %swap3A_483] {strides = array<i32>} : memref<128x128xf32, #tpu.memory_space<vmem>>, vector<1x16xf32>,
      %swap3A_485 = vector.shape_cast %swap3A_484 : vector<1x16xf32> to vector<16xf32>
      %swap3A_486 = vector.shape_cast %scan3A_480#0 : vector<16xf32> to vector<1x16xf32>
      tpu.vector_store %arg14[%swap3A_482, %swap3A_483], %swap3A_486 {strides = array<i32>} : memref<128x128xf32, #tpu.memory_space<vmem>>, vector<1x16xf32>,
      %swap3A_487 = arith.index_cast %add3A_459 : i32 to index
      %swap3A_488 = arith.constant 16 : index
      %swap3A_489 = tpu.vector_load %arg14[%swap3A_487, %swap3A_488] {strides = array<i32>} : memref<128x128xf32, #tpu.memory_space<vmem>>, vector<1x16xf32>,
      %swap3A_490 = vector.shape_cast %swap3A_489 : vector<1x16xf32> to vector<16xf32>
      %swap3A_491 = vector.shape_cast %scan3A_480#1 : vector<16xf32> to vector<1x16xf32>
      tpu.vector_store %arg14[%swap3A_487, %swap3A_488], %swap3A_491 {strides = array<i32>} : memref<128x128xf32, #tpu.memory_space<vmem>>, vector<1x16xf32>,
      %swap3A_492 = arith.index_cast %add3A_459 : i32 to index
      %swap3A_493 = arith.constant 32 : index
      %swap3A_494 = tpu.vector_load %arg14[%swap3A_492, %swap3A_493] {strides = array<i32>} : memref<128x128xf32, #tpu.memory_space<vmem>>, vector<1x16xf32>,
      %swap3A_495 = vector.shape_cast %swap3A_494 : vector<1x16xf32> to vector<16xf32>
      %swap3A_496 = vector.shape_cast %scan3A_480#2 : vector<16xf32> to vector<1x16xf32>
      tpu.vector_store %arg14[%swap3A_492, %swap3A_493], %swap3A_496 {strides = array<i32>} : memref<128x128xf32, #tpu.memory_space<vmem>>, vector<1x16xf32>,
      %swap3A_497 = arith.index_cast %add3A_459 : i32 to index
      %swap3A_498 = arith.constant 48 : index
      %swap3A_499 = tpu.vector_load %arg14[%swap3A_497, %swap3A_498] {strides = array<i32>} : memref<128x128xf32, #tpu.memory_space<vmem>>, vector<1x16xf32>,
      %swap3A_500 = vector.shape_cast %swap3A_499 : vector<1x16xf32> to vector<16xf32>
      %swap3A_501 = vector.shape_cast %scan3A_480#3 : vector<16xf32> to vector<1x16xf32>
      tpu.vector_store %arg14[%swap3A_497, %swap3A_498], %swap3A_501 {strides = array<i32>} : memref<128x128xf32, #tpu.memory_space<vmem>>, vector<1x16xf32>,
      %swap3A_502 = arith.index_cast %add3A_459 : i32 to index
      %swap3A_503 = arith.constant 64 : index
      %swap3A_504 = tpu.vector_load %arg14[%swap3A_502, %swap3A_503] {strides = array<i32>} : memref<128x128xf32, #tpu.memory_space<vmem>>, vector<1x16xf32>,
      %swap3A_505 = vector.shape_cast %swap3A_504 : vector<1x16xf32> to vector<16xf32>
      %swap3A_506 = vector.shape_cast %scan3A_480#4 : vector<16xf32> to vector<1x16xf32>
      tpu.vector_store %arg14[%swap3A_502, %swap3A_503], %swap3A_506 {strides = array<i32>} : memref<128x128xf32, #tpu.memory_space<vmem>>, vector<1x16xf32>,
      %swap3A_507 = arith.index_cast %add3A_459 : i32 to index
      %swap3A_508 = arith.constant 80 : index
      %swap3A_509 = tpu.vector_load %arg14[%swap3A_507, %swap3A_508] {strides = array<i32>} : memref<128x128xf32, #tpu.memory_space<vmem>>, vector<1x16xf32>,
      %swap3A_510 = vector.shape_cast %swap3A_509 : vector<1x16xf32> to vector<16xf32>
      %swap3A_511 = vector.shape_cast %scan3A_480#5 : vector<16xf32> to vector<1x16xf32>
      tpu.vector_store %arg14[%swap3A_507, %swap3A_508], %swap3A_511 {strides = array<i32>} : memref<128x128xf32, #tpu.memory_space<vmem>>, vector<1x16xf32>,
      %swap3A_512 = arith.index_cast %add3A_459 : i32 to index
      %swap3A_513 = arith.constant 96 : index
      %swap3A_514 = tpu.vector_load %arg14[%swap3A_512, %swap3A_513] {strides = array<i32>} : memref<128x128xf32, #tpu.memory_space<vmem>>, vector<1x16xf32>,
      %swap3A_515 = vector.shape_cast %swap3A_514 : vector<1x16xf32> to vector<16xf32>
      %swap3A_516 = vector.shape_cast %scan3A_480#6 : vector<16xf32> to vector<1x16xf32>
      tpu.vector_store %arg14[%swap3A_512, %swap3A_513], %swap3A_516 {strides = array<i32>} : memref<128x128xf32, #tpu.memory_space<vmem>>, vector<1x16xf32>,
      %swap3A_517 = arith.index_cast %add3A_459 : i32 to index
      %swap3A_518 = arith.constant 112 : index
      %swap3A_519 = tpu.vector_load %arg14[%swap3A_517, %swap3A_518] {strides = array<i32>} : memref<128x128xf32, #tpu.memory_space<vmem>>, vector<1x16xf32>,
      %swap3A_520 = vector.shape_cast %swap3A_519 : vector<1x16xf32> to vector<16xf32>
      %swap3A_521 = vector.shape_cast %scan3A_480#7 : vector<16xf32> to vector<1x16xf32>
      tpu.vector_store %arg14[%swap3A_517, %swap3A_518], %swap3A_521 {strides = array<i32>} : memref<128x128xf32, #tpu.memory_space<vmem>>, vector<1x16xf32>,
      %mul3A_522 = arith.constant 8 : i32
      %mul3A_523 = arith.muli %scan3A_125, %mul3A_522 : i32
      %add3A_524 = arith.constant 6 : i32
      %add3A_525 = arith.addi %mul3A_523, %add3A_524 : i32
      %broadcast_in_dim3A_526 = arith.constant 0.000000e+00 : f32
      %broadcast_in_dim3A_527 = vector.broadcast %broadcast_in_dim3A_526 : f32 to vector<16xf32>
      %broadcast_in_dim3A_528 = arith.constant 0.000000e+00 : f32
      %broadcast_in_dim3A_529 = vector.broadcast %broadcast_in_dim3A_528 : f32 to vector<16xf32>
      %broadcast_in_dim3A_530 = arith.constant 0.000000e+00 : f32
      %broadcast_in_dim3A_531 = vector.broadcast %broadcast_in_dim3A_530 : f32 to vector<16xf32>
      %broadcast_in_dim3A_532 = arith.constant 0.000000e+00 : f32
      %broadcast_in_dim3A_533 = vector.broadcast %broadcast_in_dim3A_532 : f32 to vector<16xf32>
      %broadcast_in_dim3A_534 = arith.constant 0.000000e+00 : f32
      %broadcast_in_dim3A_535 = vector.broadcast %broadcast_in_dim3A_534 : f32 to vector<16xf32>
      %broadcast_in_dim3A_536 = arith.constant 0.000000e+00 : f32
      %broadcast_in_dim3A_537 = vector.broadcast %broadcast_in_dim3A_536 : f32 to vector<16xf32>
      %broadcast_in_dim3A_538 = arith.constant 0.000000e+00 : f32
      %broadcast_in_dim3A_539 = vector.broadcast %broadcast_in_dim3A_538 : f32 to vector<16xf32>
      %broadcast_in_dim3A_540 = arith.constant 0.000000e+00 : f32
      %broadcast_in_dim3A_541 = vector.broadcast %broadcast_in_dim3A_540 : f32 to vector<16xf32>
      %scan3A_542 = arith.constant 0 : i32
      %scan3A_543 = arith.constant 56 : i32
      %scan3A_544 = arith.addi %scan3A_542, %scan3A_543 : i32
      %scan3A_545 = arith.constant 1 : i32
      %scan3A_546:8 = scf.for %scan3A_654 = %scan3A_542 to %scan3A_544 step %scan3A_545 iter_args(%scan3A_655 = %broadcast_in_dim3A_527, %scan3A_656 = %broadcast_in_dim3A_529, %scan3A_657 = %broadcast_in_dim3A_531, %scan3A_658 = %broadcast_in_dim3A_533, %scan3A_659 = %broadcast_in_dim3A_535, %scan3A_660 = %broadcast_in_dim3A_537, %scan3A_661 = %broadcast_in_dim3A_539, %scan3A_662 = %broadcast_in_dim3A_541) -> (vector<16xf32>, vector<16xf32>, vector<16xf32>, vector<16xf32>, vector<16xf32>, vector<16xf32>, vector<16xf32>, vector<16xf32>)  : i32 {
        %get3A_663 = arith.constant 6 : i32
        %get3A_664 = arith.index_cast %get3A_663 : i32 to index
        %get3A_665 = arith.index_cast %scan3A_654 : i32 to index
        %get3A_666 = arith.constant 0 : index
        %get3A_667 = tpu.vector_load %arg12[%get3A_664, %get3A_665, %get3A_666] {strides = array<i32>} : memref<8x56x128xf32, #tpu.memory_space<vmem>>, vector<1x1x16xf32>,
        %get3A_668 = vector.shape_cast %get3A_667 : vector<1x1x16xf32> to vector<16xf32>
        %add3A_669 = arith.addf %scan3A_655, %get3A_668 : vector<16xf32>
        %get3A_670 = arith.constant 6 : i32
        %get3A_671 = arith.index_cast %get3A_670 : i32 to index
        %get3A_672 = arith.index_cast %scan3A_654 : i32 to index
        %get3A_673 = arith.constant 16 : index
        %get3A_674 = tpu.vector_load %arg12[%get3A_671, %get3A_672, %get3A_673] {strides = array<i32>} : memref<8x56x128xf32, #tpu.memory_space<vmem>>, vector<1x1x16xf32>,
        %get3A_675 = vector.shape_cast %get3A_674 : vector<1x1x16xf32> to vector<16xf32>
        %add3A_676 = arith.addf %scan3A_656, %get3A_675 : vector<16xf32>
        %get3A_677 = arith.constant 6 : i32
        %get3A_678 = arith.index_cast %get3A_677 : i32 to index
        %get3A_679 = arith.index_cast %scan3A_654 : i32 to index
        %get3A_680 = arith.constant 32 : index
        %get3A_681 = tpu.vector_load %arg12[%get3A_678, %get3A_679, %get3A_680] {strides = array<i32>} : memref<8x56x128xf32, #tpu.memory_space<vmem>>, vector<1x1x16xf32>,
        %get3A_682 = vector.shape_cast %get3A_681 : vector<1x1x16xf32> to vector<16xf32>
        %add3A_683 = arith.addf %scan3A_657, %get3A_682 : vector<16xf32>
        %get3A_684 = arith.constant 6 : i32
        %get3A_685 = arith.index_cast %get3A_684 : i32 to index
        %get3A_686 = arith.index_cast %scan3A_654 : i32 to index
        %get3A_687 = arith.constant 48 : index
        %get3A_688 = tpu.vector_load %arg12[%get3A_685, %get3A_686, %get3A_687] {strides = array<i32>} : memref<8x56x128xf32, #tpu.memory_space<vmem>>, vector<1x1x16xf32>,
        %get3A_689 = vector.shape_cast %get3A_688 : vector<1x1x16xf32> to vector<16xf32>
        %add3A_690 = arith.addf %scan3A_658, %get3A_689 : vector<16xf32>
        %get3A_691 = arith.constant 6 : i32
        %get3A_692 = arith.index_cast %get3A_691 : i32 to index
        %get3A_693 = arith.index_cast %scan3A_654 : i32 to index
        %get3A_694 = arith.constant 64 : index
        %get3A_695 = tpu.vector_load %arg12[%get3A_692, %get3A_693, %get3A_694] {strides = array<i32>} : memref<8x56x128xf32, #tpu.memory_space<vmem>>, vector<1x1x16xf32>,
        %get3A_696 = vector.shape_cast %get3A_695 : vector<1x1x16xf32> to vector<16xf32>
        %add3A_697 = arith.addf %scan3A_659, %get3A_696 : vector<16xf32>
        %get3A_698 = arith.constant 6 : i32
        %get3A_699 = arith.index_cast %get3A_698 : i32 to index
        %get3A_700 = arith.index_cast %scan3A_654 : i32 to index
        %get3A_701 = arith.constant 80 : index
        %get3A_702 = tpu.vector_load %arg12[%get3A_699, %get3A_700, %get3A_701] {strides = array<i32>} : memref<8x56x128xf32, #tpu.memory_space<vmem>>, vector<1x1x16xf32>,
        %get3A_703 = vector.shape_cast %get3A_702 : vector<1x1x16xf32> to vector<16xf32>
        %add3A_704 = arith.addf %scan3A_660, %get3A_703 : vector<16xf32>
        %get3A_705 = arith.constant 6 : i32
        %get3A_706 = arith.index_cast %get3A_705 : i32 to index
        %get3A_707 = arith.index_cast %scan3A_654 : i32 to index
        %get3A_708 = arith.constant 96 : index
        %get3A_709 = tpu.vector_load %arg12[%get3A_706, %get3A_707, %get3A_708] {strides = array<i32>} : memref<8x56x128xf32, #tpu.memory_space<vmem>>, vector<1x1x16xf32>,
        %get3A_710 = vector.shape_cast %get3A_709 : vector<1x1x16xf32> to vector<16xf32>
        %add3A_711 = arith.addf %scan3A_661, %get3A_710 : vector<16xf32>
        %get3A_712 = arith.constant 6 : i32
        %get3A_713 = arith.index_cast %get3A_712 : i32 to index
        %get3A_714 = arith.index_cast %scan3A_654 : i32 to index
        %get3A_715 = arith.constant 112 : index
        %get3A_716 = tpu.vector_load %arg12[%get3A_713, %get3A_714, %get3A_715] {strides = array<i32>} : memref<8x56x128xf32, #tpu.memory_space<vmem>>, vector<1x1x16xf32>,
        %get3A_717 = vector.shape_cast %get3A_716 : vector<1x1x16xf32> to vector<16xf32>
        %add3A_718 = arith.addf %scan3A_662, %get3A_717 : vector<16xf32>
        scf.yield %add3A_669, %add3A_676, %add3A_683, %add3A_690, %add3A_697, %add3A_704, %add3A_711, %add3A_718 : vector<16xf32>, vector<16xf32>, vector<16xf32>, vector<16xf32>, vector<16xf32>, vector<16xf32>, vector<16xf32>, vector<16xf32>
      }
      %scan3A_547 = arith.constant 56 : i32
      %swap3A_548 = arith.index_cast %add3A_525 : i32 to index
      %swap3A_549 = arith.constant 0 : index
      %swap3A_550 = tpu.vector_load %arg14[%swap3A_548, %swap3A_549] {strides = array<i32>} : memref<128x128xf32, #tpu.memory_space<vmem>>, vector<1x16xf32>,
      %swap3A_551 = vector.shape_cast %swap3A_550 : vector<1x16xf32> to vector<16xf32>
      %swap3A_552 = vector.shape_cast %scan3A_546#0 : vector<16xf32> to vector<1x16xf32>
      tpu.vector_store %arg14[%swap3A_548, %swap3A_549], %swap3A_552 {strides = array<i32>} : memref<128x128xf32, #tpu.memory_space<vmem>>, vector<1x16xf32>,
      %swap3A_553 = arith.index_cast %add3A_525 : i32 to index
      %swap3A_554 = arith.constant 16 : index
      %swap3A_555 = tpu.vector_load %arg14[%swap3A_553, %swap3A_554] {strides = array<i32>} : memref<128x128xf32, #tpu.memory_space<vmem>>, vector<1x16xf32>,
      %swap3A_556 = vector.shape_cast %swap3A_555 : vector<1x16xf32> to vector<16xf32>
      %swap3A_557 = vector.shape_cast %scan3A_546#1 : vector<16xf32> to vector<1x16xf32>
      tpu.vector_store %arg14[%swap3A_553, %swap3A_554], %swap3A_557 {strides = array<i32>} : memref<128x128xf32, #tpu.memory_space<vmem>>, vector<1x16xf32>,
      %swap3A_558 = arith.index_cast %add3A_525 : i32 to index
      %swap3A_559 = arith.constant 32 : index
      %swap3A_560 = tpu.vector_load %arg14[%swap3A_558, %swap3A_559] {strides = array<i32>} : memref<128x128xf32, #tpu.memory_space<vmem>>, vector<1x16xf32>,
      %swap3A_561 = vector.shape_cast %swap3A_560 : vector<1x16xf32> to vector<16xf32>
      %swap3A_562 = vector.shape_cast %scan3A_546#2 : vector<16xf32> to vector<1x16xf32>
      tpu.vector_store %arg14[%swap3A_558, %swap3A_559], %swap3A_562 {strides = array<i32>} : memref<128x128xf32, #tpu.memory_space<vmem>>, vector<1x16xf32>,
      %swap3A_563 = arith.index_cast %add3A_525 : i32 to index
      %swap3A_564 = arith.constant 48 : index
      %swap3A_565 = tpu.vector_load %arg14[%swap3A_563, %swap3A_564] {strides = array<i32>} : memref<128x128xf32, #tpu.memory_space<vmem>>, vector<1x16xf32>,
      %swap3A_566 = vector.shape_cast %swap3A_565 : vector<1x16xf32> to vector<16xf32>
      %swap3A_567 = vector.shape_cast %scan3A_546#3 : vector<16xf32> to vector<1x16xf32>
      tpu.vector_store %arg14[%swap3A_563, %swap3A_564], %swap3A_567 {strides = array<i32>} : memref<128x128xf32, #tpu.memory_space<vmem>>, vector<1x16xf32>,
      %swap3A_568 = arith.index_cast %add3A_525 : i32 to index
      %swap3A_569 = arith.constant 64 : index
      %swap3A_570 = tpu.vector_load %arg14[%swap3A_568, %swap3A_569] {strides = array<i32>} : memref<128x128xf32, #tpu.memory_space<vmem>>, vector<1x16xf32>,
      %swap3A_571 = vector.shape_cast %swap3A_570 : vector<1x16xf32> to vector<16xf32>
      %swap3A_572 = vector.shape_cast %scan3A_546#4 : vector<16xf32> to vector<1x16xf32>
      tpu.vector_store %arg14[%swap3A_568, %swap3A_569], %swap3A_572 {strides = array<i32>} : memref<128x128xf32, #tpu.memory_space<vmem>>, vector<1x16xf32>,
      %swap3A_573 = arith.index_cast %add3A_525 : i32 to index
      %swap3A_574 = arith.constant 80 : index
      %swap3A_575 = tpu.vector_load %arg14[%swap3A_573, %swap3A_574] {strides = array<i32>} : memref<128x128xf32, #tpu.memory_space<vmem>>, vector<1x16xf32>,
      %swap3A_576 = vector.shape_cast %swap3A_575 : vector<1x16xf32> to vector<16xf32>
      %swap3A_577 = vector.shape_cast %scan3A_546#5 : vector<16xf32> to vector<1x16xf32>
      tpu.vector_store %arg14[%swap3A_573, %swap3A_574], %swap3A_577 {strides = array<i32>} : memref<128x128xf32, #tpu.memory_space<vmem>>, vector<1x16xf32>,
      %swap3A_578 = arith.index_cast %add3A_525 : i32 to index
      %swap3A_579 = arith.constant 96 : index
      %swap3A_580 = tpu.vector_load %arg14[%swap3A_578, %swap3A_579] {strides = array<i32>} : memref<128x128xf32, #tpu.memory_space<vmem>>, vector<1x16xf32>,
      %swap3A_581 = vector.shape_cast %swap3A_580 : vector<1x16xf32> to vector<16xf32>
      %swap3A_582 = vector.shape_cast %scan3A_546#6 : vector<16xf32> to vector<1x16xf32>
      tpu.vector_store %arg14[%swap3A_578, %swap3A_579], %swap3A_582 {strides = array<i32>} : memref<128x128xf32, #tpu.memory_space<vmem>>, vector<1x16xf32>,
      %swap3A_583 = arith.index_cast %add3A_525 : i32 to index
      %swap3A_584 = arith.constant 112 : index
      %swap3A_585 = tpu.vector_load %arg14[%swap3A_583, %swap3A_584] {strides = array<i32>} : memref<128x128xf32, #tpu.memory_space<vmem>>, vector<1x16xf32>,
      %swap3A_586 = vector.shape_cast %swap3A_585 : vector<1x16xf32> to vector<16xf32>
      %swap3A_587 = vector.shape_cast %scan3A_546#7 : vector<16xf32> to vector<1x16xf32>
      tpu.vector_store %arg14[%swap3A_583, %swap3A_584], %swap3A_587 {strides = array<i32>} : memref<128x128xf32, #tpu.memory_space<vmem>>, vector<1x16xf32>,
      %mul3A_588 = arith.constant 8 : i32
      %mul3A_589 = arith.muli %scan3A_125, %mul3A_588 : i32
      %add3A_590 = arith.constant 7 : i32
      %add3A_591 = arith.addi %mul3A_589, %add3A_590 : i32
      %broadcast_in_dim3A_592 = arith.constant 0.000000e+00 : f32
      %broadcast_in_dim3A_593 = vector.broadcast %broadcast_in_dim3A_592 : f32 to vector<16xf32>
      %broadcast_in_dim3A_594 = arith.constant 0.000000e+00 : f32
      %broadcast_in_dim3A_595 = vector.broadcast %broadcast_in_dim3A_594 : f32 to vector<16xf32>
      %broadcast_in_dim3A_596 = arith.constant 0.000000e+00 : f32
      %broadcast_in_dim3A_597 = vector.broadcast %broadcast_in_dim3A_596 : f32 to vector<16xf32>
      %broadcast_in_dim3A_598 = arith.constant 0.000000e+00 : f32
      %broadcast_in_dim3A_599 = vector.broadcast %broadcast_in_dim3A_598 : f32 to vector<16xf32>
      %broadcast_in_dim3A_600 = arith.constant 0.000000e+00 : f32
      %broadcast_in_dim3A_601 = vector.broadcast %broadcast_in_dim3A_600 : f32 to vector<16xf32>
      %broadcast_in_dim3A_602 = arith.constant 0.000000e+00 : f32
      %broadcast_in_dim3A_603 = vector.broadcast %broadcast_in_dim3A_602 : f32 to vector<16xf32>
      %broadcast_in_dim3A_604 = arith.constant 0.000000e+00 : f32
      %broadcast_in_dim3A_605 = vector.broadcast %broadcast_in_dim3A_604 : f32 to vector<16xf32>
      %broadcast_in_dim3A_606 = arith.constant 0.000000e+00 : f32
      %broadcast_in_dim3A_607 = vector.broadcast %broadcast_in_dim3A_606 : f32 to vector<16xf32>
      %scan3A_608 = arith.constant 0 : i32
      %scan3A_609 = arith.constant 56 : i32
      %scan3A_610 = arith.addi %scan3A_608, %scan3A_609 : i32
      %scan3A_611 = arith.constant 1 : i32
      %scan3A_612:8 = scf.for %scan3A_654 = %scan3A_608 to %scan3A_610 step %scan3A_611 iter_args(%scan3A_655 = %broadcast_in_dim3A_593, %scan3A_656 = %broadcast_in_dim3A_595, %scan3A_657 = %broadcast_in_dim3A_597, %scan3A_658 = %broadcast_in_dim3A_599, %scan3A_659 = %broadcast_in_dim3A_601, %scan3A_660 = %broadcast_in_dim3A_603, %scan3A_661 = %broadcast_in_dim3A_605, %scan3A_662 = %broadcast_in_dim3A_607) -> (vector<16xf32>, vector<16xf32>, vector<16xf32>, vector<16xf32>, vector<16xf32>, vector<16xf32>, vector<16xf32>, vector<16xf32>)  : i32 {
        %get3A_663 = arith.constant 7 : i32
        %get3A_664 = arith.index_cast %get3A_663 : i32 to index
        %get3A_665 = arith.index_cast %scan3A_654 : i32 to index
        %get3A_666 = arith.constant 0 : index
        %get3A_667 = tpu.vector_load %arg12[%get3A_664, %get3A_665, %get3A_666] {strides = array<i32>} : memref<8x56x128xf32, #tpu.memory_space<vmem>>, vector<1x1x16xf32>,
        %get3A_668 = vector.shape_cast %get3A_667 : vector<1x1x16xf32> to vector<16xf32>
        %add3A_669 = arith.addf %scan3A_655, %get3A_668 : vector<16xf32>
        %get3A_670 = arith.constant 7 : i32
        %get3A_671 = arith.index_cast %get3A_670 : i32 to index
        %get3A_672 = arith.index_cast %scan3A_654 : i32 to index
        %get3A_673 = arith.constant 16 : index
        %get3A_674 = tpu.vector_load %arg12[%get3A_671, %get3A_672, %get3A_673] {strides = array<i32>} : memref<8x56x128xf32, #tpu.memory_space<vmem>>, vector<1x1x16xf32>,
        %get3A_675 = vector.shape_cast %get3A_674 : vector<1x1x16xf32> to vector<16xf32>
        %add3A_676 = arith.addf %scan3A_656, %get3A_675 : vector<16xf32>
        %get3A_677 = arith.constant 7 : i32
        %get3A_678 = arith.index_cast %get3A_677 : i32 to index
        %get3A_679 = arith.index_cast %scan3A_654 : i32 to index
        %get3A_680 = arith.constant 32 : index
        %get3A_681 = tpu.vector_load %arg12[%get3A_678, %get3A_679, %get3A_680] {strides = array<i32>} : memref<8x56x128xf32, #tpu.memory_space<vmem>>, vector<1x1x16xf32>,
        %get3A_682 = vector.shape_cast %get3A_681 : vector<1x1x16xf32> to vector<16xf32>
        %add3A_683 = arith.addf %scan3A_657, %get3A_682 : vector<16xf32>
        %get3A_684 = arith.constant 7 : i32
        %get3A_685 = arith.index_cast %get3A_684 : i32 to index
        %get3A_686 = arith.index_cast %scan3A_654 : i32 to index
        %get3A_687 = arith.constant 48 : index
        %get3A_688 = tpu.vector_load %arg12[%get3A_685, %get3A_686, %get3A_687] {strides = array<i32>} : memref<8x56x128xf32, #tpu.memory_space<vmem>>, vector<1x1x16xf32>,
        %get3A_689 = vector.shape_cast %get3A_688 : vector<1x1x16xf32> to vector<16xf32>
        %add3A_690 = arith.addf %scan3A_658, %get3A_689 : vector<16xf32>
        %get3A_691 = arith.constant 7 : i32
        %get3A_692 = arith.index_cast %get3A_691 : i32 to index
        %get3A_693 = arith.index_cast %scan3A_654 : i32 to index
        %get3A_694 = arith.constant 64 : index
        %get3A_695 = tpu.vector_load %arg12[%get3A_692, %get3A_693, %get3A_694] {strides = array<i32>} : memref<8x56x128xf32, #tpu.memory_space<vmem>>, vector<1x1x16xf32>,
        %get3A_696 = vector.shape_cast %get3A_695 : vector<1x1x16xf32> to vector<16xf32>
        %add3A_697 = arith.addf %scan3A_659, %get3A_696 : vector<16xf32>
        %get3A_698 = arith.constant 7 : i32
        %get3A_699 = arith.index_cast %get3A_698 : i32 to index
        %get3A_700 = arith.index_cast %scan3A_654 : i32 to index
        %get3A_701 = arith.constant 80 : index
        %get3A_702 = tpu.vector_load %arg12[%get3A_699, %get3A_700, %get3A_701] {strides = array<i32>} : memref<8x56x128xf32, #tpu.memory_space<vmem>>, vector<1x1x16xf32>,
        %get3A_703 = vector.shape_cast %get3A_702 : vector<1x1x16xf32> to vector<16xf32>
        %add3A_704 = arith.addf %scan3A_660, %get3A_703 : vector<16xf32>
        %get3A_705 = arith.constant 7 : i32
        %get3A_706 = arith.index_cast %get3A_705 : i32 to index
        %get3A_707 = arith.index_cast %scan3A_654 : i32 to index
        %get3A_708 = arith.constant 96 : index
        %get3A_709 = tpu.vector_load %arg12[%get3A_706, %get3A_707, %get3A_708] {strides = array<i32>} : memref<8x56x128xf32, #tpu.memory_space<vmem>>, vector<1x1x16xf32>,
        %get3A_710 = vector.shape_cast %get3A_709 : vector<1x1x16xf32> to vector<16xf32>
        %add3A_711 = arith.addf %scan3A_661, %get3A_710 : vector<16xf32>
        %get3A_712 = arith.constant 7 : i32
        %get3A_713 = arith.index_cast %get3A_712 : i32 to index
        %get3A_714 = arith.index_cast %scan3A_654 : i32 to index
        %get3A_715 = arith.constant 112 : index
        %get3A_716 = tpu.vector_load %arg12[%get3A_713, %get3A_714, %get3A_715] {strides = array<i32>} : memref<8x56x128xf32, #tpu.memory_space<vmem>>, vector<1x1x16xf32>,
        %get3A_717 = vector.shape_cast %get3A_716 : vector<1x1x16xf32> to vector<16xf32>
        %add3A_718 = arith.addf %scan3A_662, %get3A_717 : vector<16xf32>
        scf.yield %add3A_669, %add3A_676, %add3A_683, %add3A_690, %add3A_697, %add3A_704, %add3A_711, %add3A_718 : vector<16xf32>, vector<16xf32>, vector<16xf32>, vector<16xf32>, vector<16xf32>, vector<16xf32>, vector<16xf32>, vector<16xf32>
      }
      %scan3A_613 = arith.constant 56 : i32
      %swap3A_614 = arith.index_cast %add3A_591 : i32 to index
      %swap3A_615 = arith.constant 0 : index
      %swap3A_616 = tpu.vector_load %arg14[%swap3A_614, %swap3A_615] {strides = array<i32>} : memref<128x128xf32, #tpu.memory_space<vmem>>, vector<1x16xf32>,
      %swap3A_617 = vector.shape_cast %swap3A_616 : vector<1x16xf32> to vector<16xf32>
      %swap3A_618 = vector.shape_cast %scan3A_612#0 : vector<16xf32> to vector<1x16xf32>
      tpu.vector_store %arg14[%swap3A_614, %swap3A_615], %swap3A_618 {strides = array<i32>} : memref<128x128xf32, #tpu.memory_space<vmem>>, vector<1x16xf32>,
      %swap3A_619 = arith.index_cast %add3A_591 : i32 to index
      %swap3A_620 = arith.constant 16 : index
      %swap3A_621 = tpu.vector_load %arg14[%swap3A_619, %swap3A_620] {strides = array<i32>} : memref<128x128xf32, #tpu.memory_space<vmem>>, vector<1x16xf32>,
      %swap3A_622 = vector.shape_cast %swap3A_621 : vector<1x16xf32> to vector<16xf32>
      %swap3A_623 = vector.shape_cast %scan3A_612#1 : vector<16xf32> to vector<1x16xf32>
      tpu.vector_store %arg14[%swap3A_619, %swap3A_620], %swap3A_623 {strides = array<i32>} : memref<128x128xf32, #tpu.memory_space<vmem>>, vector<1x16xf32>,
      %swap3A_624 = arith.index_cast %add3A_591 : i32 to index
      %swap3A_625 = arith.constant 32 : index
      %swap3A_626 = tpu.vector_load %arg14[%swap3A_624, %swap3A_625] {strides = array<i32>} : memref<128x128xf32, #tpu.memory_space<vmem>>, vector<1x16xf32>,
      %swap3A_627 = vector.shape_cast %swap3A_626 : vector<1x16xf32> to vector<16xf32>
      %swap3A_628 = vector.shape_cast %scan3A_612#2 : vector<16xf32> to vector<1x16xf32>
      tpu.vector_store %arg14[%swap3A_624, %swap3A_625], %swap3A_628 {strides = array<i32>} : memref<128x128xf32, #tpu.memory_space<vmem>>, vector<1x16xf32>,
      %swap3A_629 = arith.index_cast %add3A_591 : i32 to index
      %swap3A_630 = arith.constant 48 : index
      %swap3A_631 = tpu.vector_load %arg14[%swap3A_629, %swap3A_630] {strides = array<i32>} : memref<128x128xf32, #tpu.memory_space<vmem>>, vector<1x16xf32>,
      %swap3A_632 = vector.shape_cast %swap3A_631 : vector<1x16xf32> to vector<16xf32>
      %swap3A_633 = vector.shape_cast %scan3A_612#3 : vector<16xf32> to vector<1x16xf32>
      tpu.vector_store %arg14[%swap3A_629, %swap3A_630], %swap3A_633 {strides = array<i32>} : memref<128x128xf32, #tpu.memory_space<vmem>>, vector<1x16xf32>,
      %swap3A_634 = arith.index_cast %add3A_591 : i32 to index
      %swap3A_635 = arith.constant 64 : index
      %swap3A_636 = tpu.vector_load %arg14[%swap3A_634, %swap3A_635] {strides = array<i32>} : memref<128x128xf32, #tpu.memory_space<vmem>>, vector<1x16xf32>,
      %swap3A_637 = vector.shape_cast %swap3A_636 : vector<1x16xf32> to vector<16xf32>
      %swap3A_638 = vector.shape_cast %scan3A_612#4 : vector<16xf32> to vector<1x16xf32>
      tpu.vector_store %arg14[%swap3A_634, %swap3A_635], %swap3A_638 {strides = array<i32>} : memref<128x128xf32, #tpu.memory_space<vmem>>, vector<1x16xf32>,
      %swap3A_639 = arith.index_cast %add3A_591 : i32 to index
      %swap3A_640 = arith.constant 80 : index
      %swap3A_641 = tpu.vector_load %arg14[%swap3A_639, %swap3A_640] {strides = array<i32>} : memref<128x128xf32, #tpu.memory_space<vmem>>, vector<1x16xf32>,
      %swap3A_642 = vector.shape_cast %swap3A_641 : vector<1x16xf32> to vector<16xf32>
      %swap3A_643 = vector.shape_cast %scan3A_612#5 : vector<16xf32> to vector<1x16xf32>
      tpu.vector_store %arg14[%swap3A_639, %swap3A_640], %swap3A_643 {strides = array<i32>} : memref<128x128xf32, #tpu.memory_space<vmem>>, vector<1x16xf32>,
      %swap3A_644 = arith.index_cast %add3A_591 : i32 to index
      %swap3A_645 = arith.constant 96 : index
      %swap3A_646 = tpu.vector_load %arg14[%swap3A_644, %swap3A_645] {strides = array<i32>} : memref<128x128xf32, #tpu.memory_space<vmem>>, vector<1x16xf32>,
      %swap3A_647 = vector.shape_cast %swap3A_646 : vector<1x16xf32> to vector<16xf32>
      %swap3A_648 = vector.shape_cast %scan3A_612#6 : vector<16xf32> to vector<1x16xf32>
      tpu.vector_store %arg14[%swap3A_644, %swap3A_645], %swap3A_648 {strides = array<i32>} : memref<128x128xf32, #tpu.memory_space<vmem>>, vector<1x16xf32>,
      %swap3A_649 = arith.index_cast %add3A_591 : i32 to index
      %swap3A_650 = arith.constant 112 : index
      %swap3A_651 = tpu.vector_load %arg14[%swap3A_649, %swap3A_650] {strides = array<i32>} : memref<128x128xf32, #tpu.memory_space<vmem>>, vector<1x16xf32>,
      %swap3A_652 = vector.shape_cast %swap3A_651 : vector<1x16xf32> to vector<16xf32>
      %swap3A_653 = vector.shape_cast %scan3A_612#7 : vector<16xf32> to vector<1x16xf32>
      tpu.vector_store %arg14[%swap3A_649, %swap3A_650], %swap3A_653 {strides = array<i32>} : memref<128x128xf32, #tpu.memory_space<vmem>>, vector<1x16xf32>,
    }
    %scan3A_124 = arith.constant 16 : i32
    "tpu.region"() ({
      %run_scoped3A = tpu.sem_alloc : memref<!tpu.dma_semaphore, #tpu.memory_space<semaphore_mem>>
      %dma_start3A_125 = arith.constant 0 : i32
      %dma_start3A_126 = tpu.memref_slice %arg8[%mul3A_2, %dma_start3A_125] : memref<4096x128xf32, #tpu.memory_space<hbm>> -> memref<128x128xf32, #tpu.memory_space<hbm>>
      %dma_start3A_127 = arith.constant 0 : i32
      %dma_start3A_128 = tpu.memref_slice %arg8[%mul3A_2, %dma_start3A_127] : memref<4096x128xf32, #tpu.memory_space<hbm>> -> memref<128x128xf32, #tpu.memory_space<hbm>>
      tpu.enqueue_dma source(%arg14 : memref<128x128xf32, #tpu.memory_space<vmem>>) target(%dma_start3A_128 : memref<128x128xf32, #tpu.memory_space<hbm>>) target_semaphore(%run_scoped3A : memref<!tpu.dma_semaphore, #tpu.memory_space<semaphore_mem>>)
      %dma_wait3A_129 = arith.constant 0 : i32
      %dma_wait3A_130 = tpu.memref_slice %arg8[%mul3A_2, %dma_wait3A_129] : memref<4096x128xf32, #tpu.memory_space<hbm>> -> memref<128x128xf32, #tpu.memory_space<hbm>>
      %dma_wait3A_131 = arith.constant 0 : i32
      %dma_wait3A_132 = tpu.memref_slice %arg8[%mul3A_2, %dma_wait3A_131] : memref<4096x128xf32, #tpu.memory_space<hbm>> -> memref<128x128xf32, #tpu.memory_space<hbm>>
      tpu.wait_dma2 semaphore(%run_scoped3A : memref<!tpu.dma_semaphore, #tpu.memory_space<semaphore_mem>>) src(%arg14 : memref<128x128xf32, #tpu.memory_space<vmem>>) dst(%dma_wait3A_132 : memref<128x128xf32, #tpu.memory_space<hbm>>)
      tpu.yield
    }) : () -> ()
    return
  }
}

module attributes {stable_mosaic.version = 14 : i64} {
  func.func @_transform_body(%arg0: i32, %arg1: memref<1024x256xf32, #tpu.memory_space<vmem>>, %arg2: memref<256x128xf32, #tpu.memory_space<vmem>>, %arg3: memref<1x128xf32, #tpu.memory_space<vmem>>, %arg4: memref<1024x64xf32, #tpu.memory_space<vmem>>, %arg5: memref<64x128xf32, #tpu.memory_space<vmem>>, %arg6: memref<1x128xf32, #tpu.memory_space<vmem>>, %arg7: memref<1024x128xf32, #tpu.memory_space<vmem>>, %arg8: memref<1024x128xf32, #tpu.memory_space<vmem>>) attributes {dimension_semantics = [#tpu.dimension_semantics<arbitrary>], iteration_bounds = array<i64: 98>, scalar_prefetch = 0 : i64, scratch_operands = 0 : i64, tpu.core_type = #tpu.core_type<tc>, window_params = [{transform_indices = @transform_0, window_bounds = array<i64: 1024, 256>}, {pipeline_mode = #tpu.pipeline_mode<synchronous>, transform_indices = @transform_1, window_bounds = array<i64: 256, 128>}, {pipeline_mode = #tpu.pipeline_mode<synchronous>, transform_indices = @transform_2, window_bounds = array<i64: 1, 128>}, {transform_indices = @transform_3, window_bounds = array<i64: 1024, 64>}, {pipeline_mode = #tpu.pipeline_mode<synchronous>, transform_indices = @transform_4, window_bounds = array<i64: 64, 128>}, {pipeline_mode = #tpu.pipeline_mode<synchronous>, transform_indices = @transform_5, window_bounds = array<i64: 1, 128>}, {transform_indices = @transform_6, window_bounds = array<i64: 1024, 128>}, {transform_indices = @transform_7, window_bounds = array<i64: 1024, 128>}]} {
    %mul3A = arith.constant 1024 : i32
    %mul3A_0 = arith.muli %arg0, %mul3A : i32
    %iota3A = tpu.iota {dimensions = array<i32: 0>} : vector<1024x1xi32>
    %add3A = vector.broadcast %mul3A_0 : i32 to vector<1024x1xi32>
    %add3A_1 = arith.addi %add3A, %iota3A : vector<1024x1xi32>
    %le3A = arith.constant 100000 : i32
    %le3A_2 = vector.broadcast %le3A : i32 to vector<1024x1xi32>
    %le3A_3 = arith.cmpi sle, %add3A_1, %le3A_2 : vector<1024x1xi32>
    %ne3A = arith.constant 0 : i32
    %ne3A_4 = vector.broadcast %ne3A : i32 to vector<1024x1xi32>
    %ne3A_5 = arith.cmpi ne, %add3A_1, %ne3A_4 : vector<1024x1xi32>
    %get3A = arith.constant 0 : index
    %get3A_6 = arith.constant 0 : index
    %get3A_7 = vector.load %arg1[%get3A, %get3A_6] : memref<1024x256xf32, #tpu.memory_space<vmem>>, vector<1024x256xf32>
    %jit3A = arith.constant 0.000000e+00 : f32
    %broadcast_in_dim3A = vector.shape_cast %le3A_3 : vector<1024x1xi1> to vector<1024x1xi1>
    %broadcast_in_dim3A_8 = vector.broadcast %broadcast_in_dim3A : vector<1024x1xi1> to vector<1024x256xi1>
    %broadcast_in_dim3A_9 = vector.broadcast %jit3A : f32 to vector<1024x256xf32>
    %select_n3A = arith.select %broadcast_in_dim3A_8, %get3A_7, %broadcast_in_dim3A_9 : vector<1024x256xi1>, vector<1024x256xf32>
    %get3A_10 = arith.constant 0 : index
    %get3A_11 = arith.constant 0 : index
    %get3A_12 = vector.load %arg2[%get3A_10, %get3A_11] : memref<256x128xf32, #tpu.memory_space<vmem>>, vector<256x128xf32>
    %convert_element_type3A = arith.truncf %select_n3A : vector<1024x256xf32> to vector<1024x256xbf16>
    %convert_element_type3A_13 = arith.truncf %get3A_12 : vector<256x128xf32> to vector<256x128xbf16>
    %dot_general3A = arith.constant dense<0.000000e+00> : vector<1024x128xf32>
    %dot_general3A_14 = tpu.matmul %convert_element_type3A, %convert_element_type3A_13, %dot_general3A {dimension_numbers = #tpu.dot_dimension_numbers<[1], [0], [0], [1], [0, 0, 1, 1], [], []>, transpose_lhs_hint = false} : vector<1024x256xbf16>, vector<256x128xbf16>, vector<1024x128xf32> -> vector<1024x128xf32>
    %get3A_15 = arith.constant 0 : index
    %get3A_16 = arith.constant 0 : index
    %get3A_17 = vector.load %arg3[%get3A_15, %get3A_16] : memref<1x128xf32, #tpu.memory_space<vmem>>, vector<1x128xf32>
    %add3A_18 = vector.broadcast %get3A_17 : vector<1x128xf32> to vector<1024x128xf32>
    %add3A_19 = arith.addf %dot_general3A_14, %add3A_18 : vector<1024x128xf32>
    %max3A = arith.constant 0.000000e+00 : f32
    %max3A_20 = vector.broadcast %max3A : f32 to vector<1024x128xf32>
    %max3A_21 = arith.maximumf %add3A_19, %max3A_20 : vector<1024x128xf32>
    %jit3A_22 = arith.constant 0.000000e+00 : f32
    %broadcast_in_dim3A_23 = vector.shape_cast %ne3A_5 : vector<1024x1xi1> to vector<1024x1xi1>
    %broadcast_in_dim3A_24 = vector.broadcast %broadcast_in_dim3A_23 : vector<1024x1xi1> to vector<1024x128xi1>
    %broadcast_in_dim3A_25 = vector.broadcast %jit3A_22 : f32 to vector<1024x128xf32>
    %select_n3A_26 = arith.select %broadcast_in_dim3A_24, %max3A_21, %broadcast_in_dim3A_25 : vector<1024x128xi1>, vector<1024x128xf32>
    %swap3A = arith.constant 0 : index
    %swap3A_27 = arith.constant 0 : index
    %swap3A_28 = vector.load %arg7[%swap3A, %swap3A_27] : memref<1024x128xf32, #tpu.memory_space<vmem>>, vector<1024x128xf32>
    tpu.vector_store %arg7[%swap3A, %swap3A_27], %select_n3A_26 {strides = array<i32>} : memref<1024x128xf32, #tpu.memory_space<vmem>>, vector<1024x128xf32>,
    %get3A_29 = arith.constant 0 : index
    %get3A_30 = arith.constant 0 : index
    %get3A_31 = vector.load %arg4[%get3A_29, %get3A_30] : memref<1024x64xf32, #tpu.memory_space<vmem>>, vector<1024x64xf32>
    %jit3A_32 = arith.constant 0.000000e+00 : f32
    %broadcast_in_dim3A_33 = vector.shape_cast %le3A_3 : vector<1024x1xi1> to vector<1024x1xi1>
    %broadcast_in_dim3A_34 = vector.broadcast %broadcast_in_dim3A_33 : vector<1024x1xi1> to vector<1024x64xi1>
    %broadcast_in_dim3A_35 = vector.broadcast %jit3A_32 : f32 to vector<1024x64xf32>
    %select_n3A_36 = arith.select %broadcast_in_dim3A_34, %get3A_31, %broadcast_in_dim3A_35 : vector<1024x64xi1>, vector<1024x64xf32>
    %get3A_37 = arith.constant 0 : index
    %get3A_38 = arith.constant 0 : index
    %get3A_39 = vector.load %arg5[%get3A_37, %get3A_38] : memref<64x128xf32, #tpu.memory_space<vmem>>, vector<64x128xf32>
    %convert_element_type3A_40 = arith.truncf %select_n3A_36 : vector<1024x64xf32> to vector<1024x64xbf16>
    %convert_element_type3A_41 = arith.truncf %get3A_39 : vector<64x128xf32> to vector<64x128xbf16>
    %dot_general3A_42 = arith.constant dense<0.000000e+00> : vector<1024x128xf32>
    %dot_general3A_43 = tpu.matmul %convert_element_type3A_40, %convert_element_type3A_41, %dot_general3A_42 {dimension_numbers = #tpu.dot_dimension_numbers<[1], [0], [0], [1], [0, 0, 1, 1], [], []>, transpose_lhs_hint = false} : vector<1024x64xbf16>, vector<64x128xbf16>, vector<1024x128xf32> -> vector<1024x128xf32>
    %get3A_44 = arith.constant 0 : index
    %get3A_45 = arith.constant 0 : index
    %get3A_46 = vector.load %arg6[%get3A_44, %get3A_45] : memref<1x128xf32, #tpu.memory_space<vmem>>, vector<1x128xf32>
    %add3A_47 = vector.broadcast %get3A_46 : vector<1x128xf32> to vector<1024x128xf32>
    %add3A_48 = arith.addf %dot_general3A_43, %add3A_47 : vector<1024x128xf32>
    %max3A_49 = arith.constant 0.000000e+00 : f32
    %max3A_50 = vector.broadcast %max3A_49 : f32 to vector<1024x128xf32>
    %max3A_51 = arith.maximumf %add3A_48, %max3A_50 : vector<1024x128xf32>
    %jit3A_52 = arith.constant 0.000000e+00 : f32
    %broadcast_in_dim3A_53 = vector.shape_cast %ne3A_5 : vector<1024x1xi1> to vector<1024x1xi1>
    %broadcast_in_dim3A_54 = vector.broadcast %broadcast_in_dim3A_53 : vector<1024x1xi1> to vector<1024x128xi1>
    %broadcast_in_dim3A_55 = vector.broadcast %jit3A_52 : f32 to vector<1024x128xf32>
    %select_n3A_56 = arith.select %broadcast_in_dim3A_54, %max3A_51, %broadcast_in_dim3A_55 : vector<1024x128xi1>, vector<1024x128xf32>
    %swap3A_57 = arith.constant 0 : index
    %swap3A_58 = arith.constant 0 : index
    %swap3A_59 = vector.load %arg8[%swap3A_57, %swap3A_58] : memref<1024x128xf32, #tpu.memory_space<vmem>>, vector<1024x128xf32>
    tpu.vector_store %arg8[%swap3A_57, %swap3A_58], %select_n3A_56 {strides = array<i32>} : memref<1024x128xf32, #tpu.memory_space<vmem>>, vector<1024x128xf32>,
    return
  }
  func.func @transform_0(%arg0: i32) -> (i32, i32) {
    %c0_i32 = arith.constant 0 : i32
    %c0_i32_0 = arith.constant 0 : i32
    return %arg0, %c0_i32 : i32, i32
  }
  func.func @transform_1(%arg0: i32) -> (i32, i32) {
    %c0_i32 = arith.constant 0 : i32
    %c0_i32_0 = arith.constant 0 : i32
    %c0_i32_1 = arith.constant 0 : i32
    return %c0_i32, %c0_i32_0 : i32, i32
  }
  func.func @transform_2(%arg0: i32) -> (i32, i32) {
    %c0_i32 = arith.constant 0 : i32
    %c0_i32_0 = arith.constant 0 : i32
    %c0_i32_1 = arith.constant 0 : i32
    return %c0_i32, %c0_i32_0 : i32, i32
  }
  func.func @transform_3(%arg0: i32) -> (i32, i32) {
    %c0_i32 = arith.constant 0 : i32
    %c0_i32_0 = arith.constant 0 : i32
    return %arg0, %c0_i32 : i32, i32
  }
  func.func @transform_4(%arg0: i32) -> (i32, i32) {
    %c0_i32 = arith.constant 0 : i32
    %c0_i32_0 = arith.constant 0 : i32
    %c0_i32_1 = arith.constant 0 : i32
    return %c0_i32, %c0_i32_0 : i32, i32
  }
  func.func @transform_5(%arg0: i32) -> (i32, i32) {
    %c0_i32 = arith.constant 0 : i32
    %c0_i32_0 = arith.constant 0 : i32
    %c0_i32_1 = arith.constant 0 : i32
    return %c0_i32, %c0_i32_0 : i32, i32
  }
  func.func @transform_6(%arg0: i32) -> (i32, i32) {
    %c0_i32 = arith.constant 0 : i32
    %c0_i32_0 = arith.constant 0 : i32
    return %arg0, %c0_i32 : i32, i32
  }
  func.func @transform_7(%arg0: i32) -> (i32, i32) {
    %c0_i32 = arith.constant 0 : i32
    %c0_i32_0 = arith.constant 0 : i32
    return %arg0, %c0_i32 : i32, i32
  }
}

module attributes {stable_mosaic.version = 14 : i64} {
  func.func @_scorer_body(%arg0: i32, %arg1: memref<512x128xf32, #tpu.memory_space<vmem>>, %arg2: memref<512x128xf32, #tpu.memory_space<vmem>>, %arg3: memref<512x128xf32, #tpu.memory_space<vmem>>, %arg4: memref<512x128xf32, #tpu.memory_space<vmem>>, %arg5: memref<128x64xf32, #tpu.memory_space<vmem>>, %arg6: memref<1x64xf32, #tpu.memory_space<vmem>>, %arg7: memref<64x1xf32, #tpu.memory_space<vmem>>, %arg8: memref<128x64xf32, #tpu.memory_space<vmem>>, %arg9: memref<1x64xf32, #tpu.memory_space<vmem>>, %arg10: memref<64x1xf32, #tpu.memory_space<vmem>>, %arg11: memref<512x2xf32, #tpu.memory_space<vmem>>) attributes {dimension_semantics = [#tpu.dimension_semantics<arbitrary>], iteration_bounds = array<i64: 8>, scalar_prefetch = 0 : i64, scratch_operands = 0 : i64, tpu.core_type = #tpu.core_type<tc>, window_params = [{transform_indices = @transform_0, window_bounds = array<i64: 512, 128>}, {transform_indices = @transform_1, window_bounds = array<i64: 512, 128>}, {transform_indices = @transform_2, window_bounds = array<i64: 512, 128>}, {transform_indices = @transform_3, window_bounds = array<i64: 512, 128>}, {pipeline_mode = #tpu.pipeline_mode<synchronous>, transform_indices = @transform_4, window_bounds = array<i64: 128, 64>}, {pipeline_mode = #tpu.pipeline_mode<synchronous>, transform_indices = @transform_5, window_bounds = array<i64: 1, 64>}, {pipeline_mode = #tpu.pipeline_mode<synchronous>, transform_indices = @transform_6, window_bounds = array<i64: 64, 1>}, {pipeline_mode = #tpu.pipeline_mode<synchronous>, transform_indices = @transform_7, window_bounds = array<i64: 128, 64>}, {pipeline_mode = #tpu.pipeline_mode<synchronous>, transform_indices = @transform_8, window_bounds = array<i64: 1, 64>}, {pipeline_mode = #tpu.pipeline_mode<synchronous>, transform_indices = @transform_9, window_bounds = array<i64: 64, 1>}, {transform_indices = @transform_10, window_bounds = array<i64: 512, 2>}]} {
    %get3A = arith.constant 0 : index
    %get3A_0 = arith.constant 0 : index
    %get3A_1 = vector.load %arg1[%get3A, %get3A_0] : memref<512x128xf32, #tpu.memory_space<vmem>>, vector<512x128xf32>
    %get3A_2 = arith.constant 0 : index
    %get3A_3 = arith.constant 0 : index
    %get3A_4 = vector.load %arg5[%get3A_2, %get3A_3] : memref<128x64xf32, #tpu.memory_space<vmem>>, vector<128x64xf32>
    %convert_element_type3A = arith.truncf %get3A_1 : vector<512x128xf32> to vector<512x128xbf16>
    %convert_element_type3A_5 = arith.truncf %get3A_4 : vector<128x64xf32> to vector<128x64xbf16>
    %dot_general3A = arith.constant dense<0.000000e+00> : vector<512x64xf32>
    %dot_general3A_6 = tpu.matmul %convert_element_type3A, %convert_element_type3A_5, %dot_general3A {dimension_numbers = #tpu.dot_dimension_numbers<[1], [0], [0], [1], [0, 0, 1, 1], [], []>, transpose_lhs_hint = false} : vector<512x128xbf16>, vector<128x64xbf16>, vector<512x64xf32> -> vector<512x64xf32>
    %get3A_7 = arith.constant 0 : index
    %get3A_8 = arith.constant 0 : index
    %get3A_9 = vector.load %arg6[%get3A_7, %get3A_8] : memref<1x64xf32, #tpu.memory_space<vmem>>, vector<1x64xf32>
    %add3A = vector.broadcast %get3A_9 : vector<1x64xf32> to vector<512x64xf32>
    %add3A_10 = arith.addf %dot_general3A_6, %add3A : vector<512x64xf32>
    %max3A = arith.constant 0.000000e+00 : f32
    %max3A_11 = vector.broadcast %max3A : f32 to vector<512x64xf32>
    %max3A_12 = arith.maximumf %add3A_10, %max3A_11 : vector<512x64xf32>
    %get3A_13 = arith.constant 0 : index
    %get3A_14 = arith.constant 0 : index
    %get3A_15 = vector.load %arg1[%get3A_13, %get3A_14] : memref<512x128xf32, #tpu.memory_space<vmem>>, vector<512x128xf32>
    %get3A_16 = arith.constant 0 : index
    %get3A_17 = arith.constant 0 : index
    %get3A_18 = vector.load %arg2[%get3A_16, %get3A_17] : memref<512x128xf32, #tpu.memory_space<vmem>>, vector<512x128xf32>
    %add3A_19 = arith.addf %get3A_15, %get3A_18 : vector<512x128xf32>
    %get3A_20 = arith.constant 0 : index
    %get3A_21 = arith.constant 0 : index
    %get3A_22 = vector.load %arg5[%get3A_20, %get3A_21] : memref<128x64xf32, #tpu.memory_space<vmem>>, vector<128x64xf32>
    %convert_element_type3A_23 = arith.truncf %add3A_19 : vector<512x128xf32> to vector<512x128xbf16>
    %convert_element_type3A_24 = arith.truncf %get3A_22 : vector<128x64xf32> to vector<128x64xbf16>
    %dot_general3A_25 = arith.constant dense<0.000000e+00> : vector<512x64xf32>
    %dot_general3A_26 = tpu.matmul %convert_element_type3A_23, %convert_element_type3A_24, %dot_general3A_25 {dimension_numbers = #tpu.dot_dimension_numbers<[1], [0], [0], [1], [0, 0, 1, 1], [], []>, transpose_lhs_hint = false} : vector<512x128xbf16>, vector<128x64xbf16>, vector<512x64xf32> -> vector<512x64xf32>
    %get3A_27 = arith.constant 0 : index
    %get3A_28 = arith.constant 0 : index
    %get3A_29 = vector.load %arg6[%get3A_27, %get3A_28] : memref<1x64xf32, #tpu.memory_space<vmem>>, vector<1x64xf32>
    %add3A_30 = vector.broadcast %get3A_29 : vector<1x64xf32> to vector<512x64xf32>
    %add3A_31 = arith.addf %dot_general3A_26, %add3A_30 : vector<512x64xf32>
    %max3A_32 = arith.constant 0.000000e+00 : f32
    %max3A_33 = vector.broadcast %max3A_32 : f32 to vector<512x64xf32>
    %max3A_34 = arith.maximumf %add3A_31, %max3A_33 : vector<512x64xf32>
    %get3A_35 = arith.constant 0 : index
    %get3A_36 = arith.constant 0 : index
    %get3A_37 = vector.load %arg7[%get3A_35, %get3A_36] : memref<64x1xf32, #tpu.memory_space<vmem>>, vector<64x1xf32>
    %convert_element_type3A_38 = arith.truncf %max3A_34 : vector<512x64xf32> to vector<512x64xbf16>
    %convert_element_type3A_39 = arith.truncf %get3A_37 : vector<64x1xf32> to vector<64x1xbf16>
    %dot_general3A_40 = arith.constant dense<0.000000e+00> : vector<512x1xf32>
    %dot_general3A_41 = tpu.matmul %convert_element_type3A_38, %convert_element_type3A_39, %dot_general3A_40 {dimension_numbers = #tpu.dot_dimension_numbers<[1], [0], [0], [1], [0, 0, 1, 1], [], []>, transpose_lhs_hint = false} : vector<512x64xbf16>, vector<64x1xbf16>, vector<512x1xf32> -> vector<512x1xf32>
    %get3A_42 = arith.constant 0 : index
    %get3A_43 = arith.constant 0 : index
    %get3A_44 = vector.load %arg7[%get3A_42, %get3A_43] : memref<64x1xf32, #tpu.memory_space<vmem>>, vector<64x1xf32>
    %convert_element_type3A_45 = arith.truncf %max3A_12 : vector<512x64xf32> to vector<512x64xbf16>
    %convert_element_type3A_46 = arith.truncf %get3A_44 : vector<64x1xf32> to vector<64x1xbf16>
    %dot_general3A_47 = arith.constant dense<0.000000e+00> : vector<512x1xf32>
    %dot_general3A_48 = tpu.matmul %convert_element_type3A_45, %convert_element_type3A_46, %dot_general3A_47 {dimension_numbers = #tpu.dot_dimension_numbers<[1], [0], [0], [1], [0, 0, 1, 1], [], []>, transpose_lhs_hint = false} : vector<512x64xbf16>, vector<64x1xbf16>, vector<512x1xf32> -> vector<512x1xf32>
    %sub3A = arith.subf %dot_general3A_41, %dot_general3A_48 : vector<512x1xf32>
    %get3A_49 = arith.constant 0 : index
    %get3A_50 = arith.constant 0 : index
    %get3A_51 = vector.load %arg3[%get3A_49, %get3A_50] : memref<512x128xf32, #tpu.memory_space<vmem>>, vector<512x128xf32>
    %get3A_52 = arith.constant 0 : index
    %get3A_53 = arith.constant 0 : index
    %get3A_54 = vector.load %arg8[%get3A_52, %get3A_53] : memref<128x64xf32, #tpu.memory_space<vmem>>, vector<128x64xf32>
    %convert_element_type3A_55 = arith.truncf %get3A_51 : vector<512x128xf32> to vector<512x128xbf16>
    %convert_element_type3A_56 = arith.truncf %get3A_54 : vector<128x64xf32> to vector<128x64xbf16>
    %dot_general3A_57 = arith.constant dense<0.000000e+00> : vector<512x64xf32>
    %dot_general3A_58 = tpu.matmul %convert_element_type3A_55, %convert_element_type3A_56, %dot_general3A_57 {dimension_numbers = #tpu.dot_dimension_numbers<[1], [0], [0], [1], [0, 0, 1, 1], [], []>, transpose_lhs_hint = false} : vector<512x128xbf16>, vector<128x64xbf16>, vector<512x64xf32> -> vector<512x64xf32>
    %get3A_59 = arith.constant 0 : index
    %get3A_60 = arith.constant 0 : index
    %get3A_61 = vector.load %arg9[%get3A_59, %get3A_60] : memref<1x64xf32, #tpu.memory_space<vmem>>, vector<1x64xf32>
    %add3A_62 = vector.broadcast %get3A_61 : vector<1x64xf32> to vector<512x64xf32>
    %add3A_63 = arith.addf %dot_general3A_58, %add3A_62 : vector<512x64xf32>
    %max3A_64 = arith.constant 0.000000e+00 : f32
    %max3A_65 = vector.broadcast %max3A_64 : f32 to vector<512x64xf32>
    %max3A_66 = arith.maximumf %add3A_63, %max3A_65 : vector<512x64xf32>
    %get3A_67 = arith.constant 0 : index
    %get3A_68 = arith.constant 0 : index
    %get3A_69 = vector.load %arg3[%get3A_67, %get3A_68] : memref<512x128xf32, #tpu.memory_space<vmem>>, vector<512x128xf32>
    %get3A_70 = arith.constant 0 : index
    %get3A_71 = arith.constant 0 : index
    %get3A_72 = vector.load %arg4[%get3A_70, %get3A_71] : memref<512x128xf32, #tpu.memory_space<vmem>>, vector<512x128xf32>
    %add3A_73 = arith.addf %get3A_69, %get3A_72 : vector<512x128xf32>
    %get3A_74 = arith.constant 0 : index
    %get3A_75 = arith.constant 0 : index
    %get3A_76 = vector.load %arg8[%get3A_74, %get3A_75] : memref<128x64xf32, #tpu.memory_space<vmem>>, vector<128x64xf32>
    %convert_element_type3A_77 = arith.truncf %add3A_73 : vector<512x128xf32> to vector<512x128xbf16>
    %convert_element_type3A_78 = arith.truncf %get3A_76 : vector<128x64xf32> to vector<128x64xbf16>
    %dot_general3A_79 = arith.constant dense<0.000000e+00> : vector<512x64xf32>
    %dot_general3A_80 = tpu.matmul %convert_element_type3A_77, %convert_element_type3A_78, %dot_general3A_79 {dimension_numbers = #tpu.dot_dimension_numbers<[1], [0], [0], [1], [0, 0, 1, 1], [], []>, transpose_lhs_hint = false} : vector<512x128xbf16>, vector<128x64xbf16>, vector<512x64xf32> -> vector<512x64xf32>
    %get3A_81 = arith.constant 0 : index
    %get3A_82 = arith.constant 0 : index
    %get3A_83 = vector.load %arg9[%get3A_81, %get3A_82] : memref<1x64xf32, #tpu.memory_space<vmem>>, vector<1x64xf32>
    %add3A_84 = vector.broadcast %get3A_83 : vector<1x64xf32> to vector<512x64xf32>
    %add3A_85 = arith.addf %dot_general3A_80, %add3A_84 : vector<512x64xf32>
    %max3A_86 = arith.constant 0.000000e+00 : f32
    %max3A_87 = vector.broadcast %max3A_86 : f32 to vector<512x64xf32>
    %max3A_88 = arith.maximumf %add3A_85, %max3A_87 : vector<512x64xf32>
    %get3A_89 = arith.constant 0 : index
    %get3A_90 = arith.constant 0 : index
    %get3A_91 = vector.load %arg10[%get3A_89, %get3A_90] : memref<64x1xf32, #tpu.memory_space<vmem>>, vector<64x1xf32>
    %convert_element_type3A_92 = arith.truncf %max3A_88 : vector<512x64xf32> to vector<512x64xbf16>
    %convert_element_type3A_93 = arith.truncf %get3A_91 : vector<64x1xf32> to vector<64x1xbf16>
    %dot_general3A_94 = arith.constant dense<0.000000e+00> : vector<512x1xf32>
    %dot_general3A_95 = tpu.matmul %convert_element_type3A_92, %convert_element_type3A_93, %dot_general3A_94 {dimension_numbers = #tpu.dot_dimension_numbers<[1], [0], [0], [1], [0, 0, 1, 1], [], []>, transpose_lhs_hint = false} : vector<512x64xbf16>, vector<64x1xbf16>, vector<512x1xf32> -> vector<512x1xf32>
    %get3A_96 = arith.constant 0 : index
    %get3A_97 = arith.constant 0 : index
    %get3A_98 = vector.load %arg10[%get3A_96, %get3A_97] : memref<64x1xf32, #tpu.memory_space<vmem>>, vector<64x1xf32>
    %convert_element_type3A_99 = arith.truncf %max3A_66 : vector<512x64xf32> to vector<512x64xbf16>
    %convert_element_type3A_100 = arith.truncf %get3A_98 : vector<64x1xf32> to vector<64x1xbf16>
    %dot_general3A_101 = arith.constant dense<0.000000e+00> : vector<512x1xf32>
    %dot_general3A_102 = tpu.matmul %convert_element_type3A_99, %convert_element_type3A_100, %dot_general3A_101 {dimension_numbers = #tpu.dot_dimension_numbers<[1], [0], [0], [1], [0, 0, 1, 1], [], []>, transpose_lhs_hint = false} : vector<512x64xbf16>, vector<64x1xbf16>, vector<512x1xf32> -> vector<512x1xf32>
    %sub3A_103 = arith.subf %dot_general3A_95, %dot_general3A_102 : vector<512x1xf32>
    %concatenate3A = tpu.concatenate %sub3A, %sub3A_103 in 1 : vector<512x1xf32>, vector<512x1xf32> -> vector<512x2xf32>
    %mul3A = arith.constant 2.000000e+00 : f32
    %mul3A_104 = vector.broadcast %mul3A : f32 to vector<512x2xf32>
    %mul3A_105 = arith.mulf %concatenate3A, %mul3A_104 : vector<512x2xf32>
    %swap3A = arith.constant 0 : index
    %swap3A_106 = arith.constant 0 : index
    %swap3A_107 = vector.load %arg11[%swap3A, %swap3A_106] : memref<512x2xf32, #tpu.memory_space<vmem>>, vector<512x2xf32>
    tpu.vector_store %arg11[%swap3A, %swap3A_106], %mul3A_105 {strides = array<i32>} : memref<512x2xf32, #tpu.memory_space<vmem>>, vector<512x2xf32>,
    return
  }
  func.func @transform_0(%arg0: i32) -> (i32, i32) {
    %c0_i32 = arith.constant 0 : i32
    %c0_i32_0 = arith.constant 0 : i32
    return %arg0, %c0_i32 : i32, i32
  }
  func.func @transform_1(%arg0: i32) -> (i32, i32) {
    %c0_i32 = arith.constant 0 : i32
    %c0_i32_0 = arith.constant 0 : i32
    return %arg0, %c0_i32 : i32, i32
  }
  func.func @transform_2(%arg0: i32) -> (i32, i32) {
    %c0_i32 = arith.constant 0 : i32
    %c0_i32_0 = arith.constant 0 : i32
    return %arg0, %c0_i32 : i32, i32
  }
  func.func @transform_3(%arg0: i32) -> (i32, i32) {
    %c0_i32 = arith.constant 0 : i32
    %c0_i32_0 = arith.constant 0 : i32
    return %arg0, %c0_i32 : i32, i32
  }
  func.func @transform_4(%arg0: i32) -> (i32, i32) {
    %c0_i32 = arith.constant 0 : i32
    %c0_i32_0 = arith.constant 0 : i32
    %c0_i32_1 = arith.constant 0 : i32
    return %c0_i32, %c0_i32_0 : i32, i32
  }
  func.func @transform_5(%arg0: i32) -> (i32, i32) {
    %c0_i32 = arith.constant 0 : i32
    %c0_i32_0 = arith.constant 0 : i32
    %c0_i32_1 = arith.constant 0 : i32
    return %c0_i32, %c0_i32_0 : i32, i32
  }
  func.func @transform_6(%arg0: i32) -> (i32, i32) {
    %c0_i32 = arith.constant 0 : i32
    %c0_i32_0 = arith.constant 0 : i32
    %c0_i32_1 = arith.constant 0 : i32
    return %c0_i32, %c0_i32_0 : i32, i32
  }
  func.func @transform_7(%arg0: i32) -> (i32, i32) {
    %c0_i32 = arith.constant 0 : i32
    %c0_i32_0 = arith.constant 0 : i32
    %c0_i32_1 = arith.constant 0 : i32
    return %c0_i32, %c0_i32_0 : i32, i32
  }
  func.func @transform_8(%arg0: i32) -> (i32, i32) {
    %c0_i32 = arith.constant 0 : i32
    %c0_i32_0 = arith.constant 0 : i32
    %c0_i32_1 = arith.constant 0 : i32
    return %c0_i32, %c0_i32_0 : i32, i32
  }
  func.func @transform_9(%arg0: i32) -> (i32, i32) {
    %c0_i32 = arith.constant 0 : i32
    %c0_i32_0 = arith.constant 0 : i32
    %c0_i32_1 = arith.constant 0 : i32
    return %c0_i32, %c0_i32_0 : i32, i32
  }
  func.func @transform_10(%arg0: i32) -> (i32, i32) {
    %c0_i32 = arith.constant 0 : i32
    %c0_i32_0 = arith.constant 0 : i32
    return %arg0, %c0_i32 : i32, i32
  }
}

</mosaic_0001>

<sc_bundles>
// kernel: kernel.5.cloned.1.call-start
scs
__scs_entry_jumppad:
0x0: {  	(pc) =	sbr.rel $0x88, $3  }
0x1: {  	(tag) =	ssettag $0x0;
	lr =	simm.s32 $0x1  }
0x2: {  	[smem:$0x3F93] =	sst lr;
	_ =	strace $0xD0000000  }
0x3: {  	_ = 	snop  }
0x4: {  	_ = 	snop  }
0x5: {  	_ = 	snop  }
0x6: {  	_ = 	snop  }
0x7: {  	_ = 	snop  }
__scs_overlays_trampoline_lowered:
0x8: {  	[smem:$0x3FA2] =	sst s0  }
0x9: {  	[smem:$0x3FA3] =	sst s1  }
0xa: {  	[smem:$0x3FA4] =	sst s2  }
0xb: {  	[smem:$0x3FA5] =	sst s3  }
0xc: {  	[smem:$0x3FA6] =	sst s4  }
0xd: {  	[smem:$0x3FA7] =	sst s5  }
0xe: {  	[smem:$0x3FA8] =	sst s6  }
0xf: {  	[smem:$0x3FA9] =	sst s7  }
0x10: {  	[smem:$0x3FAA] =	sst s8  }
0x11: {  	[smem:$0x3FAB] =	sst s9;
	s0 =	simm.s32 @!p0 $0x0  }
0x12: {  	s1 =	sld [smem:$0x3F91];
	s0 =	simm.s32 @p0 $0x1  }
0x13: {  	[smem:$0x3FAC] =	sst s0;
	s0 =	simm.s32 @!p1 $0x0  }
0x14: {  	s2 =	sld [smem:$0x3F90];
	s0 =	simm.s32 @p1 $0x1  }
0x15: {  	[smem:$0x3FAD] =	sst s0;
	s0 =	simm.s32 @!p2 $0x0  }
0x16: {  	s3 =	sld [smem:$0x3FDB];
	s0 =	simm.s32 @p2 $0x1  }
0x17: {  	s4 =	simm.s32 $0x1BF5;
	[smem:$0x3FAF] =	sst s0  }
0x18: {  	s0 =	sld [smem:$0x3F92];
	_ =	swait.ge [sflag:s4], $0x0  }
0x19: {  	s7 =	sld [smem:$0x3F93]  }
0x1a: {  	s8 =	sadd.s32 $0xFFFFE003, lr  }
0x1b: {  	s9 =	sadd.s32 $0xFFFFFEF7, lr;
	s5 =	simm.s32 $0xFFFFFFFF;
	p2 =	slt.u32 s8, $0xFFFFF086  }
0x1c: {  	p1 =	slt.u32 s9, $0xF7A;
	s5 =	simm.s32 @!p2 $0x0  }
0x1d: {  	s5 =	simm.s32 @p1 $0x1;
	p0 =	seq.s32 s7, s2  }
0x1e: {  	s7 =	smul.u32 @!p0 $0xF7A, s2;
	p2 =	seq.s32 @!p0 s5, $0x0  }
0x1f: {  	s9 =	smul.u32 $0xF7A, s1;
	s8 =	simm.s32 @!p0 $0x1BF5;
	p2 =	por !p2, p0  }
0x20: {  	[sflag:s8] =	ssyncset.s32 @!p0 $0xFFFFF086;
	s6 =	sadd.s32 @!p0 s3, s7;
	s7 =	simm.s32 @!p0 $0x108  }
0x21: {  	s3 =	sadd.s32 s3, s9;
	s6 =	sadd.s32 @!p0 $0x88, s6;
	s7 =	simm.s32 @p2 $0x1082  }
0x22: {  	[simem:s7], [sflag:s8] =	dma.local @!p0 [hbm:s6], $0xF7A  }
0x23: {  	s9 =	sor.u32 $0xD0000000, s2;
	s6 =	simm.s32 $0x108;
	_ =	swait.ge @!p0 [sflag:s8], $0x0  }
0x24: {  	s3 =	sadd.s32 $0x88, s3;
	s6 =	simm.s32 @!p1 $0x1082;
	[sflag:s4] =	ssyncset.s32 $0xFFFFF086  }
0x25: {  	[simem:s6], [sflag:s4] =	dma.local [hbm:s3], $0xF7A  }
0x26: {  	[smem:$0x3F93] =	sst s1;
	(tag) =	ssettag s2;
	_ =	strace s9  }
0x27: {  	s1 =	sld [smem:$0x3FA3]  }
0x28: {  	s2 =	sld [smem:$0x3FA4]  }
0x29: {  	s4 =	sld [smem:$0x3FA6]  }
0x2a: {  	p0 =	seq.s32 s5, $0x0;
	s5 =	sld [smem:$0x3FA7]  }
0x2b: {  	s6 =	sld [smem:$0x3FA8]  }
0x2c: {  	s7 =	sld [smem:$0x3FA9]  }
0x2d: {  	s3 =	simm.s32 $0x108;
	s8 =	sld [smem:$0x3FAA]  }
0x2e: {  	s3 =	simm.s32 @!p0 $0x1082;
	s9 =	sld [smem:$0x3FAB]  }
0x2f: {  	lr =	sadd.s32 s0, s3;
	s0 =	sld [smem:$0x3FA2]  }
0x30: {  	s3 =	sld [smem:$0x3FA5]  }
0x31: {  	[smem:$0x3FAE] =	sst s10  }
0x32: {  	s10 =	sld [smem:$0x3FAC];
	_ =	sdelay $0x3  }
0x33: {  	p0 =	seq.s32 s10, $0x1;
	s10 =	sld [smem:$0x3FAE];
	_ =	sdelay $0x3  }
0x34: {  	[smem:$0x3FAE] =	sst s10  }
0x35: {  	s10 =	sld [smem:$0x3FAD];
	_ =	sdelay $0x3  }
0x36: {  	p1 =	seq.s32 s10, $0x1;
	s10 =	sld [smem:$0x3FAE];
	_ =	sdelay $0x3  }
0x37: {  	[smem:$0x3FAE] =	sst s10  }
0x38: {  	s10 =	sld [smem:$0x3FAF]  }
0x39: {  	_ = 	snop;
	(pc) =	sbr.ind lr, $3  }
0x3a: {  	_ = 	snop  }
0x3b: {  	_ = 	snop  }
0x3c: {  	p2 =	seq.s32 s10, $0x1;
	s10 =	sld [smem:$0x3FAE]  }
0x3d: {  	_ =	shalt  }
0x3e: {  	_ =	shalt  }
0x3f: {  	_ =	shalt  }
0x40: {  	_ =	shalt  }
0x41: {  	_ =	shalt  }
0x42: {  	_ =	shalt  }
0x43: {  	_ =	shalt  }
0x44: {  	_ =	shalt  }
0x45: {  	_ =	shalt  }
0x46: {  	_ =	shalt  }
0x47: {  	_ =	shalt  }
0x48: {  	_ =	shalt  }
0x49: {  	_ =	shalt  }
0x4a: {  	_ =	shalt  }
0x4b: {  	_ =	shalt  }
0x4c: {  	_ =	shalt  }
0x4d: {  	_ =	shalt  }
0x4e: {  	_ =	shalt  }
0x4f: {  	_ =	shalt  }
0x50: {  	_ =	shalt  }
0x51: {  	_ =	shalt  }
0x52: {  	_ =	shalt  }
0x53: {  	_ =	shalt  }
0x54: {  	_ =	shalt  }
0x55: {  	_ =	shalt  }
0x56: {  	_ =	shalt  }
0x57: {  	_ =	shalt  }
0x58: {  	_ =	shalt  }
0x59: {  	_ =	shalt  }
0x5a: {  	_ =	shalt  }
0x5b: {  	_ =	shalt  }
0x5c: {  	_ =	shalt  }
0x5d: {  	_ =	shalt  }
0x5e: {  	_ =	shalt  }
0x5f: {  	_ =	shalt  }
0x60: {  	_ =	shalt  }
0x61: {  	_ =	shalt  }
0x62: {  	_ =	shalt  }
0x63: {  	_ =	shalt  }
0x64: {  	_ =	shalt  }
0x65: {  	_ =	shalt  }
0x66: {  	_ =	shalt  }
0x67: {  	_ =	shalt  }
0x68: {  	_ =	shalt  }
0x69: {  	_ =	shalt  }
0x6a: {  	_ =	shalt  }
0x6b: {  	_ =	shalt  }
0x6c: {  	_ =	shalt  }
0x6d: {  	_ =	shalt  }
0x6e: {  	_ =	shalt  }
0x6f: {  	_ =	shalt  }
0x70: {  	_ =	shalt  }
0x71: {  	_ =	shalt  }
0x72: {  	_ =	shalt  }
0x73: {  	_ =	shalt  }
0x74: {  	_ =	shalt  }
0x75: {  	_ =	shalt  }
0x76: {  	_ =	shalt  }
0x77: {  	_ =	shalt  }
0x78: {  	_ =	shalt  }
0x79: {  	_ =	shalt  }
0x7a: {  	_ =	shalt  }
0x7b: {  	_ =	shalt  }
0x7c: {  	_ =	shalt  }
0x7d: {  	_ =	shalt  }
0x7e: {  	_ =	shalt  }
0x7f: {  	_ =	shalt  }
0x80: {  	_ =	shalt  }
0x81: {  	_ =	shalt  }
0x82: {  	_ =	shalt  }
0x83: {  	_ =	shalt  }
0x84: {  	_ =	shalt  }
0x85: {  	_ =	shalt  }
0x86: {  	_ =	shalt  }
0x87: {  	_ =	shalt  }
.Lfunc_end0:
.L_simem_size_0:
called_computation_lowered:
.L_overlay_start_0:
0x88: {  	s2 =	sld [smem:$0x3FD9]  }
0x89: {  	s3 =	sld [smem:$0x3FFE];
	_ =	sdelay $0x1  }
0x8a: {  	s1 =	srdreg.scid  }
0x8b: {  	s0 =	sand.u32 $0x1, s1  }
0x8c: {  	s17 =	sshll.u32 s0, $0xA;
	s2 =	sadd.s32 s3, s2  }
0x8d: {  	s2 =	sadd.s32 s2, s17  }
0x8e: {  	[smem:$0x3FBA] =	sst s2  }
0x8f: {  	_ = 	snop  }
0x90: {  	s2 =	sld [smem:$0x3FC8];
	(tm) =	ssettm $0x1  }
0x91: {  	s18 =	sld [smem:$0x3FFB];
	_ =	sdelay $0x3  }
0x92: {  	_ =	strace s18  }
0x93: {  	s3 =	sld [smem:$0x3FFC];
	_ =	sdelay $0x3  }
0x94: {  	_ =	strace s3  }
0x95: {  	s3 =	sld [smem:$0x3FFD];
	_ =	sdelay $0x3  }
0x96: {  	_ =	strace s3  }
0x97: {  	_ =	strace $0x8FFFFFFF  }
0x98: {  	s19 =	sld [smem:$0x3FDB];
	_ =	sdelay $0x1  }
0x99: {  	s4 =	simm.s32 $_scs_section_size  }
0x9a: {  	s5 =	simm.s32 $_size__tile_overlayer_lowered;
	s6 =	simm.s32 $_tile_overlayer_lowered  }
0x9b: {  	s22 =	simm.s32 $0x1BFF;
	s21 =	sshll.u32 s6, $0x1;
	s3 =	sadd.s32 s4, s19  }
0x9c: {  	s7 =	simm.s32 $0x0;
	s20 =	sshll.u32 s5, $0x1;
	s5 =	sadd.s32 s21, s3  }
0x9d: {  	[timem:s7], [sflag:s22] =	dma.local [hbm:s5], s20  }
0x9e: {  	_ =	swait.ge [sflag:s22], s20  }
0x9f: {  	s4 =	ssub.s32 $0x0, s20;
	[sflag:s22] =	ssyncset.done $0x0  }
0xa0: {  	[sflag:s22] =	ssyncadd.s32 s4;
	_ =	sdelay $0x1  }
0xa1: {  	s23 =	simm.s32 $0x1B8B  }
0xa2: {  	_ =	swait.ge [sflag:s23], $0x1  }
0xa3: {  	[sflag:s23] =	ssyncset.done $0x0  }
0xa4: {  	s25 =	simm.s32 $0x1B8E;
	s24 =	sld [smem:$0x3FFE];
	[sflag:s23] =	ssyncadd.s32 $0xFFFFFFFF  }
0xa5: {  	s26 =	simm.s32 $execute0_lowered;
	[smem:$0x3FD2] =	sst s25  }
0xa6: {  	s5 =	sshll.u32 s26, $0x1;
	_ =	strace $0x80000046;
	[dreg:$0x1] =	wrdreg $0xFFFFFFFF  }
0xa7: {  	s28 =	simm.s32 $_size_execute0_lowered;
	s3 =	sadd.s32 s3, s5;
	[dreg:$0x0] =	wrdreg $0x0  }
0xa8: {  	s5 =	sshll.u32 s28, $0x1;
	[dreg:$0x2] =	wrdreg s3  }
0xa9: {  	[dreg:$0x3] =	wrdreg s5  }
0xaa: {  	[dreg:$0x4] =	wrdreg $0xC0  }
0xab: {  	_ =	task [dreg:s7], $0x5FFFF  }
0xac: {  	[dreg:$0x1] =	wrdreg $0xFFFFFFFF  }
0xad: {  	[dreg:$0x0] =	wrdreg $0x60  }
0xae: {  	[dreg:$0x2] =	wrdreg s24  }
0xaf: {  	[dreg:$0x3] =	wrdreg s2  }
0xb0: {  	[dreg:$0x4] =	wrdreg $0x9  }
0xb1: {  	_ =	task.clear_ibuf [dreg:s7], $0x5FFFF;
	_ =	strace $0x90000046  }
0xb2: {  	s29 =	simm.s32 $0x9;
	_ =	strace $0x80000048  }
0xb3: {  	_ =	swait.ge [sflag:s29], $0x1  }
0xb4: {  	[sflag:s29] =	ssyncadd.s32 $0xFFFFFFFF  }
0xb5: {  	_ =	strace $0x90000048  }
0xb6: {  	_ =	sfence  }
0xb7: {  	s30 =	sld [smem:$0x0];
	_ =	sdelay $0x2  }
0xb8: {  	s31 =	sshll.u32 s1, $0xD;
	s1 =	sshrl.u32 s1, $0x2  }
0xb9: {  	s3 =	sand.u32 $0x4000, s31;
	s1 =	sadd.s32 s1, s30  }
0xba: {  	s0 =	sor.u32 s3, s0;
	s1 =	sshll.u32 s1, $0x11  }
0xbb: {  	s0 =	sor.u32 s1, s0  }
0xbc: {  	s0 =	sadd.s32 $0x8F2B, s0  }
0xbd: {  	[sflag:s0] =	ssyncadd.remote.s32 $0x1  }
0xbe: {  	_ =	sfence.sel $0xFFFF  }
0xbf: {  	[dreg:$0x0] =	wrdreg $0xFFFFFFFF;
	(pc) =	sbr.abs _section_cstart, $3  }
0xc0: {  	[dreg:$0x1] =	wrdreg $0xFFFFFFFF  }
0xc1: {  	_ =	task.clear_ibuf [dreg:s7], $0x2FFFF;
	_ =	strace $0x9FFFFFFF  }
0xc2: {  	(tm) =	ssettm $0x7FFFFFFF  }
0xc3: {  	_ =	shalt  }
tec
execute0_lowered:
.L_overlay_start_1:
0x0: {  	(tag) =	ssettag $0x1  }
0x1: {  	s5 =	rddreg [dreg:$0x0]  }
0x2: {  	s6 =	rddreg [dreg:$0x1]  }
0x3: {  	s0 =	rddreg [dreg:$0x2]  }
0x4: {  	s3 =	srdreg.scid;
	s1 =	stileid.u32  }
0x5: {  	s2 =	simm.s32 $0x0;
	s12 =	simm.s32 $0x2;
	s13 =	simm.s32 $0x1C00  }
0x6: {  	s14 =	simm.s32 $0x80;
	s15 =	simm.s32 $0xFC80;
	s16 =	simm.s32 $0x1  }
0x7: {  	s17 =	simm.s32 $0x13C80;
	s18 =	simm.s32 $0x0;
	s7 =	sand.u32 $0x1, s3  }
0x8: {  	s30 =	sshll.u32 s1, $0x1;
	[smem:$0x7FF] =	sst s2;
	s3 =	sadd.s32 $0x190400, s5  }
0x9: {  	s4 =	sadd.s32 $0x318400, s5;
	s8 =	sor.u32 s7, s30;
	_ =	strace $0x80000047  }
0xa: {  	s7 =	ssub.s32 $0x2, s7;
	s9 =	smul.u32 $0x380, s8;
	s10 =	sshll.u32 s8, $0xB  }
0xb: {  	s31 =	sshrl.u32 s7, $0x1;
	s8 =	sshll.u32 s8, $0x4;
	s10 =	sadd.s32 s10, s5  }
0xc: {  	s11 =	ssub.s32 s7, s31;
	s6 =	sadd.s32 s6, s8;
	s9 =	sadd.s32 s9, s5  }
0xd: {  	s7 =	sadd.s32 $0x12800, s10;
	s8 =	sadd.s32 $0x2800, s10;
	s11 =	smax.u32 s11, $0x1  }
0xe: {  	s5 =	sadd.s32 $0x189400, s9;
	s9 =	sadd.s32 $0x32800, s10;
	s10 =	sadd.s32 $0x22800, s10  }
.LBB2_1:
0xf: {  	[tilespmem:s2], [sflag:$0x2] =	stream.linear.gather [hbm4b:s5+s2], $0x1C00, $0x38;
	[tilespmem:$0x17C80] =	vst v63  }
0x10: {  	_ =	swait.ge [sflag:s12], $0x1C00  }
0x11: {  	[sflag:s12] =	ssyncset.done $0x0  }
0x12: {  	[sflag:s12] =	ssyncadd.s32 $0xFFFFE400  }
0x13: {  	[tilespmem:s13], [sflag:$0x2] =	stream.linear.gather [hbm4b:s6+s2], $0x80, $0x38;
	[tilespmem:$0x17C80] =	vst v63  }
0x14: {  	_ =	swait.ge [sflag:s12], $0x80  }
0x15: {  	[sflag:s12] =	ssyncset.done $0x0  }
0x16: {  	[sflag:s12] =	ssyncadd.s32 $0xFFFFFF80  }
0x17: {  	v0 =	vld [tilespmem:$0x1C00]  }
0x18: {  	v1 =	vld [tilespmem:$0x1C10]  }
0x19: {  	v2 =	vld [tilespmem:$0x1C20]  }
0x1a: {  	v3 =	vld [tilespmem:$0x1C30]  }
0x1b: {  	v4 =	vld [tilespmem:$0x1C40]  }
0x1c: {  	v5 =	vld [tilespmem:$0x1C50];
	vm0 =	veq.s32 v0, $0x0  }
0x1d: {  	v6 =	vld [tilespmem:$0x1C60];
	vm9 =	veq.s32 v1, $0x0;
	v0 =	vsel vm0, $0x186A1, v0  }
0x1e: {  	v57 =	vld [tilespmem:$0x1C70];
	vm10 =	veq.s32 v2, $0x0;
	v56 =	vsel vm9, $0x186A1, v1;
	[tilespmem:$0x1C00] =	vst v0  }
0x1f: {  	vm11 =	veq.s32 v3, $0x0;
	v58 =	vsel vm10, $0x186A1, v2;
	[tilespmem:$0x1C10] =	vst v56  }
0x20: {  	vm12 =	veq.s32 v4, $0x0;
	v59 =	vsel vm11, $0x186A1, v3;
	[tilespmem:$0x1C20] =	vst v58  }
0x21: {  	vm13 =	veq.s32 v5, $0x0;
	v60 =	vsel vm12, $0x186A1, v4;
	[tilespmem:$0x1C30] =	vst v59  }
0x22: {  	vm14 =	veq.s32 v6, $0x0;
	v61 =	vsel vm13, $0x186A1, v5;
	[tilespmem:$0x1C40] =	vst v60  }
0x23: {  	vm15 =	veq.s32 v57, $0x0;
	v62 =	vsel vm14, $0x186A1, v6;
	[tilespmem:$0x1C50] =	vst v61  }
0x24: {  	v63 =	vsel vm15, $0x186A1, v57;
	[tilespmem:$0x1C60] =	vst v62  }
0x25: {  	[tilespmem:$0x1C70] =	vst v63  }
0x26: {  	[tilespmem:s15], [sflag:$0x1] =	stream.indirect.gather [hbm4b:s3+s14], $0x80, s13, s14, $0xb8;
	[tilespmem:$0x17C80] =	vst v63  }
0x27: {  	_ =	swait.ge [sflag:s16], $0x4000  }
0x28: {  	[sflag:s16] =	ssyncset.done $0x0  }
0x29: {  	[sflag:s16] =	ssyncadd.s32 $0xFFFFC000  }
0x2a: {  	[hbm4b:s7+s2] =	stream.linear.scatter [tilespmem:s15], [sflag:$0x2], $0x4000, $0x38;
	[tilespmem:$0x17C80] =	vst v63  }
0x2b: {  	_ =	swait.ge [sflag:s12], $0x4000  }
0x2c: {  	[sflag:s12] =	ssyncset.done $0x0  }
0x2d: {  	s19 =	simm.s32 $0x0;
	[sflag:s12] =	ssyncadd.s32 $0xFFFFC000  }
.LBB2_2:
0x2e: {  	s22 =	simm.s32 $0x0  }
0x2f: {  	v0 =	vld [tilespmem:s22+$0x1CF0]  }
0x30: {  	v1 =	vld [tilespmem:s22+$0x1C80]  }
0x31: {  	v3 =	vld [tilespmem:s22+$0x1C90]  }
0x32: {  	v12 =	vld [tilespmem:s22+$0x1CA0]  }
0x33: {  	v10 =	vld [tilespmem:s22+$0x1CB0]  }
0x34: {  	v2 =	vimm.f32 $0.0e+00;
	v6 =	vimm.f32 $0.0e+00;
	v5 =	vld [tilespmem:s22+$0x1CC0]  }
0x35: {  	v7 =	vimm.f32 $0.0e+00;
	v8 =	vld [tilespmem:s22+$0x1CD0];
	v0 =	vadd.f32 v0, v2;
	v9 =	vadd.f32 v1, v2  }
0x36: {  	s20 =	simm.s32 $0x80;
	s21 =	simm.s32 $0x400;
	v11 =	vld [tilespmem:s22+$0x1CE0];
	v4 =	vadd.f32 v3, v2;
	v3 =	vimm.f32 $0.0e+00;
	v1 =	vimm.f32 $0.0e+00  }
.LBB2_3:
0x37: {  	p0 =	sne.s32 s21, $0x6E00;
	v13 =	vld [tilespmem:s20+$0x1CF0];
	v2 =	vadd.f32 v12, v2  }
0x38: {  	v14 =	vld [tilespmem:s20+$0x1C80];
	v6 =	vadd.f32 v10, v6  }
0x39: {  	v15 =	vld [tilespmem:s20+$0x1C90];
	v7 =	vadd.f32 v5, v7  }
.Ltmp0:
0x3a: {  	v12 =	vld [tilespmem:s20+$0x1CA0];
	v3 =	vadd.f32 v8, v3;
	(pc) =	sbr.rel @p0 .LBB2_3-.Ltmp0, $4  }
0x3b: {  	v10 =	vld [tilespmem:s20+$0x1CB0];
	v1 =	vadd.f32 v11, v1  }
0x3c: {  	v5 =	vld [tilespmem:s20+$0x1CC0];
	v0 =	vadd.f32 v13, v0  }
0x3d: {  	v9 =	vadd.f32 v14, v9;
	v8 =	vld [tilespmem:s20+$0x1CD0]  }
0x3e: {  	v4 =	vadd.f32 v15, v4;
	v11 =	vld [tilespmem:s20+$0x1CE0];
	s20 =	sshra.s32 s21, $0x2;
	s21 =	sadd.s32 $0x200, s21  }
0x3f: {  	v13 =	vld [tilespmem:s20+$0x1CF0]  }
0x40: {  	v14 =	vld [tilespmem:s20+$0x1C80]  }
0x41: {  	v15 =	vld [tilespmem:s20+$0x1C90]  }
0x42: {  	v16 =	vld [tilespmem:s20+$0x1CA0]  }
0x43: {  	v17 =	vld [tilespmem:s20+$0x1CB0]  }
0x44: {  	v18 =	vld [tilespmem:s20+$0x1CC0];
	v2 =	vadd.f32 v12, v2  }
0x45: {  	s21 =	sshll.u32 s19, $0xA;
	v6 =	vadd.f32 v10, v6;
	v10 =	vld [tilespmem:s20+$0x1CE0];
	v9 =	vadd.f32 v14, v9  }
0x46: {  	v12 =	vld [tilespmem:s20+$0x1CD0];
	s20 =	sand.u32 $0x3FFFFC00, s21;
	v4 =	vadd.f32 v15, v4  }
0x47: {  	v2 =	vadd.f32 v16, v2;
	[tilespmem:s20+$0x13C80] =	vst v9  }
0x48: {  	v1 =	vadd.f32 v11, v1;
	v6 =	vadd.f32 v17, v6;
	[tilespmem:s20+$0x13C90] =	vst v4  }
0x49: {  	v5 =	vadd.f32 v5, v7;
	v0 =	vadd.f32 v13, v0;
	[tilespmem:s20+$0x13CA0] =	vst v2  }
0x4a: {  	v3 =	vadd.f32 v8, v3;
	v1 =	vadd.f32 v10, v1;
	[tilespmem:s20+$0x13CB0] =	vst v6  }
0x4b: {  	v4 =	vadd.f32 v18, v5;
	[tilespmem:s20+$0x13CF0] =	vst v0  }
0x4c: {  	v2 =	vadd.f32 v12, v3;
	[tilespmem:s20+$0x13CE0] =	vst v1  }
0x4d: {  	[tilespmem:s20+$0x13CC0] =	vst v4  }
0x4e: {  	s23 =	simm.s32 $0x0;
	[tilespmem:s20+$0x13CD0] =	vst v2  }
0x4f: {  	v0 =	vld [tilespmem:s23+$0x38F0]  }
0x50: {  	v2 =	vld [tilespmem:s23+$0x3880]  }
0x51: {  	v3 =	vld [tilespmem:s23+$0x3890]  }
0x52: {  	v11 =	vld [tilespmem:s23+$0x38A0]  }
0x53: {  	v10 =	vld [tilespmem:s23+$0x38B0]  }
0x54: {  	v8 =	vimm.f32 $0.0e+00;
	v1 =	vimm.f32 $0.0e+00;
	v7 =	vld [tilespmem:s23+$0x38C0]  }
0x55: {  	v6 =	vimm.f32 $0.0e+00;
	v4 =	vimm.f32 $0.0e+00;
	v9 =	vld [tilespmem:s23+$0x38D0];
	v0 =	vadd.f32 v0, v1  }
0x56: {  	s22 =	simm.s32 $0x400;
	s21 =	simm.s32 $0x80;
	v12 =	vld [tilespmem:s23+$0x38E0];
	v5 =	vadd.f32 v2, v1;
	v3 =	vadd.f32 v3, v1;
	v2 =	vimm.f32 $0.0e+00  }
.LBB2_5:
0x57: {  	p0 =	sne.s32 s22, $0x6E00;
	v13 =	vld [tilespmem:s21+$0x38F0];
	v1 =	vadd.f32 v11, v1  }
0x58: {  	v14 =	vld [tilespmem:s21+$0x3880];
	v6 =	vadd.f32 v10, v6  }
0x59: {  	v15 =	vld [tilespmem:s21+$0x3890];
	v8 =	vadd.f32 v7, v8  }
.Ltmp1:
0x5a: {  	v11 =	vld [tilespmem:s21+$0x38A0];
	v4 =	vadd.f32 v9, v4;
	(pc) =	sbr.rel @p0 .LBB2_5-.Ltmp1, $4  }
0x5b: {  	v10 =	vld [tilespmem:s21+$0x38B0];
	v2 =	vadd.f32 v12, v2  }
0x5c: {  	v7 =	vld [tilespmem:s21+$0x38C0];
	v0 =	vadd.f32 v13, v0  }
0x5d: {  	v5 =	vadd.f32 v14, v5;
	v9 =	vld [tilespmem:s21+$0x38D0]  }
0x5e: {  	v3 =	vadd.f32 v15, v3;
	v12 =	vld [tilespmem:s21+$0x38E0];
	s21 =	sshra.s32 s22, $0x2;
	s22 =	sadd.s32 $0x200, s22  }
0x5f: {  	v14 =	vld [tilespmem:s21+$0x3880]  }
0x60: {  	v15 =	vld [tilespmem:s21+$0x3890]  }
0x61: {  	v16 =	vld [tilespmem:s21+$0x38A0]  }
0x62: {  	v13 =	vld [tilespmem:s21+$0x38F0]  }
0x63: {  	v6 =	vadd.f32 v10, v6;
	v10 =	vld [tilespmem:s21+$0x38E0]  }
0x64: {  	v17 =	vld [tilespmem:s21+$0x38B0];
	v1 =	vadd.f32 v11, v1;
	v5 =	vadd.f32 v14, v5  }
0x65: {  	v18 =	vld [tilespmem:s21+$0x38C0];
	v3 =	vadd.f32 v15, v3  }
0x66: {  	v11 =	vld [tilespmem:s21+$0x38D0];
	v2 =	vadd.f32 v12, v2;
	v1 =	vadd.f32 v16, v1;
	[tilespmem:s20+$0x13D00] =	vst v5  }
0x67: {  	v0 =	vadd.f32 v13, v0;
	[tilespmem:s20+$0x13D10] =	vst v3  }
0x68: {  	v7 =	vadd.f32 v7, v8;
	v2 =	vadd.f32 v10, v2;
	[tilespmem:s20+$0x13D20] =	vst v1  }
0x69: {  	v4 =	vadd.f32 v9, v4;
	v5 =	vadd.f32 v17, v6;
	[tilespmem:s20+$0x13D70] =	vst v0  }
0x6a: {  	v3 =	vadd.f32 v18, v7;
	[tilespmem:s20+$0x13D60] =	vst v2  }
0x6b: {  	v1 =	vadd.f32 v11, v4;
	[tilespmem:s20+$0x13D30] =	vst v5  }
0x6c: {  	[tilespmem:s20+$0x13D40] =	vst v3  }
0x6d: {  	s23 =	simm.s32 $0x0;
	[tilespmem:s20+$0x13D50] =	vst v1  }
0x6e: {  	v0 =	vld [tilespmem:s23+$0x54F0]  }
0x6f: {  	v2 =	vld [tilespmem:s23+$0x5480]  }
0x70: {  	v3 =	vld [tilespmem:s23+$0x5490]  }
0x71: {  	v11 =	vld [tilespmem:s23+$0x54A0]  }
0x72: {  	v10 =	vld [tilespmem:s23+$0x54B0]  }
0x73: {  	v8 =	vimm.f32 $0.0e+00;
	v1 =	vimm.f32 $0.0e+00;
	v7 =	vld [tilespmem:s23+$0x54C0]  }
0x74: {  	v6 =	vimm.f32 $0.0e+00;
	v4 =	vimm.f32 $0.0e+00;
	v9 =	vld [tilespmem:s23+$0x54D0];
	v0 =	vadd.f32 v0, v1  }
0x75: {  	s22 =	simm.s32 $0x400;
	s21 =	simm.s32 $0x80;
	v12 =	vld [tilespmem:s23+$0x54E0];
	v5 =	vadd.f32 v2, v1;
	v3 =	vadd.f32 v3, v1;
	v2 =	vimm.f32 $0.0e+00  }
.LBB2_7:
0x76: {  	p0 =	sne.s32 s22, $0x6E00;
	v13 =	vld [tilespmem:s21+$0x54F0];
	v1 =	vadd.f32 v11, v1  }
0x77: {  	v14 =	vld [tilespmem:s21+$0x5480];
	v6 =	vadd.f32 v10, v6  }
0x78: {  	v15 =	vld [tilespmem:s21+$0x5490];
	v8 =	vadd.f32 v7, v8  }
.Ltmp2:
0x79: {  	v11 =	vld [tilespmem:s21+$0x54A0];
	v4 =	vadd.f32 v9, v4;
	(pc) =	sbr.rel @p0 .LBB2_7-.Ltmp2, $4  }
0x7a: {  	v10 =	vld [tilespmem:s21+$0x54B0];
	v2 =	vadd.f32 v12, v2  }
0x7b: {  	v7 =	vld [tilespmem:s21+$0x54C0];
	v0 =	vadd.f32 v13, v0  }
0x7c: {  	v5 =	vadd.f32 v14, v5;
	v9 =	vld [tilespmem:s21+$0x54D0]  }
0x7d: {  	v3 =	vadd.f32 v15, v3;
	v12 =	vld [tilespmem:s21+$0x54E0];
	s21 =	sshra.s32 s22, $0x2;
	s22 =	sadd.s32 $0x200, s22  }
0x7e: {  	v14 =	vld [tilespmem:s21+$0x5480]  }
0x7f: {  	v15 =	vld [tilespmem:s21+$0x5490]  }
0x80: {  	v16 =	vld [tilespmem:s21+$0x54A0]  }
0x81: {  	v13 =	vld [tilespmem:s21+$0x54F0]  }
0x82: {  	v6 =	vadd.f32 v10, v6;
	v10 =	vld [tilespmem:s21+$0x54E0]  }
0x83: {  	v17 =	vld [tilespmem:s21+$0x54B0];
	v1 =	vadd.f32 v11, v1;
	v5 =	vadd.f32 v14, v5  }
0x84: {  	v18 =	vld [tilespmem:s21+$0x54C0];
	v3 =	vadd.f32 v15, v3  }
0x85: {  	v11 =	vld [tilespmem:s21+$0x54D0];
	v2 =	vadd.f32 v12, v2;
	v1 =	vadd.f32 v16, v1;
	[tilespmem:s20+$0x13D80] =	vst v5  }
0x86: {  	v0 =	vadd.f32 v13, v0;
	[tilespmem:s20+$0x13D90] =	vst v3  }
0x87: {  	v7 =	vadd.f32 v7, v8;
	v2 =	vadd.f32 v10, v2;
	[tilespmem:s20+$0x13DA0] =	vst v1  }
0x88: {  	v4 =	vadd.f32 v9, v4;
	v5 =	vadd.f32 v17, v6;
	[tilespmem:s20+$0x13DF0] =	vst v0  }
0x89: {  	v3 =	vadd.f32 v18, v7;
	[tilespmem:s20+$0x13DE0] =	vst v2  }
0x8a: {  	v1 =	vadd.f32 v11, v4;
	[tilespmem:s20+$0x13DB0] =	vst v5  }
0x8b: {  	[tilespmem:s20+$0x13DC0] =	vst v3  }
0x8c: {  	s23 =	simm.s32 $0x0;
	[tilespmem:s20+$0x13DD0] =	vst v1  }
0x8d: {  	v0 =	vld [tilespmem:s23+$0x70F0]  }
0x8e: {  	v2 =	vld [tilespmem:s23+$0x7080]  }
0x8f: {  	v3 =	vld [tilespmem:s23+$0x7090]  }
0x90: {  	v11 =	vld [tilespmem:s23+$0x70A0]  }
0x91: {  	v10 =	vld [tilespmem:s23+$0x70B0]  }
0x92: {  	v8 =	vimm.f32 $0.0e+00;
	v1 =	vimm.f32 $0.0e+00;
	v7 =	vld [tilespmem:s23+$0x70C0]  }
0x93: {  	v6 =	vimm.f32 $0.0e+00;
	v4 =	vimm.f32 $0.0e+00;
	v9 =	vld [tilespmem:s23+$0x70D0];
	v0 =	vadd.f32 v0, v1  }
0x94: {  	s22 =	simm.s32 $0x400;
	s21 =	simm.s32 $0x80;
	v12 =	vld [tilespmem:s23+$0x70E0];
	v5 =	vadd.f32 v2, v1;
	v3 =	vadd.f32 v3, v1;
	v2 =	vimm.f32 $0.0e+00  }
.LBB2_9:
0x95: {  	p0 =	sne.s32 s22, $0x6E00;
	v13 =	vld [tilespmem:s21+$0x70F0];
	v1 =	vadd.f32 v11, v1  }
0x96: {  	v14 =	vld [tilespmem:s21+$0x7080];
	v6 =	vadd.f32 v10, v6  }
0x97: {  	v15 =	vld [tilespmem:s21+$0x7090];
	v8 =	vadd.f32 v7, v8  }
.Ltmp3:
0x98: {  	v11 =	vld [tilespmem:s21+$0x70A0];
	v4 =	vadd.f32 v9, v4;
	(pc) =	sbr.rel @p0 .LBB2_9-.Ltmp3, $4  }
0x99: {  	v10 =	vld [tilespmem:s21+$0x70B0];
	v2 =	vadd.f32 v12, v2  }
0x9a: {  	v7 =	vld [tilespmem:s21+$0x70C0];
	v0 =	vadd.f32 v13, v0  }
0x9b: {  	v5 =	vadd.f32 v14, v5;
	v9 =	vld [tilespmem:s21+$0x70D0]  }
0x9c: {  	v3 =	vadd.f32 v15, v3;
	v12 =	vld [tilespmem:s21+$0x70E0];
	s21 =	sshra.s32 s22, $0x2;
	s22 =	sadd.s32 $0x200, s22  }
0x9d: {  	v14 =	vld [tilespmem:s21+$0x7080]  }
0x9e: {  	v15 =	vld [tilespmem:s21+$0x7090]  }
0x9f: {  	v16 =	vld [tilespmem:s21+$0x70A0]  }
0xa0: {  	v13 =	vld [tilespmem:s21+$0x70F0]  }
0xa1: {  	v6 =	vadd.f32 v10, v6;
	v10 =	vld [tilespmem:s21+$0x70E0]  }
0xa2: {  	v17 =	vld [tilespmem:s21+$0x70B0];
	v1 =	vadd.f32 v11, v1;
	v5 =	vadd.f32 v14, v5  }
0xa3: {  	v18 =	vld [tilespmem:s21+$0x70C0];
	v3 =	vadd.f32 v15, v3  }
0xa4: {  	v11 =	vld [tilespmem:s21+$0x70D0];
	v2 =	vadd.f32 v12, v2;
	v1 =	vadd.f32 v16, v1;
	[tilespmem:s20+$0x13E00] =	vst v5  }
0xa5: {  	v0 =	vadd.f32 v13, v0;
	[tilespmem:s20+$0x13E10] =	vst v3  }
0xa6: {  	v7 =	vadd.f32 v7, v8;
	v2 =	vadd.f32 v10, v2;
	[tilespmem:s20+$0x13E20] =	vst v1  }
0xa7: {  	v4 =	vadd.f32 v9, v4;
	v5 =	vadd.f32 v17, v6;
	[tilespmem:s20+$0x13E70] =	vst v0  }
0xa8: {  	v3 =	vadd.f32 v18, v7;
	[tilespmem:s20+$0x13E60] =	vst v2  }
0xa9: {  	v1 =	vadd.f32 v11, v4;
	[tilespmem:s20+$0x13E30] =	vst v5  }
0xaa: {  	[tilespmem:s20+$0x13E40] =	vst v3  }
0xab: {  	s23 =	simm.s32 $0x0;
	[tilespmem:s20+$0x13E50] =	vst v1  }
0xac: {  	v0 =	vld [tilespmem:s23+$0x8CF0]  }
0xad: {  	v2 =	vld [tilespmem:s23+$0x8C80]  }
0xae: {  	v3 =	vld [tilespmem:s23+$0x8C90]  }
0xaf: {  	v11 =	vld [tilespmem:s23+$0x8CA0]  }
0xb0: {  	v10 =	vld [tilespmem:s23+$0x8CB0]  }
0xb1: {  	v8 =	vimm.f32 $0.0e+00;
	v1 =	vimm.f32 $0.0e+00;
	v7 =	vld [tilespmem:s23+$0x8CC0]  }
0xb2: {  	v6 =	vimm.f32 $0.0e+00;
	v4 =	vimm.f32 $0.0e+00;
	v9 =	vld [tilespmem:s23+$0x8CD0];
	v0 =	vadd.f32 v0, v1  }
0xb3: {  	s22 =	simm.s32 $0x400;
	s21 =	simm.s32 $0x80;
	v12 =	vld [tilespmem:s23+$0x8CE0];
	v5 =	vadd.f32 v2, v1;
	v3 =	vadd.f32 v3, v1;
	v2 =	vimm.f32 $0.0e+00  }
.LBB2_11:
0xb4: {  	p0 =	sne.s32 s22, $0x6E00;
	v13 =	vld [tilespmem:s21+$0x8CF0];
	v1 =	vadd.f32 v11, v1  }
0xb5: {  	v14 =	vld [tilespmem:s21+$0x8C80];
	v6 =	vadd.f32 v10, v6  }
0xb6: {  	v15 =	vld [tilespmem:s21+$0x8C90];
	v8 =	vadd.f32 v7, v8  }
.Ltmp4:
0xb7: {  	v11 =	vld [tilespmem:s21+$0x8CA0];
	v4 =	vadd.f32 v9, v4;
	(pc) =	sbr.rel @p0 .LBB2_11-.Ltmp4, $4  }
0xb8: {  	v10 =	vld [tilespmem:s21+$0x8CB0];
	v2 =	vadd.f32 v12, v2  }
0xb9: {  	v7 =	vld [tilespmem:s21+$0x8CC0];
	v0 =	vadd.f32 v13, v0  }
0xba: {  	v5 =	vadd.f32 v14, v5;
	v9 =	vld [tilespmem:s21+$0x8CD0]  }
0xbb: {  	v3 =	vadd.f32 v15, v3;
	v12 =	vld [tilespmem:s21+$0x8CE0];
	s21 =	sshra.s32 s22, $0x2;
	s22 =	sadd.s32 $0x200, s22  }
0xbc: {  	v14 =	vld [tilespmem:s21+$0x8C80]  }
0xbd: {  	v15 =	vld [tilespmem:s21+$0x8C90]  }
0xbe: {  	v16 =	vld [tilespmem:s21+$0x8CA0]  }
0xbf: {  	v13 =	vld [tilespmem:s21+$0x8CF0]  }
0xc0: {  	v6 =	vadd.f32 v10, v6;
	v10 =	vld [tilespmem:s21+$0x8CE0]  }
0xc1: {  	v17 =	vld [tilespmem:s21+$0x8CB0];
	v1 =	vadd.f32 v11, v1;
	v5 =	vadd.f32 v14, v5  }
0xc2: {  	v18 =	vld [tilespmem:s21+$0x8CC0];
	v3 =	vadd.f32 v15, v3  }
0xc3: {  	v11 =	vld [tilespmem:s21+$0x8CD0];
	v2 =	vadd.f32 v12, v2;
	v1 =	vadd.f32 v16, v1;
	[tilespmem:s20+$0x13E80] =	vst v5  }
0xc4: {  	v0 =	vadd.f32 v13, v0;
	[tilespmem:s20+$0x13E90] =	vst v3  }
0xc5: {  	v7 =	vadd.f32 v7, v8;
	v2 =	vadd.f32 v10, v2;
	[tilespmem:s20+$0x13EA0] =	vst v1  }
0xc6: {  	v4 =	vadd.f32 v9, v4;
	v5 =	vadd.f32 v17, v6;
	[tilespmem:s20+$0x13EF0] =	vst v0  }
0xc7: {  	v3 =	vadd.f32 v18, v7;
	[tilespmem:s20+$0x13EE0] =	vst v2  }
0xc8: {  	v1 =	vadd.f32 v11, v4;
	[tilespmem:s20+$0x13EB0] =	vst v5  }
0xc9: {  	[tilespmem:s20+$0x13EC0] =	vst v3  }
0xca: {  	s23 =	simm.s32 $0x0;
	[tilespmem:s20+$0x13ED0] =	vst v1  }
0xcb: {  	v0 =	vld [tilespmem:s23+$0xA8F0]  }
0xcc: {  	v2 =	vld [tilespmem:s23+$0xA880]  }
0xcd: {  	v3 =	vld [tilespmem:s23+$0xA890]  }
0xce: {  	v11 =	vld [tilespmem:s23+$0xA8A0]  }
0xcf: {  	v10 =	vld [tilespmem:s23+$0xA8B0]  }
0xd0: {  	v8 =	vimm.f32 $0.0e+00;
	v1 =	vimm.f32 $0.0e+00;
	v7 =	vld [tilespmem:s23+$0xA8C0]  }
0xd1: {  	v6 =	vimm.f32 $0.0e+00;
	v4 =	vimm.f32 $0.0e+00;
	v9 =	vld [tilespmem:s23+$0xA8D0];
	v0 =	vadd.f32 v0, v1  }
0xd2: {  	s22 =	simm.s32 $0x400;
	s21 =	simm.s32 $0x80;
	v12 =	vld [tilespmem:s23+$0xA8E0];
	v5 =	vadd.f32 v2, v1;
	v3 =	vadd.f32 v3, v1;
	v2 =	vimm.f32 $0.0e+00  }
.LBB2_13:
0xd3: {  	p0 =	sne.s32 s22, $0x6E00;
	v13 =	vld [tilespmem:s21+$0xA8F0];
	v1 =	vadd.f32 v11, v1  }
0xd4: {  	v14 =	vld [tilespmem:s21+$0xA880];
	v6 =	vadd.f32 v10, v6  }
0xd5: {  	v15 =	vld [tilespmem:s21+$0xA890];
	v8 =	vadd.f32 v7, v8  }
.Ltmp5:
0xd6: {  	v11 =	vld [tilespmem:s21+$0xA8A0];
	v4 =	vadd.f32 v9, v4;
	(pc) =	sbr.rel @p0 .LBB2_13-.Ltmp5, $4  }
0xd7: {  	v10 =	vld [tilespmem:s21+$0xA8B0];
	v2 =	vadd.f32 v12, v2  }
0xd8: {  	v7 =	vld [tilespmem:s21+$0xA8C0];
	v0 =	vadd.f32 v13, v0  }
0xd9: {  	v5 =	vadd.f32 v14, v5;
	v9 =	vld [tilespmem:s21+$0xA8D0]  }
0xda: {  	v3 =	vadd.f32 v15, v3;
	v12 =	vld [tilespmem:s21+$0xA8E0];
	s21 =	sshra.s32 s22, $0x2;
	s22 =	sadd.s32 $0x200, s22  }
0xdb: {  	v14 =	vld [tilespmem:s21+$0xA880]  }
0xdc: {  	v15 =	vld [tilespmem:s21+$0xA890]  }
0xdd: {  	v16 =	vld [tilespmem:s21+$0xA8A0]  }
0xde: {  	v13 =	vld [tilespmem:s21+$0xA8F0]  }
0xdf: {  	v6 =	vadd.f32 v10, v6;
	v10 =	vld [tilespmem:s21+$0xA8E0]  }
0xe0: {  	v17 =	vld [tilespmem:s21+$0xA8B0];
	v1 =	vadd.f32 v11, v1;
	v5 =	vadd.f32 v14, v5  }
0xe1: {  	v18 =	vld [tilespmem:s21+$0xA8C0];
	v3 =	vadd.f32 v15, v3  }
0xe2: {  	v11 =	vld [tilespmem:s21+$0xA8D0];
	v2 =	vadd.f32 v12, v2;
	v1 =	vadd.f32 v16, v1;
	[tilespmem:s20+$0x13F00] =	vst v5  }
0xe3: {  	v0 =	vadd.f32 v13, v0;
	[tilespmem:s20+$0x13F10] =	vst v3  }
0xe4: {  	v7 =	vadd.f32 v7, v8;
	v2 =	vadd.f32 v10, v2;
	[tilespmem:s20+$0x13F20] =	vst v1  }
0xe5: {  	v4 =	vadd.f32 v9, v4;
	v5 =	vadd.f32 v17, v6;
	[tilespmem:s20+$0x13F70] =	vst v0  }
0xe6: {  	v3 =	vadd.f32 v18, v7;
	[tilespmem:s20+$0x13F60] =	vst v2  }
0xe7: {  	v1 =	vadd.f32 v11, v4;
	[tilespmem:s20+$0x13F30] =	vst v5  }
0xe8: {  	[tilespmem:s20+$0x13F40] =	vst v3  }
0xe9: {  	s23 =	simm.s32 $0x0;
	[tilespmem:s20+$0x13F50] =	vst v1  }
0xea: {  	v0 =	vld [tilespmem:s23+$0xC4F0]  }
0xeb: {  	v2 =	vld [tilespmem:s23+$0xC480]  }
0xec: {  	v3 =	vld [tilespmem:s23+$0xC490]  }
0xed: {  	v11 =	vld [tilespmem:s23+$0xC4A0]  }
0xee: {  	v10 =	vld [tilespmem:s23+$0xC4B0]  }
0xef: {  	v8 =	vimm.f32 $0.0e+00;
	v1 =	vimm.f32 $0.0e+00;
	v7 =	vld [tilespmem:s23+$0xC4C0]  }
0xf0: {  	v6 =	vimm.f32 $0.0e+00;
	v4 =	vimm.f32 $0.0e+00;
	v9 =	vld [tilespmem:s23+$0xC4D0];
	v0 =	vadd.f32 v0, v1  }
0xf1: {  	s22 =	simm.s32 $0x400;
	s21 =	simm.s32 $0x80;
	v12 =	vld [tilespmem:s23+$0xC4E0];
	v5 =	vadd.f32 v2, v1;
	v3 =	vadd.f32 v3, v1;
	v2 =	vimm.f32 $0.0e+00  }
.LBB2_15:
0xf2: {  	p0 =	sne.s32 s22, $0x6E00;
	v13 =	vld [tilespmem:s21+$0xC4F0];
	v1 =	vadd.f32 v11, v1  }
0xf3: {  	v14 =	vld [tilespmem:s21+$0xC480];
	v6 =	vadd.f32 v10, v6  }
0xf4: {  	v15 =	vld [tilespmem:s21+$0xC490];
	v8 =	vadd.f32 v7, v8  }
.Ltmp6:
0xf5: {  	v11 =	vld [tilespmem:s21+$0xC4A0];
	v4 =	vadd.f32 v9, v4;
	(pc) =	sbr.rel @p0 .LBB2_15-.Ltmp6, $4  }
0xf6: {  	v10 =	vld [tilespmem:s21+$0xC4B0];
	v2 =	vadd.f32 v12, v2  }
0xf7: {  	v7 =	vld [tilespmem:s21+$0xC4C0];
	v0 =	vadd.f32 v13, v0  }
0xf8: {  	v5 =	vadd.f32 v14, v5;
	v9 =	vld [tilespmem:s21+$0xC4D0]  }
0xf9: {  	v3 =	vadd.f32 v15, v3;
	v12 =	vld [tilespmem:s21+$0xC4E0];
	s21 =	sshra.s32 s22, $0x2;
	s22 =	sadd.s32 $0x200, s22  }
0xfa: {  	v14 =	vld [tilespmem:s21+$0xC480]  }
0xfb: {  	v15 =	vld [tilespmem:s21+$0xC490]  }
0xfc: {  	v16 =	vld [tilespmem:s21+$0xC4A0]  }
0xfd: {  	v13 =	vld [tilespmem:s21+$0xC4F0]  }
0xfe: {  	v6 =	vadd.f32 v10, v6;
	v10 =	vld [tilespmem:s21+$0xC4E0]  }
0xff: {  	v17 =	vld [tilespmem:s21+$0xC4B0];
	v1 =	vadd.f32 v11, v1;
	v5 =	vadd.f32 v14, v5  }
0x100: {  	v18 =	vld [tilespmem:s21+$0xC4C0];
	v3 =	vadd.f32 v15, v3  }
0x101: {  	v11 =	vld [tilespmem:s21+$0xC4D0];
	v2 =	vadd.f32 v12, v2;
	v1 =	vadd.f32 v16, v1;
	[tilespmem:s20+$0x13F80] =	vst v5  }
0x102: {  	v0 =	vadd.f32 v13, v0;
	[tilespmem:s20+$0x13F90] =	vst v3  }
0x103: {  	v7 =	vadd.f32 v7, v8;
	v2 =	vadd.f32 v10, v2;
	[tilespmem:s20+$0x13FA0] =	vst v1  }
0x104: {  	v4 =	vadd.f32 v9, v4;
	v5 =	vadd.f32 v17, v6;
	[tilespmem:s20+$0x13FF0] =	vst v0  }
0x105: {  	v3 =	vadd.f32 v18, v7;
	[tilespmem:s20+$0x13FE0] =	vst v2  }
0x106: {  	v1 =	vadd.f32 v11, v4;
	[tilespmem:s20+$0x13FB0] =	vst v5  }
0x107: {  	[tilespmem:s20+$0x13FC0] =	vst v3  }
0x108: {  	s23 =	simm.s32 $0x0;
	[tilespmem:s20+$0x13FD0] =	vst v1  }
0x109: {  	v0 =	vld [tilespmem:s23+$0xE0F0]  }
0x10a: {  	v2 =	vld [tilespmem:s23+$0xE080]  }
0x10b: {  	v3 =	vld [tilespmem:s23+$0xE090]  }
0x10c: {  	v11 =	vld [tilespmem:s23+$0xE0A0]  }
0x10d: {  	v10 =	vld [tilespmem:s23+$0xE0B0]  }
0x10e: {  	v8 =	vimm.f32 $0.0e+00;
	v1 =	vimm.f32 $0.0e+00;
	v7 =	vld [tilespmem:s23+$0xE0C0]  }
0x10f: {  	v6 =	vimm.f32 $0.0e+00;
	v4 =	vimm.f32 $0.0e+00;
	v9 =	vld [tilespmem:s23+$0xE0D0];
	v0 =	vadd.f32 v0, v1  }
0x110: {  	s22 =	simm.s32 $0x400;
	s21 =	simm.s32 $0x80;
	v12 =	vld [tilespmem:s23+$0xE0E0];
	v5 =	vadd.f32 v2, v1;
	v3 =	vadd.f32 v3, v1;
	v2 =	vimm.f32 $0.0e+00  }
.LBB2_17:
0x111: {  	p0 =	sne.s32 s22, $0x6E00;
	v13 =	vld [tilespmem:s21+$0xE0F0];
	v1 =	vadd.f32 v11, v1  }
0x112: {  	v14 =	vld [tilespmem:s21+$0xE080];
	v6 =	vadd.f32 v10, v6  }
0x113: {  	v15 =	vld [tilespmem:s21+$0xE090];
	v8 =	vadd.f32 v7, v8  }
.Ltmp7:
0x114: {  	v11 =	vld [tilespmem:s21+$0xE0A0];
	v4 =	vadd.f32 v9, v4;
	(pc) =	sbr.rel @p0 .LBB2_17-.Ltmp7, $4  }
0x115: {  	v10 =	vld [tilespmem:s21+$0xE0B0];
	v2 =	vadd.f32 v12, v2  }
0x116: {  	v7 =	vld [tilespmem:s21+$0xE0C0];
	v0 =	vadd.f32 v13, v0  }
0x117: {  	v5 =	vadd.f32 v14, v5;
	v9 =	vld [tilespmem:s21+$0xE0D0]  }
0x118: {  	v3 =	vadd.f32 v15, v3;
	v12 =	vld [tilespmem:s21+$0xE0E0];
	s21 =	sshra.s32 s22, $0x2;
	s22 =	sadd.s32 $0x200, s22  }
0x119: {  	v14 =	vld [tilespmem:s21+$0xE080]  }
0x11a: {  	v15 =	vld [tilespmem:s21+$0xE090]  }
0x11b: {  	v16 =	vld [tilespmem:s21+$0xE0A0]  }
0x11c: {  	v17 =	vld [tilespmem:s21+$0xE0B0]  }
0x11d: {  	v18 =	vld [tilespmem:s21+$0xE0C0]  }
0x11e: {  	v1 =	vadd.f32 v11, v1;
	v59 =	vld [tilespmem:s21+$0xE0D0];
	v5 =	vadd.f32 v14, v5  }
0x11f: {  	v13 =	vld [tilespmem:s21+$0xE0F0];
	v6 =	vadd.f32 v10, v6;
	v3 =	vadd.f32 v15, v3  }
0x120: {  	v60 =	vld [tilespmem:s21+$0xE0E0];
	v7 =	vadd.f32 v7, v8;
	v1 =	vadd.f32 v16, v1;
	[tilespmem:s20+$0x14000] =	vst v5  }
0x121: {  	s19 =	sadd.s32 $0x1, s19;
	v4 =	vadd.f32 v9, v4;
	v61 =	vadd.f32 v17, v6;
	[tilespmem:s20+$0x14010] =	vst v3  }
0x122: {  	p0 =	sne.s32 s19, $0x10;
	v62 =	vadd.f32 v18, v7;
	[tilespmem:s20+$0x14020] =	vst v1  }
.Ltmp8:
0x123: {  	v2 =	vadd.f32 v12, v2;
	v63 =	vadd.f32 v59, v4;
	[tilespmem:s20+$0x14030] =	vst v61;
	(pc) =	sbr.rel @p0 .LBB2_2-.Ltmp8, $4  }
0x124: {  	v0 =	vadd.f32 v13, v0;
	[tilespmem:s20+$0x14040] =	vst v62  }
0x125: {  	v2 =	vadd.f32 v60, v2;
	[tilespmem:s20+$0x14050] =	vst v63  }
0x126: {  	[tilespmem:s20+$0x14070] =	vst v0  }
0x127: {  	[tilespmem:s20+$0x14060] =	vst v2  }
0x128: {  	s19 =	simm.s32 $0x0  }
0x129: {  	[hbm4b:s8+s19] =	stream.linear.scatter [tilespmem:s17], [sflag:$0x2], $0x4000, $0x38;
	[tilespmem:$0x17C80] =	vst v63  }
0x12a: {  	_ =	swait.ge [sflag:s12], $0x4000  }
0x12b: {  	[sflag:s12] =	ssyncset.done $0x0  }
0x12c: {  	[sflag:s12] =	ssyncadd.s32 $0xFFFFC000  }
0x12d: {  	[tilespmem:s15], [sflag:$0x1] =	stream.indirect.gather [hbm4b:s4+s14], $0x80, s13, s14, $0xb8;
	[tilespmem:$0x17C80] =	vst v63  }
0x12e: {  	_ =	swait.ge [sflag:s16], $0x4000  }
0x12f: {  	[sflag:s16] =	ssyncset.done $0x0  }
0x130: {  	[sflag:s16] =	ssyncadd.s32 $0xFFFFC000  }
0x131: {  	[hbm4b:s9+s19] =	stream.linear.scatter [tilespmem:s15], [sflag:$0x2], $0x4000, $0x38;
	[tilespmem:$0x17C80] =	vst v63  }
0x132: {  	_ =	swait.ge [sflag:s12], $0x4000  }
0x133: {  	[sflag:s12] =	ssyncset.done $0x0  }
0x134: {  	[sflag:s12] =	ssyncadd.s32 $0xFFFFC000  }
.LBB2_20:
0x135: {  	s22 =	simm.s32 $0x0  }
0x136: {  	v0 =	vld [tilespmem:s22+$0x1CF0]  }
0x137: {  	v1 =	vld [tilespmem:s22+$0x1C80]  }
0x138: {  	v3 =	vld [tilespmem:s22+$0x1C90]  }
0x139: {  	v12 =	vld [tilespmem:s22+$0x1CA0]  }
0x13a: {  	v10 =	vld [tilespmem:s22+$0x1CB0]  }
0x13b: {  	v2 =	vimm.f32 $0.0e+00;
	v6 =	vimm.f32 $0.0e+00;
	v5 =	vld [tilespmem:s22+$0x1CC0]  }
0x13c: {  	v7 =	vimm.f32 $0.0e+00;
	v8 =	vld [tilespmem:s22+$0x1CD0];
	v0 =	vadd.f32 v0, v2;
	v9 =	vadd.f32 v1, v2  }
0x13d: {  	s20 =	simm.s32 $0x80;
	s21 =	simm.s32 $0x400;
	v11 =	vld [tilespmem:s22+$0x1CE0];
	v4 =	vadd.f32 v3, v2;
	v3 =	vimm.f32 $0.0e+00;
	v1 =	vimm.f32 $0.0e+00  }
.LBB2_21:
0x13e: {  	p0 =	sne.s32 s21, $0x6E00;
	v13 =	vld [tilespmem:s20+$0x1CF0];
	v2 =	vadd.f32 v12, v2  }
0x13f: {  	v14 =	vld [tilespmem:s20+$0x1C80];
	v6 =	vadd.f32 v10, v6  }
0x140: {  	v15 =	vld [tilespmem:s20+$0x1C90];
	v7 =	vadd.f32 v5, v7  }
.Ltmp9:
0x141: {  	v12 =	vld [tilespmem:s20+$0x1CA0];
	v3 =	vadd.f32 v8, v3;
	(pc) =	sbr.rel @p0 .LBB2_21-.Ltmp9, $4  }
0x142: {  	v10 =	vld [tilespmem:s20+$0x1CB0];
	v1 =	vadd.f32 v11, v1  }
0x143: {  	v5 =	vld [tilespmem:s20+$0x1CC0];
	v0 =	vadd.f32 v13, v0  }
0x144: {  	v9 =	vadd.f32 v14, v9;
	v8 =	vld [tilespmem:s20+$0x1CD0]  }
0x145: {  	v4 =	vadd.f32 v15, v4;
	v11 =	vld [tilespmem:s20+$0x1CE0];
	s20 =	sshra.s32 s21, $0x2;
	s21 =	sadd.s32 $0x200, s21  }
0x146: {  	v13 =	vld [tilespmem:s20+$0x1CF0]  }
0x147: {  	v14 =	vld [tilespmem:s20+$0x1C80]  }
0x148: {  	v15 =	vld [tilespmem:s20+$0x1C90]  }
0x149: {  	v16 =	vld [tilespmem:s20+$0x1CA0]  }
0x14a: {  	v17 =	vld [tilespmem:s20+$0x1CB0]  }
0x14b: {  	v18 =	vld [tilespmem:s20+$0x1CC0];
	v2 =	vadd.f32 v12, v2  }
0x14c: {  	s21 =	sshll.u32 s19, $0xA;
	v6 =	vadd.f32 v10, v6;
	v10 =	vld [tilespmem:s20+$0x1CE0];
	v9 =	vadd.f32 v14, v9  }
0x14d: {  	v12 =	vld [tilespmem:s20+$0x1CD0];
	s20 =	sand.u32 $0x3FFFFC00, s21;
	v4 =	vadd.f32 v15, v4  }
0x14e: {  	v2 =	vadd.f32 v16, v2;
	[tilespmem:s20+$0x13C80] =	vst v9  }
0x14f: {  	v1 =	vadd.f32 v11, v1;
	v6 =	vadd.f32 v17, v6;
	[tilespmem:s20+$0x13C90] =	vst v4  }
0x150: {  	v5 =	vadd.f32 v5, v7;
	v0 =	vadd.f32 v13, v0;
	[tilespmem:s20+$0x13CA0] =	vst v2  }
0x151: {  	v3 =	vadd.f32 v8, v3;
	v1 =	vadd.f32 v10, v1;
	[tilespmem:s20+$0x13CB0] =	vst v6  }
0x152: {  	v4 =	vadd.f32 v18, v5;
	[tilespmem:s20+$0x13CF0] =	vst v0  }
0x153: {  	v2 =	vadd.f32 v12, v3;
	[tilespmem:s20+$0x13CE0] =	vst v1  }
0x154: {  	[tilespmem:s20+$0x13CC0] =	vst v4  }
0x155: {  	s23 =	simm.s32 $0x0;
	[tilespmem:s20+$0x13CD0] =	vst v2  }
0x156: {  	v0 =	vld [tilespmem:s23+$0x38F0]  }
0x157: {  	v2 =	vld [tilespmem:s23+$0x3880]  }
0x158: {  	v3 =	vld [tilespmem:s23+$0x3890]  }
0x159: {  	v11 =	vld [tilespmem:s23+$0x38A0]  }
0x15a: {  	v10 =	vld [tilespmem:s23+$0x38B0]  }
0x15b: {  	v8 =	vimm.f32 $0.0e+00;
	v1 =	vimm.f32 $0.0e+00;
	v7 =	vld [tilespmem:s23+$0x38C0]  }
0x15c: {  	v6 =	vimm.f32 $0.0e+00;
	v4 =	vimm.f32 $0.0e+00;
	v9 =	vld [tilespmem:s23+$0x38D0];
	v0 =	vadd.f32 v0, v1  }
0x15d: {  	s22 =	simm.s32 $0x400;
	s21 =	simm.s32 $0x80;
	v12 =	vld [tilespmem:s23+$0x38E0];
	v5 =	vadd.f32 v2, v1;
	v3 =	vadd.f32 v3, v1;
	v2 =	vimm.f32 $0.0e+00  }
.LBB2_23:
0x15e: {  	p0 =	sne.s32 s22, $0x6E00;
	v13 =	vld [tilespmem:s21+$0x38F0];
	v1 =	vadd.f32 v11, v1  }
0x15f: {  	v14 =	vld [tilespmem:s21+$0x3880];
	v6 =	vadd.f32 v10, v6  }
0x160: {  	v15 =	vld [tilespmem:s21+$0x3890];
	v8 =	vadd.f32 v7, v8  }
.Ltmp10:
0x161: {  	v11 =	vld [tilespmem:s21+$0x38A0];
	v4 =	vadd.f32 v9, v4;
	(pc) =	sbr.rel @p0 .LBB2_23-.Ltmp10, $4  }
0x162: {  	v10 =	vld [tilespmem:s21+$0x38B0];
	v2 =	vadd.f32 v12, v2  }
0x163: {  	v7 =	vld [tilespmem:s21+$0x38C0];
	v0 =	vadd.f32 v13, v0  }
0x164: {  	v5 =	vadd.f32 v14, v5;
	v9 =	vld [tilespmem:s21+$0x38D0]  }
0x165: {  	v3 =	vadd.f32 v15, v3;
	v12 =	vld [tilespmem:s21+$0x38E0];
	s21 =	sshra.s32 s22, $0x2;
	s22 =	sadd.s32 $0x200, s22  }
0x166: {  	v14 =	vld [tilespmem:s21+$0x3880]  }
0x167: {  	v15 =	vld [tilespmem:s21+$0x3890]  }
0x168: {  	v16 =	vld [tilespmem:s21+$0x38A0]  }
0x169: {  	v13 =	vld [tilespmem:s21+$0x38F0]  }
0x16a: {  	v6 =	vadd.f32 v10, v6;
	v10 =	vld [tilespmem:s21+$0x38E0]  }
0x16b: {  	v17 =	vld [tilespmem:s21+$0x38B0];
	v1 =	vadd.f32 v11, v1;
	v5 =	vadd.f32 v14, v5  }
0x16c: {  	v18 =	vld [tilespmem:s21+$0x38C0];
	v3 =	vadd.f32 v15, v3  }
0x16d: {  	v11 =	vld [tilespmem:s21+$0x38D0];
	v2 =	vadd.f32 v12, v2;
	v1 =	vadd.f32 v16, v1;
	[tilespmem:s20+$0x13D00] =	vst v5  }
0x16e: {  	v0 =	vadd.f32 v13, v0;
	[tilespmem:s20+$0x13D10] =	vst v3  }
0x16f: {  	v7 =	vadd.f32 v7, v8;
	v2 =	vadd.f32 v10, v2;
	[tilespmem:s20+$0x13D20] =	vst v1  }
0x170: {  	v4 =	vadd.f32 v9, v4;
	v5 =	vadd.f32 v17, v6;
	[tilespmem:s20+$0x13D70] =	vst v0  }
0x171: {  	v3 =	vadd.f32 v18, v7;
	[tilespmem:s20+$0x13D60] =	vst v2  }
0x172: {  	v1 =	vadd.f32 v11, v4;
	[tilespmem:s20+$0x13D30] =	vst v5  }
0x173: {  	[tilespmem:s20+$0x13D40] =	vst v3  }
0x174: {  	s23 =	simm.s32 $0x0;
	[tilespmem:s20+$0x13D50] =	vst v1  }
0x175: {  	v0 =	vld [tilespmem:s23+$0x54F0]  }
0x176: {  	v2 =	vld [tilespmem:s23+$0x5480]  }
0x177: {  	v3 =	vld [tilespmem:s23+$0x5490]  }
0x178: {  	v11 =	vld [tilespmem:s23+$0x54A0]  }
0x179: {  	v10 =	vld [tilespmem:s23+$0x54B0]  }
0x17a: {  	v8 =	vimm.f32 $0.0e+00;
	v1 =	vimm.f32 $0.0e+00;
	v7 =	vld [tilespmem:s23+$0x54C0]  }
0x17b: {  	v6 =	vimm.f32 $0.0e+00;
	v4 =	vimm.f32 $0.0e+00;
	v9 =	vld [tilespmem:s23+$0x54D0];
	v0 =	vadd.f32 v0, v1  }
0x17c: {  	s22 =	simm.s32 $0x400;
	s21 =	simm.s32 $0x80;
	v12 =	vld [tilespmem:s23+$0x54E0];
	v5 =	vadd.f32 v2, v1;
	v3 =	vadd.f32 v3, v1;
	v2 =	vimm.f32 $0.0e+00  }
.LBB2_25:
0x17d: {  	p0 =	sne.s32 s22, $0x6E00;
	v13 =	vld [tilespmem:s21+$0x54F0];
	v1 =	vadd.f32 v11, v1  }
0x17e: {  	v14 =	vld [tilespmem:s21+$0x5480];
	v6 =	vadd.f32 v10, v6  }
0x17f: {  	v15 =	vld [tilespmem:s21+$0x5490];
	v8 =	vadd.f32 v7, v8  }
.Ltmp11:
0x180: {  	v11 =	vld [tilespmem:s21+$0x54A0];
	v4 =	vadd.f32 v9, v4;
	(pc) =	sbr.rel @p0 .LBB2_25-.Ltmp11, $4  }
0x181: {  	v10 =	vld [tilespmem:s21+$0x54B0];
	v2 =	vadd.f32 v12, v2  }
0x182: {  	v7 =	vld [tilespmem:s21+$0x54C0];
	v0 =	vadd.f32 v13, v0  }
0x183: {  	v5 =	vadd.f32 v14, v5;
	v9 =	vld [tilespmem:s21+$0x54D0]  }
0x184: {  	v3 =	vadd.f32 v15, v3;
	v12 =	vld [tilespmem:s21+$0x54E0];
	s21 =	sshra.s32 s22, $0x2;
	s22 =	sadd.s32 $0x200, s22  }
0x185: {  	v14 =	vld [tilespmem:s21+$0x5480]  }
0x186: {  	v15 =	vld [tilespmem:s21+$0x5490]  }
0x187: {  	v16 =	vld [tilespmem:s21+$0x54A0]  }
0x188: {  	v13 =	vld [tilespmem:s21+$0x54F0]  }
0x189: {  	v6 =	vadd.f32 v10, v6;
	v10 =	vld [tilespmem:s21+$0x54E0]  }
0x18a: {  	v17 =	vld [tilespmem:s21+$0x54B0];
	v1 =	vadd.f32 v11, v1;
	v5 =	vadd.f32 v14, v5  }
0x18b: {  	v18 =	vld [tilespmem:s21+$0x54C0];
	v3 =	vadd.f32 v15, v3  }
0x18c: {  	v11 =	vld [tilespmem:s21+$0x54D0];
	v2 =	vadd.f32 v12, v2;
	v1 =	vadd.f32 v16, v1;
	[tilespmem:s20+$0x13D80] =	vst v5  }
0x18d: {  	v0 =	vadd.f32 v13, v0;
	[tilespmem:s20+$0x13D90] =	vst v3  }
0x18e: {  	v7 =	vadd.f32 v7, v8;
	v2 =	vadd.f32 v10, v2;
	[tilespmem:s20+$0x13DA0] =	vst v1  }
0x18f: {  	v4 =	vadd.f32 v9, v4;
	v5 =	vadd.f32 v17, v6;
	[tilespmem:s20+$0x13DF0] =	vst v0  }
0x190: {  	v3 =	vadd.f32 v18, v7;
	[tilespmem:s20+$0x13DE0] =	vst v2  }
0x191: {  	v1 =	vadd.f32 v11, v4;
	[tilespmem:s20+$0x13DB0] =	vst v5  }
0x192: {  	[tilespmem:s20+$0x13DC0] =	vst v3  }
0x193: {  	s23 =	simm.s32 $0x0;
	[tilespmem:s20+$0x13DD0] =	vst v1  }
0x194: {  	v0 =	vld [tilespmem:s23+$0x70F0]  }
0x195: {  	v2 =	vld [tilespmem:s23+$0x7080]  }
0x196: {  	v3 =	vld [tilespmem:s23+$0x7090]  }
0x197: {  	v11 =	vld [tilespmem:s23+$0x70A0]  }
0x198: {  	v10 =	vld [tilespmem:s23+$0x70B0]  }
0x199: {  	v8 =	vimm.f32 $0.0e+00;
	v1 =	vimm.f32 $0.0e+00;
	v7 =	vld [tilespmem:s23+$0x70C0]  }
0x19a: {  	v6 =	vimm.f32 $0.0e+00;
	v4 =	vimm.f32 $0.0e+00;
	v9 =	vld [tilespmem:s23+$0x70D0];
	v0 =	vadd.f32 v0, v1  }
0x19b: {  	s22 =	simm.s32 $0x400;
	s21 =	simm.s32 $0x80;
	v12 =	vld [tilespmem:s23+$0x70E0];
	v5 =	vadd.f32 v2, v1;
	v3 =	vadd.f32 v3, v1;
	v2 =	vimm.f32 $0.0e+00  }
.LBB2_27:
0x19c: {  	p0 =	sne.s32 s22, $0x6E00;
	v13 =	vld [tilespmem:s21+$0x70F0];
	v1 =	vadd.f32 v11, v1  }
0x19d: {  	v14 =	vld [tilespmem:s21+$0x7080];
	v6 =	vadd.f32 v10, v6  }
0x19e: {  	v15 =	vld [tilespmem:s21+$0x7090];
	v8 =	vadd.f32 v7, v8  }
.Ltmp12:
0x19f: {  	v11 =	vld [tilespmem:s21+$0x70A0];
	v4 =	vadd.f32 v9, v4;
	(pc) =	sbr.rel @p0 .LBB2_27-.Ltmp12, $4  }
0x1a0: {  	v10 =	vld [tilespmem:s21+$0x70B0];
	v2 =	vadd.f32 v12, v2  }
0x1a1: {  	v7 =	vld [tilespmem:s21+$0x70C0];
	v0 =	vadd.f32 v13, v0  }
0x1a2: {  	v5 =	vadd.f32 v14, v5;
	v9 =	vld [tilespmem:s21+$0x70D0]  }
0x1a3: {  	v3 =	vadd.f32 v15, v3;
	v12 =	vld [tilespmem:s21+$0x70E0];
	s21 =	sshra.s32 s22, $0x2;
	s22 =	sadd.s32 $0x200, s22  }
0x1a4: {  	v14 =	vld [tilespmem:s21+$0x7080]  }
0x1a5: {  	v15 =	vld [tilespmem:s21+$0x7090]  }
0x1a6: {  	v16 =	vld [tilespmem:s21+$0x70A0]  }
0x1a7: {  	v13 =	vld [tilespmem:s21+$0x70F0]  }
0x1a8: {  	v6 =	vadd.f32 v10, v6;
	v10 =	vld [tilespmem:s21+$0x70E0]  }
0x1a9: {  	v17 =	vld [tilespmem:s21+$0x70B0];
	v1 =	vadd.f32 v11, v1;
	v5 =	vadd.f32 v14, v5  }
0x1aa: {  	v18 =	vld [tilespmem:s21+$0x70C0];
	v3 =	vadd.f32 v15, v3  }
0x1ab: {  	v11 =	vld [tilespmem:s21+$0x70D0];
	v2 =	vadd.f32 v12, v2;
	v1 =	vadd.f32 v16, v1;
	[tilespmem:s20+$0x13E00] =	vst v5  }
0x1ac: {  	v0 =	vadd.f32 v13, v0;
	[tilespmem:s20+$0x13E10] =	vst v3  }
0x1ad: {  	v7 =	vadd.f32 v7, v8;
	v2 =	vadd.f32 v10, v2;
	[tilespmem:s20+$0x13E20] =	vst v1  }
0x1ae: {  	v4 =	vadd.f32 v9, v4;
	v5 =	vadd.f32 v17, v6;
	[tilespmem:s20+$0x13E70] =	vst v0  }
0x1af: {  	v3 =	vadd.f32 v18, v7;
	[tilespmem:s20+$0x13E60] =	vst v2  }
0x1b0: {  	v1 =	vadd.f32 v11, v4;
	[tilespmem:s20+$0x13E30] =	vst v5  }
0x1b1: {  	[tilespmem:s20+$0x13E40] =	vst v3  }
0x1b2: {  	s23 =	simm.s32 $0x0;
	[tilespmem:s20+$0x13E50] =	vst v1  }
0x1b3: {  	v0 =	vld [tilespmem:s23+$0x8CF0]  }
0x1b4: {  	v2 =	vld [tilespmem:s23+$0x8C80]  }
0x1b5: {  	v3 =	vld [tilespmem:s23+$0x8C90]  }
0x1b6: {  	v11 =	vld [tilespmem:s23+$0x8CA0]  }
0x1b7: {  	v10 =	vld [tilespmem:s23+$0x8CB0]  }
0x1b8: {  	v8 =	vimm.f32 $0.0e+00;
	v1 =	vimm.f32 $0.0e+00;
	v7 =	vld [tilespmem:s23+$0x8CC0]  }
0x1b9: {  	v6 =	vimm.f32 $0.0e+00;
	v4 =	vimm.f32 $0.0e+00;
	v9 =	vld [tilespmem:s23+$0x8CD0];
	v0 =	vadd.f32 v0, v1  }
0x1ba: {  	s22 =	simm.s32 $0x400;
	s21 =	simm.s32 $0x80;
	v12 =	vld [tilespmem:s23+$0x8CE0];
	v5 =	vadd.f32 v2, v1;
	v3 =	vadd.f32 v3, v1;
	v2 =	vimm.f32 $0.0e+00  }
.LBB2_29:
0x1bb: {  	p0 =	sne.s32 s22, $0x6E00;
	v13 =	vld [tilespmem:s21+$0x8CF0];
	v1 =	vadd.f32 v11, v1  }
0x1bc: {  	v14 =	vld [tilespmem:s21+$0x8C80];
	v6 =	vadd.f32 v10, v6  }
0x1bd: {  	v15 =	vld [tilespmem:s21+$0x8C90];
	v8 =	vadd.f32 v7, v8  }
.Ltmp13:
0x1be: {  	v11 =	vld [tilespmem:s21+$0x8CA0];
	v4 =	vadd.f32 v9, v4;
	(pc) =	sbr.rel @p0 .LBB2_29-.Ltmp13, $4  }
0x1bf: {  	v10 =	vld [tilespmem:s21+$0x8CB0];
	v2 =	vadd.f32 v12, v2  }
0x1c0: {  	v7 =	vld [tilespmem:s21+$0x8CC0];
	v0 =	vadd.f32 v13, v0  }
0x1c1: {  	v5 =	vadd.f32 v14, v5;
	v9 =	vld [tilespmem:s21+$0x8CD0]  }
0x1c2: {  	v3 =	vadd.f32 v15, v3;
	v12 =	vld [tilespmem:s21+$0x8CE0];
	s21 =	sshra.s32 s22, $0x2;
	s22 =	sadd.s32 $0x200, s22  }
0x1c3: {  	v14 =	vld [tilespmem:s21+$0x8C80]  }
0x1c4: {  	v15 =	vld [tilespmem:s21+$0x8C90]  }
0x1c5: {  	v16 =	vld [tilespmem:s21+$0x8CA0]  }
0x1c6: {  	v13 =	vld [tilespmem:s21+$0x8CF0]  }
0x1c7: {  	v6 =	vadd.f32 v10, v6;
	v10 =	vld [tilespmem:s21+$0x8CE0]  }
0x1c8: {  	v17 =	vld [tilespmem:s21+$0x8CB0];
	v1 =	vadd.f32 v11, v1;
	v5 =	vadd.f32 v14, v5  }
0x1c9: {  	v18 =	vld [tilespmem:s21+$0x8CC0];
	v3 =	vadd.f32 v15, v3  }
0x1ca: {  	v11 =	vld [tilespmem:s21+$0x8CD0];
	v2 =	vadd.f32 v12, v2;
	v1 =	vadd.f32 v16, v1;
	[tilespmem:s20+$0x13E80] =	vst v5  }
0x1cb: {  	v0 =	vadd.f32 v13, v0;
	[tilespmem:s20+$0x13E90] =	vst v3  }
0x1cc: {  	v7 =	vadd.f32 v7, v8;
	v2 =	vadd.f32 v10, v2;
	[tilespmem:s20+$0x13EA0] =	vst v1  }
0x1cd: {  	v4 =	vadd.f32 v9, v4;
	v5 =	vadd.f32 v17, v6;
	[tilespmem:s20+$0x13EF0] =	vst v0  }
0x1ce: {  	v3 =	vadd.f32 v18, v7;
	[tilespmem:s20+$0x13EE0] =	vst v2  }
0x1cf: {  	v1 =	vadd.f32 v11, v4;
	[tilespmem:s20+$0x13EB0] =	vst v5  }
0x1d0: {  	[tilespmem:s20+$0x13EC0] =	vst v3  }
0x1d1: {  	s23 =	simm.s32 $0x0;
	[tilespmem:s20+$0x13ED0] =	vst v1  }
0x1d2: {  	v0 =	vld [tilespmem:s23+$0xA8F0]  }
0x1d3: {  	v2 =	vld [tilespmem:s23+$0xA880]  }
0x1d4: {  	v3 =	vld [tilespmem:s23+$0xA890]  }
0x1d5: {  	v11 =	vld [tilespmem:s23+$0xA8A0]  }
0x1d6: {  	v10 =	vld [tilespmem:s23+$0xA8B0]  }
0x1d7: {  	v8 =	vimm.f32 $0.0e+00;
	v1 =	vimm.f32 $0.0e+00;
	v7 =	vld [tilespmem:s23+$0xA8C0]  }
0x1d8: {  	v6 =	vimm.f32 $0.0e+00;
	v4 =	vimm.f32 $0.0e+00;
	v9 =	vld [tilespmem:s23+$0xA8D0];
	v0 =	vadd.f32 v0, v1  }
0x1d9: {  	s22 =	simm.s32 $0x400;
	s21 =	simm.s32 $0x80;
	v12 =	vld [tilespmem:s23+$0xA8E0];
	v5 =	vadd.f32 v2, v1;
	v3 =	vadd.f32 v3, v1;
	v2 =	vimm.f32 $0.0e+00  }
.LBB2_31:
0x1da: {  	p0 =	sne.s32 s22, $0x6E00;
	v13 =	vld [tilespmem:s21+$0xA8F0];
	v1 =	vadd.f32 v11, v1  }
0x1db: {  	v14 =	vld [tilespmem:s21+$0xA880];
	v6 =	vadd.f32 v10, v6  }
0x1dc: {  	v15 =	vld [tilespmem:s21+$0xA890];
	v8 =	vadd.f32 v7, v8  }
.Ltmp14:
0x1dd: {  	v11 =	vld [tilespmem:s21+$0xA8A0];
	v4 =	vadd.f32 v9, v4;
	(pc) =	sbr.rel @p0 .LBB2_31-.Ltmp14, $4  }
0x1de: {  	v10 =	vld [tilespmem:s21+$0xA8B0];
	v2 =	vadd.f32 v12, v2  }
0x1df: {  	v7 =	vld [tilespmem:s21+$0xA8C0];
	v0 =	vadd.f32 v13, v0  }
0x1e0: {  	v5 =	vadd.f32 v14, v5;
	v9 =	vld [tilespmem:s21+$0xA8D0]  }
0x1e1: {  	v3 =	vadd.f32 v15, v3;
	v12 =	vld [tilespmem:s21+$0xA8E0];
	s21 =	sshra.s32 s22, $0x2;
	s22 =	sadd.s32 $0x200, s22  }
0x1e2: {  	v14 =	vld [tilespmem:s21+$0xA880]  }
0x1e3: {  	v15 =	vld [tilespmem:s21+$0xA890]  }
0x1e4: {  	v16 =	vld [tilespmem:s21+$0xA8A0]  }
0x1e5: {  	v13 =	vld [tilespmem:s21+$0xA8F0]  }
0x1e6: {  	v6 =	vadd.f32 v10, v6;
	v10 =	vld [tilespmem:s21+$0xA8E0]  }
0x1e7: {  	v17 =	vld [tilespmem:s21+$0xA8B0];
	v1 =	vadd.f32 v11, v1;
	v5 =	vadd.f32 v14, v5  }
0x1e8: {  	v18 =	vld [tilespmem:s21+$0xA8C0];
	v3 =	vadd.f32 v15, v3  }
0x1e9: {  	v11 =	vld [tilespmem:s21+$0xA8D0];
	v2 =	vadd.f32 v12, v2;
	v1 =	vadd.f32 v16, v1;
	[tilespmem:s20+$0x13F00] =	vst v5  }
0x1ea: {  	v0 =	vadd.f32 v13, v0;
	[tilespmem:s20+$0x13F10] =	vst v3  }
0x1eb: {  	v7 =	vadd.f32 v7, v8;
	v2 =	vadd.f32 v10, v2;
	[tilespmem:s20+$0x13F20] =	vst v1  }
0x1ec: {  	v4 =	vadd.f32 v9, v4;
	v5 =	vadd.f32 v17, v6;
	[tilespmem:s20+$0x13F70] =	vst v0  }
0x1ed: {  	v3 =	vadd.f32 v18, v7;
	[tilespmem:s20+$0x13F60] =	vst v2  }
0x1ee: {  	v1 =	vadd.f32 v11, v4;
	[tilespmem:s20+$0x13F30] =	vst v5  }
0x1ef: {  	[tilespmem:s20+$0x13F40] =	vst v3  }
0x1f0: {  	s23 =	simm.s32 $0x0;
	[tilespmem:s20+$0x13F50] =	vst v1  }
0x1f1: {  	v0 =	vld [tilespmem:s23+$0xC4F0]  }
0x1f2: {  	v2 =	vld [tilespmem:s23+$0xC480]  }
0x1f3: {  	v3 =	vld [tilespmem:s23+$0xC490]  }
0x1f4: {  	v11 =	vld [tilespmem:s23+$0xC4A0]  }
0x1f5: {  	v10 =	vld [tilespmem:s23+$0xC4B0]  }
0x1f6: {  	v8 =	vimm.f32 $0.0e+00;
	v1 =	vimm.f32 $0.0e+00;
	v7 =	vld [tilespmem:s23+$0xC4C0]  }
0x1f7: {  	v6 =	vimm.f32 $0.0e+00;
	v4 =	vimm.f32 $0.0e+00;
	v9 =	vld [tilespmem:s23+$0xC4D0];
	v0 =	vadd.f32 v0, v1  }
0x1f8: {  	s22 =	simm.s32 $0x400;
	s21 =	simm.s32 $0x80;
	v12 =	vld [tilespmem:s23+$0xC4E0];
	v5 =	vadd.f32 v2, v1;
	v3 =	vadd.f32 v3, v1;
	v2 =	vimm.f32 $0.0e+00  }
.LBB2_33:
0x1f9: {  	p0 =	sne.s32 s22, $0x6E00;
	v13 =	vld [tilespmem:s21+$0xC4F0];
	v1 =	vadd.f32 v11, v1  }
0x1fa: {  	v14 =	vld [tilespmem:s21+$0xC480];
	v6 =	vadd.f32 v10, v6  }
0x1fb: {  	v15 =	vld [tilespmem:s21+$0xC490];
	v8 =	vadd.f32 v7, v8  }
.Ltmp15:
0x1fc: {  	v11 =	vld [tilespmem:s21+$0xC4A0];
	v4 =	vadd.f32 v9, v4;
	(pc) =	sbr.rel @p0 .LBB2_33-.Ltmp15, $4  }
0x1fd: {  	v10 =	vld [tilespmem:s21+$0xC4B0];
	v2 =	vadd.f32 v12, v2  }
0x1fe: {  	v7 =	vld [tilespmem:s21+$0xC4C0];
	v0 =	vadd.f32 v13, v0  }
0x1ff: {  	v5 =	vadd.f32 v14, v5;
	v9 =	vld [tilespmem:s21+$0xC4D0]  }
0x200: {  	v3 =	vadd.f32 v15, v3;
	v12 =	vld [tilespmem:s21+$0xC4E0];
	s21 =	sshra.s32 s22, $0x2;
	s22 =	sadd.s32 $0x200, s22  }
0x201: {  	v14 =	vld [tilespmem:s21+$0xC480]  }
0x202: {  	v15 =	vld [tilespmem:s21+$0xC490]  }
0x203: {  	v16 =	vld [tilespmem:s21+$0xC4A0]  }
0x204: {  	v13 =	vld [tilespmem:s21+$0xC4F0]  }
0x205: {  	v6 =	vadd.f32 v10, v6;
	v10 =	vld [tilespmem:s21+$0xC4E0]  }
0x206: {  	v17 =	vld [tilespmem:s21+$0xC4B0];
	v1 =	vadd.f32 v11, v1;
	v5 =	vadd.f32 v14, v5  }
0x207: {  	v18 =	vld [tilespmem:s21+$0xC4C0];
	v3 =	vadd.f32 v15, v3  }
0x208: {  	v11 =	vld [tilespmem:s21+$0xC4D0];
	v2 =	vadd.f32 v12, v2;
	v1 =	vadd.f32 v16, v1;
	[tilespmem:s20+$0x13F80] =	vst v5  }
0x209: {  	v0 =	vadd.f32 v13, v0;
	[tilespmem:s20+$0x13F90] =	vst v3  }
0x20a: {  	v7 =	vadd.f32 v7, v8;
	v2 =	vadd.f32 v10, v2;
	[tilespmem:s20+$0x13FA0] =	vst v1  }
0x20b: {  	v4 =	vadd.f32 v9, v4;
	v5 =	vadd.f32 v17, v6;
	[tilespmem:s20+$0x13FF0] =	vst v0  }
0x20c: {  	v3 =	vadd.f32 v18, v7;
	[tilespmem:s20+$0x13FE0] =	vst v2  }
0x20d: {  	v1 =	vadd.f32 v11, v4;
	[tilespmem:s20+$0x13FB0] =	vst v5  }
0x20e: {  	[tilespmem:s20+$0x13FC0] =	vst v3  }
0x20f: {  	s23 =	simm.s32 $0x0;
	[tilespmem:s20+$0x13FD0] =	vst v1  }
0x210: {  	v0 =	vld [tilespmem:s23+$0xE0F0]  }
0x211: {  	v2 =	vld [tilespmem:s23+$0xE080]  }
0x212: {  	v3 =	vld [tilespmem:s23+$0xE090]  }
0x213: {  	v11 =	vld [tilespmem:s23+$0xE0A0]  }
0x214: {  	v10 =	vld [tilespmem:s23+$0xE0B0]  }
0x215: {  	v8 =	vimm.f32 $0.0e+00;
	v1 =	vimm.f32 $0.0e+00;
	v7 =	vld [tilespmem:s23+$0xE0C0]  }
0x216: {  	v6 =	vimm.f32 $0.0e+00;
	v4 =	vimm.f32 $0.0e+00;
	v9 =	vld [tilespmem:s23+$0xE0D0];
	v0 =	vadd.f32 v0, v1  }
0x217: {  	s22 =	simm.s32 $0x400;
	s21 =	simm.s32 $0x80;
	v12 =	vld [tilespmem:s23+$0xE0E0];
	v5 =	vadd.f32 v2, v1;
	v3 =	vadd.f32 v3, v1;
	v2 =	vimm.f32 $0.0e+00  }
.LBB2_35:
0x218: {  	p0 =	sne.s32 s22, $0x6E00;
	v13 =	vld [tilespmem:s21+$0xE0F0];
	v1 =	vadd.f32 v11, v1  }
0x219: {  	v14 =	vld [tilespmem:s21+$0xE080];
	v6 =	vadd.f32 v10, v6  }
0x21a: {  	v15 =	vld [tilespmem:s21+$0xE090];
	v8 =	vadd.f32 v7, v8  }
.Ltmp16:
0x21b: {  	v11 =	vld [tilespmem:s21+$0xE0A0];
	v4 =	vadd.f32 v9, v4;
	(pc) =	sbr.rel @p0 .LBB2_35-.Ltmp16, $4  }
0x21c: {  	v10 =	vld [tilespmem:s21+$0xE0B0];
	v2 =	vadd.f32 v12, v2  }
0x21d: {  	v7 =	vld [tilespmem:s21+$0xE0C0];
	v0 =	vadd.f32 v13, v0  }
0x21e: {  	v5 =	vadd.f32 v14, v5;
	v9 =	vld [tilespmem:s21+$0xE0D0]  }
0x21f: {  	v3 =	vadd.f32 v15, v3;
	v12 =	vld [tilespmem:s21+$0xE0E0];
	s21 =	sshra.s32 s22, $0x2;
	s22 =	sadd.s32 $0x200, s22  }
0x220: {  	v14 =	vld [tilespmem:s21+$0xE080]  }
0x221: {  	v15 =	vld [tilespmem:s21+$0xE090]  }
0x222: {  	v16 =	vld [tilespmem:s21+$0xE0A0]  }
0x223: {  	v17 =	vld [tilespmem:s21+$0xE0B0]  }
0x224: {  	v18 =	vld [tilespmem:s21+$0xE0C0]  }
0x225: {  	v1 =	vadd.f32 v11, v1;
	v59 =	vld [tilespmem:s21+$0xE0D0];
	v5 =	vadd.f32 v14, v5  }
0x226: {  	v13 =	vld [tilespmem:s21+$0xE0F0];
	v6 =	vadd.f32 v10, v6;
	v3 =	vadd.f32 v15, v3  }
0x227: {  	v60 =	vld [tilespmem:s21+$0xE0E0];
	v7 =	vadd.f32 v7, v8;
	v1 =	vadd.f32 v16, v1;
	[tilespmem:s20+$0x14000] =	vst v5  }
0x228: {  	s19 =	sadd.s32 $0x1, s19;
	v4 =	vadd.f32 v9, v4;
	v61 =	vadd.f32 v17, v6;
	[tilespmem:s20+$0x14010] =	vst v3  }
0x229: {  	p0 =	sne.s32 s19, $0x10;
	v62 =	vadd.f32 v18, v7;
	[tilespmem:s20+$0x14020] =	vst v1  }
.Ltmp17:
0x22a: {  	v2 =	vadd.f32 v12, v2;
	v63 =	vadd.f32 v59, v4;
	[tilespmem:s20+$0x14030] =	vst v61;
	(pc) =	sbr.rel @p0 .LBB2_20-.Ltmp17, $4  }
0x22b: {  	v0 =	vadd.f32 v13, v0;
	[tilespmem:s20+$0x14040] =	vst v62  }
0x22c: {  	v2 =	vadd.f32 v60, v2;
	[tilespmem:s20+$0x14050] =	vst v63  }
0x22d: {  	[tilespmem:s20+$0x14070] =	vst v0  }
0x22e: {  	[tilespmem:s20+$0x14060] =	vst v2  }
0x22f: {  	s18 =	sadd.s32 $0x1, s18  }
0x230: {  	p0 =	sne.s32 s18, s11  }
.Ltmp18:
0x231: {  	_ = 	snop;
	(pc) =	sbr.rel @p0 .LBB2_1-.Ltmp18, $4  }
0x232: {  	[hbm4b:s10+s2] =	stream.linear.scatter [tilespmem:s17], [sflag:$0x2], $0x4000, $0x38;
	[tilespmem:$0x17C80] =	vst v63  }
0x233: {  	_ =	swait.ge [sflag:s12], $0x4000  }
0x234: {  	[sflag:s12] =	ssyncset.done $0x0  }
0x235: {  	[sflag:s12] =	ssyncadd.s32 $0xFFFFC000  }
0x236: {  	_ =	sfence.sel $0x180000  }
0x237: {  	[bflag:$0x0] =	sbarrier.arrive $0xFFFF  }
0x238: {  	p0 =	sne.s32 s1, $0x0;
	_ =	strace $0x90000047  }
0x239: {  	s0 =	sadd.s32 @!p0 $0x100000, s0;
	[bflag:$0x2] =	sbarrier.arrive $0xFFFF  }
0x23a: {  	[sflag:s0] =	ssyncadd.tile.s32 @!p0 $0x1;
	_ =	shalt  }
.Lfunc_end2:
_tile_overlayer_lowered:
.L_overlay_start_2:
0x23b: {  	(tag) =	ssettag $0x2  }
0x23c: {  	s0 =	rddreg [dreg:$0x0];
	s2 =	stileid.u32  }
0x23d: {  	s1 =	rddreg [dreg:$0x1];
	p0 =	sne.s32 s2, $0x0  }
0x23e: {  	s3 =	rddreg [dreg:$0x2];
	[bflag:$0x3] =	sbarrier.arrive $0xFFFF;
	s2 =	simm.s32 @!p0 $0x1C02  }
0x23f: {  	[timem:s3], [sflag:s2] =	dma.local @!p0 [hbm:s0], s1  }
0x240: {  	s0 =	simm.s32 @!p0 $0x2  }
0x241: {  	_ =	swait.ge @!p0 [sflag:s0], s1  }
0x242: {  	s1 =	ssub.s32 @!p0 $0x0, s1;
	[sflag:s0] =	ssyncset.done @!p0 $0x0  }
0x243: {  	[sflag:s0] =	ssyncadd.s32 @!p0 s1  }
0x244: {  	[bflag:$0x3] =	sbarrier.arrive $0xFFFF  }
0x245: {  	_ =	shalt  }

</sc_bundles>
